<compile_context>
chip_gen: v7x
topology: tpu7x:2x2x1
jax: 0.10.2.dev20260603
libtpu: 0.0.44.dev20260713+nightly
codegen_flags: <defaults>
</compile_context>

<pallas_src>
import functools

import jax
import jax.numpy as jnp
import numpy as np
from jax import lax
from jax.experimental import pallas as pl
from jax.experimental.pallas import tpu as pltpu
from jax.experimental.pallas import tpu_sc as plsc

_B = 8
_C = 192
_H = 224
_W = 224
_ROWS = _B * _C
_K = 3

_RB = 48


def _sum_body(x_ref, o_ref):
    s2 = jnp.sum(x_ref[0], axis=2)
    o_ref[...] = jnp.sum(s2, axis=1, keepdims=True)


def _row_sums(x):
    cb = _C // _RB
    return pl.pallas_call(
        _sum_body,
        grid=(_B, cb),
        in_specs=[pl.BlockSpec((1, _RB, _H, _W), lambda b, c: (b, c, 0, 0))],
        out_specs=pl.BlockSpec((_RB, 1), lambda b, c: (b * cb + c, 0)),
        out_shape=jax.ShapeDtypeStruct((_ROWS, 1), jnp.float32),
    )(x)


_NEG = np.float32(-3.0e38)
_BIG = np.int32(1 << 30)
_INVN = np.float32(_H * _W)


def _bf16_round(v):
    u = plsc.bitcast(v, jnp.int32)
    r = (u + ((u >> 16) & 1) + np.int32(0x7FFF)) & np.int32(-65536)
    return plsc.bitcast(r, jnp.float32)


def _sc_body(sums_hbm, w_hbm, x_hbm, out_hbm, ypad, yc, wv, rows, sem):
    cid = lax.axis_index("c")
    sid = lax.axis_index("s")
    w = sid * 2 + cid

    @pl.when(w < _B * _K)
    def _work():
        b = w // _K
        kk = w % _K

        iota = lax.iota(jnp.int32, 16)
        pltpu.sync_copy(w_hbm, wv)
        w0 = wv[pl.ds(0, 16)]
        w1 = wv[pl.ds(16, 16)]
        w2 = wv[pl.ds(32, 16)]

        zero = jnp.zeros((16,), jnp.float32)
        ypad[pl.ds(0, 16)] = zero
        ypad[pl.ds(192, 16)] = zero
        pltpu.sync_copy(sums_hbm.at[pl.ds(b * _C, _C)], ypad.at[pl.ds(8, _C)])

        for i in range(_C // 16):
            base = i * 16
            a = plsc.load_gather(ypad, [iota + (base + 7)])
            m = plsc.load_gather(ypad, [iota + (base + 8)])
            z = plsc.load_gather(ypad, [iota + (base + 9)])
            a = _bf16_round(a / _INVN)
            m = _bf16_round(m / _INVN)
            z = _bf16_round(z / _INVN)
            yc[pl.ds(base, 16)] = w0 * a + w1 * m + w2 * z

        sel = [np.int32(-1), np.int32(-1), np.int32(-1)]
        for k in range(_K):
            best_v = _NEG
            best_i = _BIG
            for i in range(_C // 16):
                v = yc[pl.ds(i * 16, 16)]
                g = iota + i * 16
                excl = (g == sel[0]) | (g == sel[1]) | (g == sel[2])
                v = jnp.where(excl, _NEG, v)
                m = jnp.max(v)
                ci = jnp.min(jnp.where(v == m, g, _BIG))
                take = m > best_v
                best_v = jnp.where(take, m, best_v)
                best_i = jnp.where(take, ci, best_i)
            sel[k] = best_i

        pick = jnp.where(kk == 0, sel[0], jnp.where(kk == 1, sel[1], sel[2]))
        pltpu.sync_copy(x_hbm.at[b, pick], rows)
        pltpu.sync_copy(rows, out_hbm.at[b, kk])


@functools.cache
def _make_sc_call():
  return pl.kernel(
    _sc_body,
    out_type=jax.ShapeDtypeStruct((_B, _K, _H, _W), jnp.float32),
    mesh=plsc.VectorSubcoreMesh(core_axis_name="c", subcore_axis_name="s"),
    compiler_params=pltpu.CompilerParams(
        needs_layout_passes=False, use_tc_tiling_on_sc=True),
    scratch_types=[
        pltpu.VMEM((208,), jnp.float32),
        pltpu.VMEM((_C,), jnp.float32),
        pltpu.VMEM((48,), jnp.float32),
        pltpu.VMEM((_H, _W), jnp.float32),
        pltpu.SemaphoreType.DMA,
    ],
  )


def kernel(x, conv_w):
    sums = _row_sums(x).reshape(_ROWS)
    wb = conv_w.reshape(_K, 1).astype(jnp.bfloat16).astype(jnp.float32)
    wpad = jnp.broadcast_to(wb, (_K, 16)).reshape(_K * 16)
    return _make_sc_call()(sums, wpad, x)

# --- scband reference (transcript-rebuilt; emitter-appended) ---
"""Pipeline reference for scband-eca-layer-10960756539738 (READ-ONLY COPY).

The authoritative reference and input builder live on the scoring server;
editing this copy changes nothing except your own understanding.
"""

import jax, jax.numpy as jnp
import numpy as np


def setup_inputs(seed: int = 0) -> dict:
    key = jax.random.key(seed)
    k1, k2 = jax.random.split(key)
    x = jax.random.normal(k1, (8, 192, 224, 224), dtype=jnp.float32)
    # Conv1d(1, 1, kernel_size=3, padding=1, bias=False) weight: [out_ch=1, in_ch=1, k=3]
    conv_w = jax.random.normal(k2, (1, 1, 3), dtype=jnp.float32) * np.float32(1.0 / np.sqrt(3.0))
    return {"x": x, "conv_w": conv_w}


def reference(x, conv_w):
    # x: [B, C, H, W]
    b, c, h, w = x.shape
    # AdaptiveAvgPool2d(1) -> global average over spatial dims: [B, C]
    y = jnp.mean(x, axis=(2, 3))
    # squeeze(-1).transpose(-1,-2) -> [B, 1, C]; Conv1d over channel axis with padding=1
    yc = jax.lax.conv_general_dilated(
        y[:, None, :], conv_w,
        window_strides=(1,), padding=((1, 1),),
        dimension_numbers=("NCH", "OIH", "NCH"))
    # transpose back + unsqueeze(-1) is shape bookkeeping; attention scores per channel
    y_att = jax.nn.sigmoid(yc[:, 0, :])  # [B, C]
    # topk over channel dim (dim=1), k=3, largest, sorted
    values, indices = jax.lax.top_k(y_att, 3)  # [B, 3]
    # per-sample index_select along channel dim -> [B, 3, H, W]
    out = jnp.take_along_axis(x, indices[:, :, None, None], axis=1)
    return out

if __name__ == "__main__":
    import jax
    _d = setup_inputs()
    print(jax.jit(kernel)(*tuple(_d.values())))

</pallas_src>

<mosaic_0001>
#map = affine_map<(d0, d1) -> (0)>
#map1 = affine_map<(d0, d1) -> (0, 0, 0, 0)>
module attributes {stable_mosaic.version = 14 : i64} {
  func.func @_sc_body(%arg0: i32, %arg1: i32, %arg2: memref<1536xf32, #tpu.memory_space<hbm>>, %arg3: memref<48xf32, #tpu.memory_space<hbm>>, %arg4: memref<8x192x224x224xf32, #tpu.memory_space<hbm>>, %arg5: memref<8x3x224x224xf32, #tpu.memory_space<hbm>>, %arg6: memref<208xf32, #tpu.memory_space<vmem>>, %arg7: memref<192xf32, #tpu.memory_space<vmem>>, %arg8: memref<48xf32, #tpu.memory_space<vmem>>, %arg9: memref<224x224xf32, #tpu.memory_space<vmem>>, %arg10: memref<!tpu.dma_semaphore, #tpu.memory_space<semaphore_mem>>) attributes {dimension_semantics = [#tpu.dimension_semantics<core_parallel>, #tpu.dimension_semantics<subcore_parallel>], iteration_bounds = array<i64: 2, 16>, scalar_prefetch = 0 : i64, scratch_operands = 5 : i64, tpu.core_type = #tpu.core_type<sc_vector_subcore>, window_params = [{transform_indices = #map}, {transform_indices = #map}, {transform_indices = #map1}, {transform_indices = #map1}]} {
    %mul3A = arith.constant 2 : i32
    %mul3A_0 = arith.muli %arg1, %mul3A : i32
    %add3A = arith.addi %mul3A_0, %arg0 : i32
    %lt3A = arith.constant 24 : i32
    %lt3A_1 = arith.cmpi slt, %add3A, %lt3A : i32
    %convert_element_type3A = arith.extui %lt3A_1 : i1 to i32
    %cond3A = arith.constant 0 : i32
    %cond3A_2 = arith.cmpi ne, %convert_element_type3A, %cond3A : i32
    scf.if %cond3A_2 {
      %jit3A = arith.constant 3 : i32
      %div3A = arith.divsi %add3A, %jit3A : i32
      %sign3A = arith.constant 0 : i32
      %sign3A_3 = arith.cmpi sgt, %add3A, %sign3A : i32
      %sign3A_4 = arith.extui %sign3A_3 : i1 to i32
      %sign3A_5 = arith.constant 0 : i32
      %sign3A_6 = arith.cmpi slt, %add3A, %sign3A_5 : i32
      %sign3A_7 = arith.extui %sign3A_6 : i1 to i32
      %sign3A_8 = arith.subi %sign3A_4, %sign3A_7 : i32
      %sign3A_9 = arith.constant 0 : i32
      %sign3A_10 = arith.cmpi sgt, %jit3A, %sign3A_9 : i32
      %sign3A_11 = arith.extui %sign3A_10 : i1 to i32
      %sign3A_12 = arith.constant 0 : i32
      %sign3A_13 = arith.cmpi slt, %jit3A, %sign3A_12 : i32
      %sign3A_14 = arith.extui %sign3A_13 : i1 to i32
      %sign3A_15 = arith.subi %sign3A_11, %sign3A_14 : i32
      %ne3A = arith.cmpi ne, %sign3A_8, %sign3A_15 : i32
      %rem3A = arith.remsi %add3A, %jit3A : i32
      %ne3A_16 = arith.constant 0 : i32
      %ne3A_17 = arith.cmpi ne, %rem3A, %ne3A_16 : i32
      %and3A = arith.andi %ne3A, %ne3A_17 : i1
      %sub3A = arith.constant 1 : i32
      %sub3A_18 = arith.subi %div3A, %sub3A : i32
      %select_n3A = arith.select %and3A, %sub3A_18, %div3A : i32
      %jit3A_19 = arith.constant 3 : i32
      %eq3A = arith.constant 0 : i32
      %eq3A_20 = arith.cmpi eq, %jit3A_19, %eq3A : i32
      %jit3A_21 = arith.constant 1 : i32
      %select_n3A_22 = arith.select %eq3A_20, %jit3A_21, %jit3A_19 : i32
      %rem3A_23 = arith.remsi %add3A, %select_n3A_22 : i32
      %ne3A_24 = arith.constant 0 : i32
      %ne3A_25 = arith.cmpi ne, %rem3A_23, %ne3A_24 : i32
      %lt3A_26 = arith.constant 0 : i32
      %lt3A_27 = arith.cmpi slt, %rem3A_23, %lt3A_26 : i32
      %lt3A_28 = arith.constant 0 : i32
      %lt3A_29 = arith.cmpi slt, %select_n3A_22, %lt3A_28 : i32
      %ne3A_30 = arith.xori %lt3A_27, %lt3A_29 : i1
      %and3A_31 = arith.andi %ne3A_30, %ne3A_25 : i1
      %add3A_32 = arith.addi %rem3A_23, %select_n3A_22 : i32
      %select_n3A_33 = arith.select %and3A_31, %add3A_32, %rem3A_23 : i32
      %iota3A = tpu.iota {dimensions = array<i32: 0>} : vector<16xi32>
      "tpu.region"() ({
        %run_scoped3A = tpu.sem_alloc : memref<!tpu.dma_semaphore, #tpu.memory_space<semaphore_mem>>
        tpu.enqueue_dma source(%arg3 : memref<48xf32, #tpu.memory_space<hbm>>) target(%arg8 : memref<48xf32, #tpu.memory_space<vmem>>) target_semaphore(%run_scoped3A : memref<!tpu.dma_semaphore, #tpu.memory_space<semaphore_mem>>)
        tpu.wait_dma2 semaphore(%run_scoped3A : memref<!tpu.dma_semaphore, #tpu.memory_space<semaphore_mem>>) src(%arg3 : memref<48xf32, #tpu.memory_space<hbm>>) dst(%arg8 : memref<48xf32, #tpu.memory_space<vmem>>)
        tpu.yield
      }) : () -> ()
      %get3A = arith.constant 0 : index
      %get3A_34 = tpu.vector_load %arg8[%get3A] {strides = array<i32>} : memref<48xf32, #tpu.memory_space<vmem>>, vector<16xf32>,
      %get3A_35 = arith.constant 16 : index
      %get3A_36 = tpu.vector_load %arg8[%get3A_35] {strides = array<i32>} : memref<48xf32, #tpu.memory_space<vmem>>, vector<16xf32>,
      %get3A_37 = arith.constant 32 : index
      %get3A_38 = tpu.vector_load %arg8[%get3A_37] {strides = array<i32>} : memref<48xf32, #tpu.memory_space<vmem>>, vector<16xf32>,
      %broadcast_in_dim3A = arith.constant 0.000000e+00 : f32
      %broadcast_in_dim3A_39 = vector.broadcast %broadcast_in_dim3A : f32 to vector<16xf32>
      %swap3A = arith.constant 0 : index
      %swap3A_40 = tpu.vector_load %arg6[%swap3A] {strides = array<i32>} : memref<208xf32, #tpu.memory_space<vmem>>, vector<16xf32>,
      tpu.vector_store %arg6[%swap3A], %broadcast_in_dim3A_39 {strides = array<i32>} : memref<208xf32, #tpu.memory_space<vmem>>, vector<16xf32>,
      %swap3A_41 = arith.constant 192 : index
      %swap3A_42 = tpu.vector_load %arg6[%swap3A_41] {strides = array<i32>} : memref<208xf32, #tpu.memory_space<vmem>>, vector<16xf32>,
      tpu.vector_store %arg6[%swap3A_41], %broadcast_in_dim3A_39 {strides = array<i32>} : memref<208xf32, #tpu.memory_space<vmem>>, vector<16xf32>,
      %mul3A_43 = arith.constant 192 : i32
      %mul3A_44 = arith.muli %select_n3A, %mul3A_43 : i32
      "tpu.region"() ({
        %run_scoped3A = tpu.sem_alloc : memref<!tpu.dma_semaphore, #tpu.memory_space<semaphore_mem>>
        %dma_start3A = arith.constant 8 : i32
        %dma_start3A_2297 = tpu.memref_slice %arg6[%dma_start3A] : memref<208xf32, #tpu.memory_space<vmem>> -> memref<192xf32, #tpu.memory_space<vmem>>
        %dma_start3A_2298 = tpu.memref_slice %arg2[%mul3A_44] : memref<1536xf32, #tpu.memory_space<hbm>> -> memref<192xf32, #tpu.memory_space<hbm>>
        %dma_start3A_2299 = arith.constant 8 : i32
        %dma_start3A_2300 = tpu.memref_slice %arg6[%dma_start3A_2299] : memref<208xf32, #tpu.memory_space<vmem>> -> memref<192xf32, #tpu.memory_space<vmem>>
        %dma_start3A_2301 = tpu.memref_slice %arg2[%mul3A_44] : memref<1536xf32, #tpu.memory_space<hbm>> -> memref<192xf32, #tpu.memory_space<hbm>>
        tpu.enqueue_dma source(%dma_start3A_2301 : memref<192xf32, #tpu.memory_space<hbm>>) target(%dma_start3A_2300 : memref<192xf32, #tpu.memory_space<vmem>>) target_semaphore(%run_scoped3A : memref<!tpu.dma_semaphore, #tpu.memory_space<semaphore_mem>>)
        %dma_wait3A = arith.constant 8 : i32
        %dma_wait3A_2302 = tpu.memref_slice %arg6[%dma_wait3A] : memref<208xf32, #tpu.memory_space<vmem>> -> memref<192xf32, #tpu.memory_space<vmem>>
        %dma_wait3A_2303 = tpu.memref_slice %arg2[%mul3A_44] : memref<1536xf32, #tpu.memory_space<hbm>> -> memref<192xf32, #tpu.memory_space<hbm>>
        %dma_wait3A_2304 = arith.constant 8 : i32
        %dma_wait3A_2305 = tpu.memref_slice %arg6[%dma_wait3A_2304] : memref<208xf32, #tpu.memory_space<vmem>> -> memref<192xf32, #tpu.memory_space<vmem>>
        %dma_wait3A_2306 = tpu.memref_slice %arg2[%mul3A_44] : memref<1536xf32, #tpu.memory_space<hbm>> -> memref<192xf32, #tpu.memory_space<hbm>>
        tpu.wait_dma2 semaphore(%run_scoped3A : memref<!tpu.dma_semaphore, #tpu.memory_space<semaphore_mem>>) src(%dma_wait3A_2306 : memref<192xf32, #tpu.memory_space<hbm>>) dst(%dma_wait3A_2305 : memref<192xf32, #tpu.memory_space<vmem>>)
        tpu.yield
      }) : () -> ()
      %add3A_45 = arith.constant 7 : i32
      %add3A_46 = vector.broadcast %add3A_45 : i32 to vector<16xi32>
      %add3A_47 = arith.addi %iota3A, %add3A_46 : vector<16xi32>
      %gather3A = tpu.vector_load_idx %arg6[%add3A_47] : memref<208xf32, #tpu.memory_space<vmem>>[vector<16xi32>], vector<16xf32>,
      %add3A_48 = arith.constant 8 : i32
      %add3A_49 = vector.broadcast %add3A_48 : i32 to vector<16xi32>
      %add3A_50 = arith.addi %iota3A, %add3A_49 : vector<16xi32>
      %gather3A_51 = tpu.vector_load_idx %arg6[%add3A_50] : memref<208xf32, #tpu.memory_space<vmem>>[vector<16xi32>], vector<16xf32>,
      %add3A_52 = arith.constant 9 : i32
      %add3A_53 = vector.broadcast %add3A_52 : i32 to vector<16xi32>
      %add3A_54 = arith.addi %iota3A, %add3A_53 : vector<16xi32>
      %gather3A_55 = tpu.vector_load_idx %arg6[%add3A_54] : memref<208xf32, #tpu.memory_space<vmem>>[vector<16xi32>], vector<16xf32>,
      %div3A_56 = arith.constant 5.017600e+04 : f32
      %div3A_57 = vector.broadcast %div3A_56 : f32 to vector<16xf32>
      %div3A_58 = arith.divf %gather3A, %div3A_57 : vector<16xf32>
      %bitcast3A = vector.bitcast %div3A_58 : vector<16xf32> to vector<16xi32>
      %shift_right_arithmetic3A = arith.constant 16 : i32
      %shift_right_arithmetic3A_59 = vector.broadcast %shift_right_arithmetic3A : i32 to vector<16xi32>
      %shift_right_arithmetic3A_60 = arith.shrsi %bitcast3A, %shift_right_arithmetic3A_59 : vector<16xi32>
      %and3A_61 = arith.constant 1 : i32
      %and3A_62 = vector.broadcast %and3A_61 : i32 to vector<16xi32>
      %and3A_63 = arith.andi %shift_right_arithmetic3A_60, %and3A_62 : vector<16xi32>
      %add3A_64 = arith.addi %bitcast3A, %and3A_63 : vector<16xi32>
      %add3A_65 = arith.constant 32767 : i32
      %add3A_66 = vector.broadcast %add3A_65 : i32 to vector<16xi32>
      %add3A_67 = arith.addi %add3A_64, %add3A_66 : vector<16xi32>
      %and3A_68 = arith.constant -65536 : i32
      %and3A_69 = vector.broadcast %and3A_68 : i32 to vector<16xi32>
      %and3A_70 = arith.andi %add3A_67, %and3A_69 : vector<16xi32>
      %bitcast3A_71 = vector.bitcast %and3A_70 : vector<16xi32> to vector<16xf32>
      %div3A_72 = arith.constant 5.017600e+04 : f32
      %div3A_73 = vector.broadcast %div3A_72 : f32 to vector<16xf32>
      %div3A_74 = arith.divf %gather3A_51, %div3A_73 : vector<16xf32>
      %bitcast3A_75 = vector.bitcast %div3A_74 : vector<16xf32> to vector<16xi32>
      %shift_right_arithmetic3A_76 = arith.constant 16 : i32
      %shift_right_arithmetic3A_77 = vector.broadcast %shift_right_arithmetic3A_76 : i32 to vector<16xi32>
      %shift_right_arithmetic3A_78 = arith.shrsi %bitcast3A_75, %shift_right_arithmetic3A_77 : vector<16xi32>
      %and3A_79 = arith.constant 1 : i32
      %and3A_80 = vector.broadcast %and3A_79 : i32 to vector<16xi32>
      %and3A_81 = arith.andi %shift_right_arithmetic3A_78, %and3A_80 : vector<16xi32>
      %add3A_82 = arith.addi %bitcast3A_75, %and3A_81 : vector<16xi32>
      %add3A_83 = arith.constant 32767 : i32
      %add3A_84 = vector.broadcast %add3A_83 : i32 to vector<16xi32>
      %add3A_85 = arith.addi %add3A_82, %add3A_84 : vector<16xi32>
      %and3A_86 = arith.constant -65536 : i32
      %and3A_87 = vector.broadcast %and3A_86 : i32 to vector<16xi32>
      %and3A_88 = arith.andi %add3A_85, %and3A_87 : vector<16xi32>
      %bitcast3A_89 = vector.bitcast %and3A_88 : vector<16xi32> to vector<16xf32>
      %div3A_90 = arith.constant 5.017600e+04 : f32
      %div3A_91 = vector.broadcast %div3A_90 : f32 to vector<16xf32>
      %div3A_92 = arith.divf %gather3A_55, %div3A_91 : vector<16xf32>
      %bitcast3A_93 = vector.bitcast %div3A_92 : vector<16xf32> to vector<16xi32>
      %shift_right_arithmetic3A_94 = arith.constant 16 : i32
      %shift_right_arithmetic3A_95 = vector.broadcast %shift_right_arithmetic3A_94 : i32 to vector<16xi32>
      %shift_right_arithmetic3A_96 = arith.shrsi %bitcast3A_93, %shift_right_arithmetic3A_95 : vector<16xi32>
      %and3A_97 = arith.constant 1 : i32
      %and3A_98 = vector.broadcast %and3A_97 : i32 to vector<16xi32>
      %and3A_99 = arith.andi %shift_right_arithmetic3A_96, %and3A_98 : vector<16xi32>
      %add3A_100 = arith.addi %bitcast3A_93, %and3A_99 : vector<16xi32>
      %add3A_101 = arith.constant 32767 : i32
      %add3A_102 = vector.broadcast %add3A_101 : i32 to vector<16xi32>
      %add3A_103 = arith.addi %add3A_100, %add3A_102 : vector<16xi32>
      %and3A_104 = arith.constant -65536 : i32
      %and3A_105 = vector.broadcast %and3A_104 : i32 to vector<16xi32>
      %and3A_106 = arith.andi %add3A_103, %and3A_105 : vector<16xi32>
      %bitcast3A_107 = vector.bitcast %and3A_106 : vector<16xi32> to vector<16xf32>
      %mul3A_108 = arith.mulf %get3A_34, %bitcast3A_71 : vector<16xf32>
      %mul3A_109 = arith.mulf %get3A_36, %bitcast3A_89 : vector<16xf32>
      %add3A_110 = arith.addf %mul3A_108, %mul3A_109 : vector<16xf32>
      %mul3A_111 = arith.mulf %get3A_38, %bitcast3A_107 : vector<16xf32>
      %add3A_112 = arith.addf %add3A_110, %mul3A_111 : vector<16xf32>
      %swap3A_113 = arith.constant 0 : index
      %swap3A_114 = tpu.vector_load %arg7[%swap3A_113] {strides = array<i32>} : memref<192xf32, #tpu.memory_space<vmem>>, vector<16xf32>,
      tpu.vector_store %arg7[%swap3A_113], %add3A_112 {strides = array<i32>} : memref<192xf32, #tpu.memory_space<vmem>>, vector<16xf32>,
      %add3A_115 = arith.constant 23 : i32
      %add3A_116 = vector.broadcast %add3A_115 : i32 to vector<16xi32>
      %add3A_117 = arith.addi %iota3A, %add3A_116 : vector<16xi32>
      %gather3A_118 = tpu.vector_load_idx %arg6[%add3A_117] : memref<208xf32, #tpu.memory_space<vmem>>[vector<16xi32>], vector<16xf32>,
      %add3A_119 = arith.constant 24 : i32
      %add3A_120 = vector.broadcast %add3A_119 : i32 to vector<16xi32>
      %add3A_121 = arith.addi %iota3A, %add3A_120 : vector<16xi32>
      %gather3A_122 = tpu.vector_load_idx %arg6[%add3A_121] : memref<208xf32, #tpu.memory_space<vmem>>[vector<16xi32>], vector<16xf32>,
      %add3A_123 = arith.constant 25 : i32
      %add3A_124 = vector.broadcast %add3A_123 : i32 to vector<16xi32>
      %add3A_125 = arith.addi %iota3A, %add3A_124 : vector<16xi32>
      %gather3A_126 = tpu.vector_load_idx %arg6[%add3A_125] : memref<208xf32, #tpu.memory_space<vmem>>[vector<16xi32>], vector<16xf32>,
      %div3A_127 = arith.constant 5.017600e+04 : f32
      %div3A_128 = vector.broadcast %div3A_127 : f32 to vector<16xf32>
      %div3A_129 = arith.divf %gather3A_118, %div3A_128 : vector<16xf32>
      %bitcast3A_130 = vector.bitcast %div3A_129 : vector<16xf32> to vector<16xi32>
      %shift_right_arithmetic3A_131 = arith.constant 16 : i32
      %shift_right_arithmetic3A_132 = vector.broadcast %shift_right_arithmetic3A_131 : i32 to vector<16xi32>
      %shift_right_arithmetic3A_133 = arith.shrsi %bitcast3A_130, %shift_right_arithmetic3A_132 : vector<16xi32>
      %and3A_134 = arith.constant 1 : i32
      %and3A_135 = vector.broadcast %and3A_134 : i32 to vector<16xi32>
      %and3A_136 = arith.andi %shift_right_arithmetic3A_133, %and3A_135 : vector<16xi32>
      %add3A_137 = arith.addi %bitcast3A_130, %and3A_136 : vector<16xi32>
      %add3A_138 = arith.constant 32767 : i32
      %add3A_139 = vector.broadcast %add3A_138 : i32 to vector<16xi32>
      %add3A_140 = arith.addi %add3A_137, %add3A_139 : vector<16xi32>
      %and3A_141 = arith.constant -65536 : i32
      %and3A_142 = vector.broadcast %and3A_141 : i32 to vector<16xi32>
      %and3A_143 = arith.andi %add3A_140, %and3A_142 : vector<16xi32>
      %bitcast3A_144 = vector.bitcast %and3A_143 : vector<16xi32> to vector<16xf32>
      %div3A_145 = arith.constant 5.017600e+04 : f32
      %div3A_146 = vector.broadcast %div3A_145 : f32 to vector<16xf32>
      %div3A_147 = arith.divf %gather3A_122, %div3A_146 : vector<16xf32>
      %bitcast3A_148 = vector.bitcast %div3A_147 : vector<16xf32> to vector<16xi32>
      %shift_right_arithmetic3A_149 = arith.constant 16 : i32
      %shift_right_arithmetic3A_150 = vector.broadcast %shift_right_arithmetic3A_149 : i32 to vector<16xi32>
      %shift_right_arithmetic3A_151 = arith.shrsi %bitcast3A_148, %shift_right_arithmetic3A_150 : vector<16xi32>
      %and3A_152 = arith.constant 1 : i32
      %and3A_153 = vector.broadcast %and3A_152 : i32 to vector<16xi32>
      %and3A_154 = arith.andi %shift_right_arithmetic3A_151, %and3A_153 : vector<16xi32>
      %add3A_155 = arith.addi %bitcast3A_148, %and3A_154 : vector<16xi32>
      %add3A_156 = arith.constant 32767 : i32
      %add3A_157 = vector.broadcast %add3A_156 : i32 to vector<16xi32>
      %add3A_158 = arith.addi %add3A_155, %add3A_157 : vector<16xi32>
      %and3A_159 = arith.constant -65536 : i32
      %and3A_160 = vector.broadcast %and3A_159 : i32 to vector<16xi32>
      %and3A_161 = arith.andi %add3A_158, %and3A_160 : vector<16xi32>
      %bitcast3A_162 = vector.bitcast %and3A_161 : vector<16xi32> to vector<16xf32>
      %div3A_163 = arith.constant 5.017600e+04 : f32
      %div3A_164 = vector.broadcast %div3A_163 : f32 to vector<16xf32>
      %div3A_165 = arith.divf %gather3A_126, %div3A_164 : vector<16xf32>
      %bitcast3A_166 = vector.bitcast %div3A_165 : vector<16xf32> to vector<16xi32>
      %shift_right_arithmetic3A_167 = arith.constant 16 : i32
      %shift_right_arithmetic3A_168 = vector.broadcast %shift_right_arithmetic3A_167 : i32 to vector<16xi32>
      %shift_right_arithmetic3A_169 = arith.shrsi %bitcast3A_166, %shift_right_arithmetic3A_168 : vector<16xi32>
      %and3A_170 = arith.constant 1 : i32
      %and3A_171 = vector.broadcast %and3A_170 : i32 to vector<16xi32>
      %and3A_172 = arith.andi %shift_right_arithmetic3A_169, %and3A_171 : vector<16xi32>
      %add3A_173 = arith.addi %bitcast3A_166, %and3A_172 : vector<16xi32>
      %add3A_174 = arith.constant 32767 : i32
      %add3A_175 = vector.broadcast %add3A_174 : i32 to vector<16xi32>
      %add3A_176 = arith.addi %add3A_173, %add3A_175 : vector<16xi32>
      %and3A_177 = arith.constant -65536 : i32
      %and3A_178 = vector.broadcast %and3A_177 : i32 to vector<16xi32>
      %and3A_179 = arith.andi %add3A_176, %and3A_178 : vector<16xi32>
      %bitcast3A_180 = vector.bitcast %and3A_179 : vector<16xi32> to vector<16xf32>
      %mul3A_181 = arith.mulf %get3A_34, %bitcast3A_144 : vector<16xf32>
      %mul3A_182 = arith.mulf %get3A_36, %bitcast3A_162 : vector<16xf32>
      %add3A_183 = arith.addf %mul3A_181, %mul3A_182 : vector<16xf32>
      %mul3A_184 = arith.mulf %get3A_38, %bitcast3A_180 : vector<16xf32>
      %add3A_185 = arith.addf %add3A_183, %mul3A_184 : vector<16xf32>
      %swap3A_186 = arith.constant 16 : index
      %swap3A_187 = tpu.vector_load %arg7[%swap3A_186] {strides = array<i32>} : memref<192xf32, #tpu.memory_space<vmem>>, vector<16xf32>,
      tpu.vector_store %arg7[%swap3A_186], %add3A_185 {strides = array<i32>} : memref<192xf32, #tpu.memory_space<vmem>>, vector<16xf32>,
      %add3A_188 = arith.constant 39 : i32
      %add3A_189 = vector.broadcast %add3A_188 : i32 to vector<16xi32>
      %add3A_190 = arith.addi %iota3A, %add3A_189 : vector<16xi32>
      %gather3A_191 = tpu.vector_load_idx %arg6[%add3A_190] : memref<208xf32, #tpu.memory_space<vmem>>[vector<16xi32>], vector<16xf32>,
      %add3A_192 = arith.constant 40 : i32
      %add3A_193 = vector.broadcast %add3A_192 : i32 to vector<16xi32>
      %add3A_194 = arith.addi %iota3A, %add3A_193 : vector<16xi32>
      %gather3A_195 = tpu.vector_load_idx %arg6[%add3A_194] : memref<208xf32, #tpu.memory_space<vmem>>[vector<16xi32>], vector<16xf32>,
      %add3A_196 = arith.constant 41 : i32
      %add3A_197 = vector.broadcast %add3A_196 : i32 to vector<16xi32>
      %add3A_198 = arith.addi %iota3A, %add3A_197 : vector<16xi32>
      %gather3A_199 = tpu.vector_load_idx %arg6[%add3A_198] : memref<208xf32, #tpu.memory_space<vmem>>[vector<16xi32>], vector<16xf32>,
      %div3A_200 = arith.constant 5.017600e+04 : f32
      %div3A_201 = vector.broadcast %div3A_200 : f32 to vector<16xf32>
      %div3A_202 = arith.divf %gather3A_191, %div3A_201 : vector<16xf32>
      %bitcast3A_203 = vector.bitcast %div3A_202 : vector<16xf32> to vector<16xi32>
      %shift_right_arithmetic3A_204 = arith.constant 16 : i32
      %shift_right_arithmetic3A_205 = vector.broadcast %shift_right_arithmetic3A_204 : i32 to vector<16xi32>
      %shift_right_arithmetic3A_206 = arith.shrsi %bitcast3A_203, %shift_right_arithmetic3A_205 : vector<16xi32>
      %and3A_207 = arith.constant 1 : i32
      %and3A_208 = vector.broadcast %and3A_207 : i32 to vector<16xi32>
      %and3A_209 = arith.andi %shift_right_arithmetic3A_206, %and3A_208 : vector<16xi32>
      %add3A_210 = arith.addi %bitcast3A_203, %and3A_209 : vector<16xi32>
      %add3A_211 = arith.constant 32767 : i32
      %add3A_212 = vector.broadcast %add3A_211 : i32 to vector<16xi32>
      %add3A_213 = arith.addi %add3A_210, %add3A_212 : vector<16xi32>
      %and3A_214 = arith.constant -65536 : i32
      %and3A_215 = vector.broadcast %and3A_214 : i32 to vector<16xi32>
      %and3A_216 = arith.andi %add3A_213, %and3A_215 : vector<16xi32>
      %bitcast3A_217 = vector.bitcast %and3A_216 : vector<16xi32> to vector<16xf32>
      %div3A_218 = arith.constant 5.017600e+04 : f32
      %div3A_219 = vector.broadcast %div3A_218 : f32 to vector<16xf32>
      %div3A_220 = arith.divf %gather3A_195, %div3A_219 : vector<16xf32>
      %bitcast3A_221 = vector.bitcast %div3A_220 : vector<16xf32> to vector<16xi32>
      %shift_right_arithmetic3A_222 = arith.constant 16 : i32
      %shift_right_arithmetic3A_223 = vector.broadcast %shift_right_arithmetic3A_222 : i32 to vector<16xi32>
      %shift_right_arithmetic3A_224 = arith.shrsi %bitcast3A_221, %shift_right_arithmetic3A_223 : vector<16xi32>
      %and3A_225 = arith.constant 1 : i32
      %and3A_226 = vector.broadcast %and3A_225 : i32 to vector<16xi32>
      %and3A_227 = arith.andi %shift_right_arithmetic3A_224, %and3A_226 : vector<16xi32>
      %add3A_228 = arith.addi %bitcast3A_221, %and3A_227 : vector<16xi32>
      %add3A_229 = arith.constant 32767 : i32
      %add3A_230 = vector.broadcast %add3A_229 : i32 to vector<16xi32>
      %add3A_231 = arith.addi %add3A_228, %add3A_230 : vector<16xi32>
      %and3A_232 = arith.constant -65536 : i32
      %and3A_233 = vector.broadcast %and3A_232 : i32 to vector<16xi32>
      %and3A_234 = arith.andi %add3A_231, %and3A_233 : vector<16xi32>
      %bitcast3A_235 = vector.bitcast %and3A_234 : vector<16xi32> to vector<16xf32>
      %div3A_236 = arith.constant 5.017600e+04 : f32
      %div3A_237 = vector.broadcast %div3A_236 : f32 to vector<16xf32>
      %div3A_238 = arith.divf %gather3A_199, %div3A_237 : vector<16xf32>
      %bitcast3A_239 = vector.bitcast %div3A_238 : vector<16xf32> to vector<16xi32>
      %shift_right_arithmetic3A_240 = arith.constant 16 : i32
      %shift_right_arithmetic3A_241 = vector.broadcast %shift_right_arithmetic3A_240 : i32 to vector<16xi32>
      %shift_right_arithmetic3A_242 = arith.shrsi %bitcast3A_239, %shift_right_arithmetic3A_241 : vector<16xi32>
      %and3A_243 = arith.constant 1 : i32
      %and3A_244 = vector.broadcast %and3A_243 : i32 to vector<16xi32>
      %and3A_245 = arith.andi %shift_right_arithmetic3A_242, %and3A_244 : vector<16xi32>
      %add3A_246 = arith.addi %bitcast3A_239, %and3A_245 : vector<16xi32>
      %add3A_247 = arith.constant 32767 : i32
      %add3A_248 = vector.broadcast %add3A_247 : i32 to vector<16xi32>
      %add3A_249 = arith.addi %add3A_246, %add3A_248 : vector<16xi32>
      %and3A_250 = arith.constant -65536 : i32
      %and3A_251 = vector.broadcast %and3A_250 : i32 to vector<16xi32>
      %and3A_252 = arith.andi %add3A_249, %and3A_251 : vector<16xi32>
      %bitcast3A_253 = vector.bitcast %and3A_252 : vector<16xi32> to vector<16xf32>
      %mul3A_254 = arith.mulf %get3A_34, %bitcast3A_217 : vector<16xf32>
      %mul3A_255 = arith.mulf %get3A_36, %bitcast3A_235 : vector<16xf32>
      %add3A_256 = arith.addf %mul3A_254, %mul3A_255 : vector<16xf32>
      %mul3A_257 = arith.mulf %get3A_38, %bitcast3A_253 : vector<16xf32>
      %add3A_258 = arith.addf %add3A_256, %mul3A_257 : vector<16xf32>
      %swap3A_259 = arith.constant 32 : index
      %swap3A_260 = tpu.vector_load %arg7[%swap3A_259] {strides = array<i32>} : memref<192xf32, #tpu.memory_space<vmem>>, vector<16xf32>,
      tpu.vector_store %arg7[%swap3A_259], %add3A_258 {strides = array<i32>} : memref<192xf32, #tpu.memory_space<vmem>>, vector<16xf32>,
      %add3A_261 = arith.constant 55 : i32
      %add3A_262 = vector.broadcast %add3A_261 : i32 to vector<16xi32>
      %add3A_263 = arith.addi %iota3A, %add3A_262 : vector<16xi32>
      %gather3A_264 = tpu.vector_load_idx %arg6[%add3A_263] : memref<208xf32, #tpu.memory_space<vmem>>[vector<16xi32>], vector<16xf32>,
      %add3A_265 = arith.constant 56 : i32
      %add3A_266 = vector.broadcast %add3A_265 : i32 to vector<16xi32>
      %add3A_267 = arith.addi %iota3A, %add3A_266 : vector<16xi32>
      %gather3A_268 = tpu.vector_load_idx %arg6[%add3A_267] : memref<208xf32, #tpu.memory_space<vmem>>[vector<16xi32>], vector<16xf32>,
      %add3A_269 = arith.constant 57 : i32
      %add3A_270 = vector.broadcast %add3A_269 : i32 to vector<16xi32>
      %add3A_271 = arith.addi %iota3A, %add3A_270 : vector<16xi32>
      %gather3A_272 = tpu.vector_load_idx %arg6[%add3A_271] : memref<208xf32, #tpu.memory_space<vmem>>[vector<16xi32>], vector<16xf32>,
      %div3A_273 = arith.constant 5.017600e+04 : f32
      %div3A_274 = vector.broadcast %div3A_273 : f32 to vector<16xf32>
      %div3A_275 = arith.divf %gather3A_264, %div3A_274 : vector<16xf32>
      %bitcast3A_276 = vector.bitcast %div3A_275 : vector<16xf32> to vector<16xi32>
      %shift_right_arithmetic3A_277 = arith.constant 16 : i32
      %shift_right_arithmetic3A_278 = vector.broadcast %shift_right_arithmetic3A_277 : i32 to vector<16xi32>
      %shift_right_arithmetic3A_279 = arith.shrsi %bitcast3A_276, %shift_right_arithmetic3A_278 : vector<16xi32>
      %and3A_280 = arith.constant 1 : i32
      %and3A_281 = vector.broadcast %and3A_280 : i32 to vector<16xi32>
      %and3A_282 = arith.andi %shift_right_arithmetic3A_279, %and3A_281 : vector<16xi32>
      %add3A_283 = arith.addi %bitcast3A_276, %and3A_282 : vector<16xi32>
      %add3A_284 = arith.constant 32767 : i32
      %add3A_285 = vector.broadcast %add3A_284 : i32 to vector<16xi32>
      %add3A_286 = arith.addi %add3A_283, %add3A_285 : vector<16xi32>
      %and3A_287 = arith.constant -65536 : i32
      %and3A_288 = vector.broadcast %and3A_287 : i32 to vector<16xi32>
      %and3A_289 = arith.andi %add3A_286, %and3A_288 : vector<16xi32>
      %bitcast3A_290 = vector.bitcast %and3A_289 : vector<16xi32> to vector<16xf32>
      %div3A_291 = arith.constant 5.017600e+04 : f32
      %div3A_292 = vector.broadcast %div3A_291 : f32 to vector<16xf32>
      %div3A_293 = arith.divf %gather3A_268, %div3A_292 : vector<16xf32>
      %bitcast3A_294 = vector.bitcast %div3A_293 : vector<16xf32> to vector<16xi32>
      %shift_right_arithmetic3A_295 = arith.constant 16 : i32
      %shift_right_arithmetic3A_296 = vector.broadcast %shift_right_arithmetic3A_295 : i32 to vector<16xi32>
      %shift_right_arithmetic3A_297 = arith.shrsi %bitcast3A_294, %shift_right_arithmetic3A_296 : vector<16xi32>
      %and3A_298 = arith.constant 1 : i32
      %and3A_299 = vector.broadcast %and3A_298 : i32 to vector<16xi32>
      %and3A_300 = arith.andi %shift_right_arithmetic3A_297, %and3A_299 : vector<16xi32>
      %add3A_301 = arith.addi %bitcast3A_294, %and3A_300 : vector<16xi32>
      %add3A_302 = arith.constant 32767 : i32
      %add3A_303 = vector.broadcast %add3A_302 : i32 to vector<16xi32>
      %add3A_304 = arith.addi %add3A_301, %add3A_303 : vector<16xi32>
      %and3A_305 = arith.constant -65536 : i32
      %and3A_306 = vector.broadcast %and3A_305 : i32 to vector<16xi32>
      %and3A_307 = arith.andi %add3A_304, %and3A_306 : vector<16xi32>
      %bitcast3A_308 = vector.bitcast %and3A_307 : vector<16xi32> to vector<16xf32>
      %div3A_309 = arith.constant 5.017600e+04 : f32
      %div3A_310 = vector.broadcast %div3A_309 : f32 to vector<16xf32>
      %div3A_311 = arith.divf %gather3A_272, %div3A_310 : vector<16xf32>
      %bitcast3A_312 = vector.bitcast %div3A_311 : vector<16xf32> to vector<16xi32>
      %shift_right_arithmetic3A_313 = arith.constant 16 : i32
      %shift_right_arithmetic3A_314 = vector.broadcast %shift_right_arithmetic3A_313 : i32 to vector<16xi32>
      %shift_right_arithmetic3A_315 = arith.shrsi %bitcast3A_312, %shift_right_arithmetic3A_314 : vector<16xi32>
      %and3A_316 = arith.constant 1 : i32
      %and3A_317 = vector.broadcast %and3A_316 : i32 to vector<16xi32>
      %and3A_318 = arith.andi %shift_right_arithmetic3A_315, %and3A_317 : vector<16xi32>
      %add3A_319 = arith.addi %bitcast3A_312, %and3A_318 : vector<16xi32>
      %add3A_320 = arith.constant 32767 : i32
      %add3A_321 = vector.broadcast %add3A_320 : i32 to vector<16xi32>
      %add3A_322 = arith.addi %add3A_319, %add3A_321 : vector<16xi32>
      %and3A_323 = arith.constant -65536 : i32
      %and3A_324 = vector.broadcast %and3A_323 : i32 to vector<16xi32>
      %and3A_325 = arith.andi %add3A_322, %and3A_324 : vector<16xi32>
      %bitcast3A_326 = vector.bitcast %and3A_325 : vector<16xi32> to vector<16xf32>
      %mul3A_327 = arith.mulf %get3A_34, %bitcast3A_290 : vector<16xf32>
      %mul3A_328 = arith.mulf %get3A_36, %bitcast3A_308 : vector<16xf32>
      %add3A_329 = arith.addf %mul3A_327, %mul3A_328 : vector<16xf32>
      %mul3A_330 = arith.mulf %get3A_38, %bitcast3A_326 : vector<16xf32>
      %add3A_331 = arith.addf %add3A_329, %mul3A_330 : vector<16xf32>
      %swap3A_332 = arith.constant 48 : index
      %swap3A_333 = tpu.vector_load %arg7[%swap3A_332] {strides = array<i32>} : memref<192xf32, #tpu.memory_space<vmem>>, vector<16xf32>,
      tpu.vector_store %arg7[%swap3A_332], %add3A_331 {strides = array<i32>} : memref<192xf32, #tpu.memory_space<vmem>>, vector<16xf32>,
      %add3A_334 = arith.constant 71 : i32
      %add3A_335 = vector.broadcast %add3A_334 : i32 to vector<16xi32>
      %add3A_336 = arith.addi %iota3A, %add3A_335 : vector<16xi32>
      %gather3A_337 = tpu.vector_load_idx %arg6[%add3A_336] : memref<208xf32, #tpu.memory_space<vmem>>[vector<16xi32>], vector<16xf32>,
      %add3A_338 = arith.constant 72 : i32
      %add3A_339 = vector.broadcast %add3A_338 : i32 to vector<16xi32>
      %add3A_340 = arith.addi %iota3A, %add3A_339 : vector<16xi32>
      %gather3A_341 = tpu.vector_load_idx %arg6[%add3A_340] : memref<208xf32, #tpu.memory_space<vmem>>[vector<16xi32>], vector<16xf32>,
      %add3A_342 = arith.constant 73 : i32
      %add3A_343 = vector.broadcast %add3A_342 : i32 to vector<16xi32>
      %add3A_344 = arith.addi %iota3A, %add3A_343 : vector<16xi32>
      %gather3A_345 = tpu.vector_load_idx %arg6[%add3A_344] : memref<208xf32, #tpu.memory_space<vmem>>[vector<16xi32>], vector<16xf32>,
      %div3A_346 = arith.constant 5.017600e+04 : f32
      %div3A_347 = vector.broadcast %div3A_346 : f32 to vector<16xf32>
      %div3A_348 = arith.divf %gather3A_337, %div3A_347 : vector<16xf32>
      %bitcast3A_349 = vector.bitcast %div3A_348 : vector<16xf32> to vector<16xi32>
      %shift_right_arithmetic3A_350 = arith.constant 16 : i32
      %shift_right_arithmetic3A_351 = vector.broadcast %shift_right_arithmetic3A_350 : i32 to vector<16xi32>
      %shift_right_arithmetic3A_352 = arith.shrsi %bitcast3A_349, %shift_right_arithmetic3A_351 : vector<16xi32>
      %and3A_353 = arith.constant 1 : i32
      %and3A_354 = vector.broadcast %and3A_353 : i32 to vector<16xi32>
      %and3A_355 = arith.andi %shift_right_arithmetic3A_352, %and3A_354 : vector<16xi32>
      %add3A_356 = arith.addi %bitcast3A_349, %and3A_355 : vector<16xi32>
      %add3A_357 = arith.constant 32767 : i32
      %add3A_358 = vector.broadcast %add3A_357 : i32 to vector<16xi32>
      %add3A_359 = arith.addi %add3A_356, %add3A_358 : vector<16xi32>
      %and3A_360 = arith.constant -65536 : i32
      %and3A_361 = vector.broadcast %and3A_360 : i32 to vector<16xi32>
      %and3A_362 = arith.andi %add3A_359, %and3A_361 : vector<16xi32>
      %bitcast3A_363 = vector.bitcast %and3A_362 : vector<16xi32> to vector<16xf32>
      %div3A_364 = arith.constant 5.017600e+04 : f32
      %div3A_365 = vector.broadcast %div3A_364 : f32 to vector<16xf32>
      %div3A_366 = arith.divf %gather3A_341, %div3A_365 : vector<16xf32>
      %bitcast3A_367 = vector.bitcast %div3A_366 : vector<16xf32> to vector<16xi32>
      %shift_right_arithmetic3A_368 = arith.constant 16 : i32
      %shift_right_arithmetic3A_369 = vector.broadcast %shift_right_arithmetic3A_368 : i32 to vector<16xi32>
      %shift_right_arithmetic3A_370 = arith.shrsi %bitcast3A_367, %shift_right_arithmetic3A_369 : vector<16xi32>
      %and3A_371 = arith.constant 1 : i32
      %and3A_372 = vector.broadcast %and3A_371 : i32 to vector<16xi32>
      %and3A_373 = arith.andi %shift_right_arithmetic3A_370, %and3A_372 : vector<16xi32>
      %add3A_374 = arith.addi %bitcast3A_367, %and3A_373 : vector<16xi32>
      %add3A_375 = arith.constant 32767 : i32
      %add3A_376 = vector.broadcast %add3A_375 : i32 to vector<16xi32>
      %add3A_377 = arith.addi %add3A_374, %add3A_376 : vector<16xi32>
      %and3A_378 = arith.constant -65536 : i32
      %and3A_379 = vector.broadcast %and3A_378 : i32 to vector<16xi32>
      %and3A_380 = arith.andi %add3A_377, %and3A_379 : vector<16xi32>
      %bitcast3A_381 = vector.bitcast %and3A_380 : vector<16xi32> to vector<16xf32>
      %div3A_382 = arith.constant 5.017600e+04 : f32
      %div3A_383 = vector.broadcast %div3A_382 : f32 to vector<16xf32>
      %div3A_384 = arith.divf %gather3A_345, %div3A_383 : vector<16xf32>
      %bitcast3A_385 = vector.bitcast %div3A_384 : vector<16xf32> to vector<16xi32>
      %shift_right_arithmetic3A_386 = arith.constant 16 : i32
      %shift_right_arithmetic3A_387 = vector.broadcast %shift_right_arithmetic3A_386 : i32 to vector<16xi32>
      %shift_right_arithmetic3A_388 = arith.shrsi %bitcast3A_385, %shift_right_arithmetic3A_387 : vector<16xi32>
      %and3A_389 = arith.constant 1 : i32
      %and3A_390 = vector.broadcast %and3A_389 : i32 to vector<16xi32>
      %and3A_391 = arith.andi %shift_right_arithmetic3A_388, %and3A_390 : vector<16xi32>
      %add3A_392 = arith.addi %bitcast3A_385, %and3A_391 : vector<16xi32>
      %add3A_393 = arith.constant 32767 : i32
      %add3A_394 = vector.broadcast %add3A_393 : i32 to vector<16xi32>
      %add3A_395 = arith.addi %add3A_392, %add3A_394 : vector<16xi32>
      %and3A_396 = arith.constant -65536 : i32
      %and3A_397 = vector.broadcast %and3A_396 : i32 to vector<16xi32>
      %and3A_398 = arith.andi %add3A_395, %and3A_397 : vector<16xi32>
      %bitcast3A_399 = vector.bitcast %and3A_398 : vector<16xi32> to vector<16xf32>
      %mul3A_400 = arith.mulf %get3A_34, %bitcast3A_363 : vector<16xf32>
      %mul3A_401 = arith.mulf %get3A_36, %bitcast3A_381 : vector<16xf32>
      %add3A_402 = arith.addf %mul3A_400, %mul3A_401 : vector<16xf32>
      %mul3A_403 = arith.mulf %get3A_38, %bitcast3A_399 : vector<16xf32>
      %add3A_404 = arith.addf %add3A_402, %mul3A_403 : vector<16xf32>
      %swap3A_405 = arith.constant 64 : index
      %swap3A_406 = tpu.vector_load %arg7[%swap3A_405] {strides = array<i32>} : memref<192xf32, #tpu.memory_space<vmem>>, vector<16xf32>,
      tpu.vector_store %arg7[%swap3A_405], %add3A_404 {strides = array<i32>} : memref<192xf32, #tpu.memory_space<vmem>>, vector<16xf32>,
      %add3A_407 = arith.constant 87 : i32
      %add3A_408 = vector.broadcast %add3A_407 : i32 to vector<16xi32>
      %add3A_409 = arith.addi %iota3A, %add3A_408 : vector<16xi32>
      %gather3A_410 = tpu.vector_load_idx %arg6[%add3A_409] : memref<208xf32, #tpu.memory_space<vmem>>[vector<16xi32>], vector<16xf32>,
      %add3A_411 = arith.constant 88 : i32
      %add3A_412 = vector.broadcast %add3A_411 : i32 to vector<16xi32>
      %add3A_413 = arith.addi %iota3A, %add3A_412 : vector<16xi32>
      %gather3A_414 = tpu.vector_load_idx %arg6[%add3A_413] : memref<208xf32, #tpu.memory_space<vmem>>[vector<16xi32>], vector<16xf32>,
      %add3A_415 = arith.constant 89 : i32
      %add3A_416 = vector.broadcast %add3A_415 : i32 to vector<16xi32>
      %add3A_417 = arith.addi %iota3A, %add3A_416 : vector<16xi32>
      %gather3A_418 = tpu.vector_load_idx %arg6[%add3A_417] : memref<208xf32, #tpu.memory_space<vmem>>[vector<16xi32>], vector<16xf32>,
      %div3A_419 = arith.constant 5.017600e+04 : f32
      %div3A_420 = vector.broadcast %div3A_419 : f32 to vector<16xf32>
      %div3A_421 = arith.divf %gather3A_410, %div3A_420 : vector<16xf32>
      %bitcast3A_422 = vector.bitcast %div3A_421 : vector<16xf32> to vector<16xi32>
      %shift_right_arithmetic3A_423 = arith.constant 16 : i32
      %shift_right_arithmetic3A_424 = vector.broadcast %shift_right_arithmetic3A_423 : i32 to vector<16xi32>
      %shift_right_arithmetic3A_425 = arith.shrsi %bitcast3A_422, %shift_right_arithmetic3A_424 : vector<16xi32>
      %and3A_426 = arith.constant 1 : i32
      %and3A_427 = vector.broadcast %and3A_426 : i32 to vector<16xi32>
      %and3A_428 = arith.andi %shift_right_arithmetic3A_425, %and3A_427 : vector<16xi32>
      %add3A_429 = arith.addi %bitcast3A_422, %and3A_428 : vector<16xi32>
      %add3A_430 = arith.constant 32767 : i32
      %add3A_431 = vector.broadcast %add3A_430 : i32 to vector<16xi32>
      %add3A_432 = arith.addi %add3A_429, %add3A_431 : vector<16xi32>
      %and3A_433 = arith.constant -65536 : i32
      %and3A_434 = vector.broadcast %and3A_433 : i32 to vector<16xi32>
      %and3A_435 = arith.andi %add3A_432, %and3A_434 : vector<16xi32>
      %bitcast3A_436 = vector.bitcast %and3A_435 : vector<16xi32> to vector<16xf32>
      %div3A_437 = arith.constant 5.017600e+04 : f32
      %div3A_438 = vector.broadcast %div3A_437 : f32 to vector<16xf32>
      %div3A_439 = arith.divf %gather3A_414, %div3A_438 : vector<16xf32>
      %bitcast3A_440 = vector.bitcast %div3A_439 : vector<16xf32> to vector<16xi32>
      %shift_right_arithmetic3A_441 = arith.constant 16 : i32
      %shift_right_arithmetic3A_442 = vector.broadcast %shift_right_arithmetic3A_441 : i32 to vector<16xi32>
      %shift_right_arithmetic3A_443 = arith.shrsi %bitcast3A_440, %shift_right_arithmetic3A_442 : vector<16xi32>
      %and3A_444 = arith.constant 1 : i32
      %and3A_445 = vector.broadcast %and3A_444 : i32 to vector<16xi32>
      %and3A_446 = arith.andi %shift_right_arithmetic3A_443, %and3A_445 : vector<16xi32>
      %add3A_447 = arith.addi %bitcast3A_440, %and3A_446 : vector<16xi32>
      %add3A_448 = arith.constant 32767 : i32
      %add3A_449 = vector.broadcast %add3A_448 : i32 to vector<16xi32>
      %add3A_450 = arith.addi %add3A_447, %add3A_449 : vector<16xi32>
      %and3A_451 = arith.constant -65536 : i32
      %and3A_452 = vector.broadcast %and3A_451 : i32 to vector<16xi32>
      %and3A_453 = arith.andi %add3A_450, %and3A_452 : vector<16xi32>
      %bitcast3A_454 = vector.bitcast %and3A_453 : vector<16xi32> to vector<16xf32>
      %div3A_455 = arith.constant 5.017600e+04 : f32
      %div3A_456 = vector.broadcast %div3A_455 : f32 to vector<16xf32>
      %div3A_457 = arith.divf %gather3A_418, %div3A_456 : vector<16xf32>
      %bitcast3A_458 = vector.bitcast %div3A_457 : vector<16xf32> to vector<16xi32>
      %shift_right_arithmetic3A_459 = arith.constant 16 : i32
      %shift_right_arithmetic3A_460 = vector.broadcast %shift_right_arithmetic3A_459 : i32 to vector<16xi32>
      %shift_right_arithmetic3A_461 = arith.shrsi %bitcast3A_458, %shift_right_arithmetic3A_460 : vector<16xi32>
      %and3A_462 = arith.constant 1 : i32
      %and3A_463 = vector.broadcast %and3A_462 : i32 to vector<16xi32>
      %and3A_464 = arith.andi %shift_right_arithmetic3A_461, %and3A_463 : vector<16xi32>
      %add3A_465 = arith.addi %bitcast3A_458, %and3A_464 : vector<16xi32>
      %add3A_466 = arith.constant 32767 : i32
      %add3A_467 = vector.broadcast %add3A_466 : i32 to vector<16xi32>
      %add3A_468 = arith.addi %add3A_465, %add3A_467 : vector<16xi32>
      %and3A_469 = arith.constant -65536 : i32
      %and3A_470 = vector.broadcast %and3A_469 : i32 to vector<16xi32>
      %and3A_471 = arith.andi %add3A_468, %and3A_470 : vector<16xi32>
      %bitcast3A_472 = vector.bitcast %and3A_471 : vector<16xi32> to vector<16xf32>
      %mul3A_473 = arith.mulf %get3A_34, %bitcast3A_436 : vector<16xf32>
      %mul3A_474 = arith.mulf %get3A_36, %bitcast3A_454 : vector<16xf32>
      %add3A_475 = arith.addf %mul3A_473, %mul3A_474 : vector<16xf32>
      %mul3A_476 = arith.mulf %get3A_38, %bitcast3A_472 : vector<16xf32>
      %add3A_477 = arith.addf %add3A_475, %mul3A_476 : vector<16xf32>
      %swap3A_478 = arith.constant 80 : index
      %swap3A_479 = tpu.vector_load %arg7[%swap3A_478] {strides = array<i32>} : memref<192xf32, #tpu.memory_space<vmem>>, vector<16xf32>,
      tpu.vector_store %arg7[%swap3A_478], %add3A_477 {strides = array<i32>} : memref<192xf32, #tpu.memory_space<vmem>>, vector<16xf32>,
      %add3A_480 = arith.constant 103 : i32
      %add3A_481 = vector.broadcast %add3A_480 : i32 to vector<16xi32>
      %add3A_482 = arith.addi %iota3A, %add3A_481 : vector<16xi32>
      %gather3A_483 = tpu.vector_load_idx %arg6[%add3A_482] : memref<208xf32, #tpu.memory_space<vmem>>[vector<16xi32>], vector<16xf32>,
      %add3A_484 = arith.constant 104 : i32
      %add3A_485 = vector.broadcast %add3A_484 : i32 to vector<16xi32>
      %add3A_486 = arith.addi %iota3A, %add3A_485 : vector<16xi32>
      %gather3A_487 = tpu.vector_load_idx %arg6[%add3A_486] : memref<208xf32, #tpu.memory_space<vmem>>[vector<16xi32>], vector<16xf32>,
      %add3A_488 = arith.constant 105 : i32
      %add3A_489 = vector.broadcast %add3A_488 : i32 to vector<16xi32>
      %add3A_490 = arith.addi %iota3A, %add3A_489 : vector<16xi32>
      %gather3A_491 = tpu.vector_load_idx %arg6[%add3A_490] : memref<208xf32, #tpu.memory_space<vmem>>[vector<16xi32>], vector<16xf32>,
      %div3A_492 = arith.constant 5.017600e+04 : f32
      %div3A_493 = vector.broadcast %div3A_492 : f32 to vector<16xf32>
      %div3A_494 = arith.divf %gather3A_483, %div3A_493 : vector<16xf32>
      %bitcast3A_495 = vector.bitcast %div3A_494 : vector<16xf32> to vector<16xi32>
      %shift_right_arithmetic3A_496 = arith.constant 16 : i32
      %shift_right_arithmetic3A_497 = vector.broadcast %shift_right_arithmetic3A_496 : i32 to vector<16xi32>
      %shift_right_arithmetic3A_498 = arith.shrsi %bitcast3A_495, %shift_right_arithmetic3A_497 : vector<16xi32>
      %and3A_499 = arith.constant 1 : i32
      %and3A_500 = vector.broadcast %and3A_499 : i32 to vector<16xi32>
      %and3A_501 = arith.andi %shift_right_arithmetic3A_498, %and3A_500 : vector<16xi32>
      %add3A_502 = arith.addi %bitcast3A_495, %and3A_501 : vector<16xi32>
      %add3A_503 = arith.constant 32767 : i32
      %add3A_504 = vector.broadcast %add3A_503 : i32 to vector<16xi32>
      %add3A_505 = arith.addi %add3A_502, %add3A_504 : vector<16xi32>
      %and3A_506 = arith.constant -65536 : i32
      %and3A_507 = vector.broadcast %and3A_506 : i32 to vector<16xi32>
      %and3A_508 = arith.andi %add3A_505, %and3A_507 : vector<16xi32>
      %bitcast3A_509 = vector.bitcast %and3A_508 : vector<16xi32> to vector<16xf32>
      %div3A_510 = arith.constant 5.017600e+04 : f32
      %div3A_511 = vector.broadcast %div3A_510 : f32 to vector<16xf32>
      %div3A_512 = arith.divf %gather3A_487, %div3A_511 : vector<16xf32>
      %bitcast3A_513 = vector.bitcast %div3A_512 : vector<16xf32> to vector<16xi32>
      %shift_right_arithmetic3A_514 = arith.constant 16 : i32
      %shift_right_arithmetic3A_515 = vector.broadcast %shift_right_arithmetic3A_514 : i32 to vector<16xi32>
      %shift_right_arithmetic3A_516 = arith.shrsi %bitcast3A_513, %shift_right_arithmetic3A_515 : vector<16xi32>
      %and3A_517 = arith.constant 1 : i32
      %and3A_518 = vector.broadcast %and3A_517 : i32 to vector<16xi32>
      %and3A_519 = arith.andi %shift_right_arithmetic3A_516, %and3A_518 : vector<16xi32>
      %add3A_520 = arith.addi %bitcast3A_513, %and3A_519 : vector<16xi32>
      %add3A_521 = arith.constant 32767 : i32
      %add3A_522 = vector.broadcast %add3A_521 : i32 to vector<16xi32>
      %add3A_523 = arith.addi %add3A_520, %add3A_522 : vector<16xi32>
      %and3A_524 = arith.constant -65536 : i32
      %and3A_525 = vector.broadcast %and3A_524 : i32 to vector<16xi32>
      %and3A_526 = arith.andi %add3A_523, %and3A_525 : vector<16xi32>
      %bitcast3A_527 = vector.bitcast %and3A_526 : vector<16xi32> to vector<16xf32>
      %div3A_528 = arith.constant 5.017600e+04 : f32
      %div3A_529 = vector.broadcast %div3A_528 : f32 to vector<16xf32>
      %div3A_530 = arith.divf %gather3A_491, %div3A_529 : vector<16xf32>
      %bitcast3A_531 = vector.bitcast %div3A_530 : vector<16xf32> to vector<16xi32>
      %shift_right_arithmetic3A_532 = arith.constant 16 : i32
      %shift_right_arithmetic3A_533 = vector.broadcast %shift_right_arithmetic3A_532 : i32 to vector<16xi32>
      %shift_right_arithmetic3A_534 = arith.shrsi %bitcast3A_531, %shift_right_arithmetic3A_533 : vector<16xi32>
      %and3A_535 = arith.constant 1 : i32
      %and3A_536 = vector.broadcast %and3A_535 : i32 to vector<16xi32>
      %and3A_537 = arith.andi %shift_right_arithmetic3A_534, %and3A_536 : vector<16xi32>
      %add3A_538 = arith.addi %bitcast3A_531, %and3A_537 : vector<16xi32>
      %add3A_539 = arith.constant 32767 : i32
      %add3A_540 = vector.broadcast %add3A_539 : i32 to vector<16xi32>
      %add3A_541 = arith.addi %add3A_538, %add3A_540 : vector<16xi32>
      %and3A_542 = arith.constant -65536 : i32
      %and3A_543 = vector.broadcast %and3A_542 : i32 to vector<16xi32>
      %and3A_544 = arith.andi %add3A_541, %and3A_543 : vector<16xi32>
      %bitcast3A_545 = vector.bitcast %and3A_544 : vector<16xi32> to vector<16xf32>
      %mul3A_546 = arith.mulf %get3A_34, %bitcast3A_509 : vector<16xf32>
      %mul3A_547 = arith.mulf %get3A_36, %bitcast3A_527 : vector<16xf32>
      %add3A_548 = arith.addf %mul3A_546, %mul3A_547 : vector<16xf32>
      %mul3A_549 = arith.mulf %get3A_38, %bitcast3A_545 : vector<16xf32>
      %add3A_550 = arith.addf %add3A_548, %mul3A_549 : vector<16xf32>
      %swap3A_551 = arith.constant 96 : index
      %swap3A_552 = tpu.vector_load %arg7[%swap3A_551] {strides = array<i32>} : memref<192xf32, #tpu.memory_space<vmem>>, vector<16xf32>,
      tpu.vector_store %arg7[%swap3A_551], %add3A_550 {strides = array<i32>} : memref<192xf32, #tpu.memory_space<vmem>>, vector<16xf32>,
      %add3A_553 = arith.constant 119 : i32
      %add3A_554 = vector.broadcast %add3A_553 : i32 to vector<16xi32>
      %add3A_555 = arith.addi %iota3A, %add3A_554 : vector<16xi32>
      %gather3A_556 = tpu.vector_load_idx %arg6[%add3A_555] : memref<208xf32, #tpu.memory_space<vmem>>[vector<16xi32>], vector<16xf32>,
      %add3A_557 = arith.constant 120 : i32
      %add3A_558 = vector.broadcast %add3A_557 : i32 to vector<16xi32>
      %add3A_559 = arith.addi %iota3A, %add3A_558 : vector<16xi32>
      %gather3A_560 = tpu.vector_load_idx %arg6[%add3A_559] : memref<208xf32, #tpu.memory_space<vmem>>[vector<16xi32>], vector<16xf32>,
      %add3A_561 = arith.constant 121 : i32
      %add3A_562 = vector.broadcast %add3A_561 : i32 to vector<16xi32>
      %add3A_563 = arith.addi %iota3A, %add3A_562 : vector<16xi32>
      %gather3A_564 = tpu.vector_load_idx %arg6[%add3A_563] : memref<208xf32, #tpu.memory_space<vmem>>[vector<16xi32>], vector<16xf32>,
      %div3A_565 = arith.constant 5.017600e+04 : f32
      %div3A_566 = vector.broadcast %div3A_565 : f32 to vector<16xf32>
      %div3A_567 = arith.divf %gather3A_556, %div3A_566 : vector<16xf32>
      %bitcast3A_568 = vector.bitcast %div3A_567 : vector<16xf32> to vector<16xi32>
      %shift_right_arithmetic3A_569 = arith.constant 16 : i32
      %shift_right_arithmetic3A_570 = vector.broadcast %shift_right_arithmetic3A_569 : i32 to vector<16xi32>
      %shift_right_arithmetic3A_571 = arith.shrsi %bitcast3A_568, %shift_right_arithmetic3A_570 : vector<16xi32>
      %and3A_572 = arith.constant 1 : i32
      %and3A_573 = vector.broadcast %and3A_572 : i32 to vector<16xi32>
      %and3A_574 = arith.andi %shift_right_arithmetic3A_571, %and3A_573 : vector<16xi32>
      %add3A_575 = arith.addi %bitcast3A_568, %and3A_574 : vector<16xi32>
      %add3A_576 = arith.constant 32767 : i32
      %add3A_577 = vector.broadcast %add3A_576 : i32 to vector<16xi32>
      %add3A_578 = arith.addi %add3A_575, %add3A_577 : vector<16xi32>
      %and3A_579 = arith.constant -65536 : i32
      %and3A_580 = vector.broadcast %and3A_579 : i32 to vector<16xi32>
      %and3A_581 = arith.andi %add3A_578, %and3A_580 : vector<16xi32>
      %bitcast3A_582 = vector.bitcast %and3A_581 : vector<16xi32> to vector<16xf32>
      %div3A_583 = arith.constant 5.017600e+04 : f32
      %div3A_584 = vector.broadcast %div3A_583 : f32 to vector<16xf32>
      %div3A_585 = arith.divf %gather3A_560, %div3A_584 : vector<16xf32>
      %bitcast3A_586 = vector.bitcast %div3A_585 : vector<16xf32> to vector<16xi32>
      %shift_right_arithmetic3A_587 = arith.constant 16 : i32
      %shift_right_arithmetic3A_588 = vector.broadcast %shift_right_arithmetic3A_587 : i32 to vector<16xi32>
      %shift_right_arithmetic3A_589 = arith.shrsi %bitcast3A_586, %shift_right_arithmetic3A_588 : vector<16xi32>
      %and3A_590 = arith.constant 1 : i32
      %and3A_591 = vector.broadcast %and3A_590 : i32 to vector<16xi32>
      %and3A_592 = arith.andi %shift_right_arithmetic3A_589, %and3A_591 : vector<16xi32>
      %add3A_593 = arith.addi %bitcast3A_586, %and3A_592 : vector<16xi32>
      %add3A_594 = arith.constant 32767 : i32
      %add3A_595 = vector.broadcast %add3A_594 : i32 to vector<16xi32>
      %add3A_596 = arith.addi %add3A_593, %add3A_595 : vector<16xi32>
      %and3A_597 = arith.constant -65536 : i32
      %and3A_598 = vector.broadcast %and3A_597 : i32 to vector<16xi32>
      %and3A_599 = arith.andi %add3A_596, %and3A_598 : vector<16xi32>
      %bitcast3A_600 = vector.bitcast %and3A_599 : vector<16xi32> to vector<16xf32>
      %div3A_601 = arith.constant 5.017600e+04 : f32
      %div3A_602 = vector.broadcast %div3A_601 : f32 to vector<16xf32>
      %div3A_603 = arith.divf %gather3A_564, %div3A_602 : vector<16xf32>
      %bitcast3A_604 = vector.bitcast %div3A_603 : vector<16xf32> to vector<16xi32>
      %shift_right_arithmetic3A_605 = arith.constant 16 : i32
      %shift_right_arithmetic3A_606 = vector.broadcast %shift_right_arithmetic3A_605 : i32 to vector<16xi32>
      %shift_right_arithmetic3A_607 = arith.shrsi %bitcast3A_604, %shift_right_arithmetic3A_606 : vector<16xi32>
      %and3A_608 = arith.constant 1 : i32
      %and3A_609 = vector.broadcast %and3A_608 : i32 to vector<16xi32>
      %and3A_610 = arith.andi %shift_right_arithmetic3A_607, %and3A_609 : vector<16xi32>
      %add3A_611 = arith.addi %bitcast3A_604, %and3A_610 : vector<16xi32>
      %add3A_612 = arith.constant 32767 : i32
      %add3A_613 = vector.broadcast %add3A_612 : i32 to vector<16xi32>
      %add3A_614 = arith.addi %add3A_611, %add3A_613 : vector<16xi32>
      %and3A_615 = arith.constant -65536 : i32
      %and3A_616 = vector.broadcast %and3A_615 : i32 to vector<16xi32>
      %and3A_617 = arith.andi %add3A_614, %and3A_616 : vector<16xi32>
      %bitcast3A_618 = vector.bitcast %and3A_617 : vector<16xi32> to vector<16xf32>
      %mul3A_619 = arith.mulf %get3A_34, %bitcast3A_582 : vector<16xf32>
      %mul3A_620 = arith.mulf %get3A_36, %bitcast3A_600 : vector<16xf32>
      %add3A_621 = arith.addf %mul3A_619, %mul3A_620 : vector<16xf32>
      %mul3A_622 = arith.mulf %get3A_38, %bitcast3A_618 : vector<16xf32>
      %add3A_623 = arith.addf %add3A_621, %mul3A_622 : vector<16xf32>
      %swap3A_624 = arith.constant 112 : index
      %swap3A_625 = tpu.vector_load %arg7[%swap3A_624] {strides = array<i32>} : memref<192xf32, #tpu.memory_space<vmem>>, vector<16xf32>,
      tpu.vector_store %arg7[%swap3A_624], %add3A_623 {strides = array<i32>} : memref<192xf32, #tpu.memory_space<vmem>>, vector<16xf32>,
      %add3A_626 = arith.constant 135 : i32
      %add3A_627 = vector.broadcast %add3A_626 : i32 to vector<16xi32>
      %add3A_628 = arith.addi %iota3A, %add3A_627 : vector<16xi32>
      %gather3A_629 = tpu.vector_load_idx %arg6[%add3A_628] : memref<208xf32, #tpu.memory_space<vmem>>[vector<16xi32>], vector<16xf32>,
      %add3A_630 = arith.constant 136 : i32
      %add3A_631 = vector.broadcast %add3A_630 : i32 to vector<16xi32>
      %add3A_632 = arith.addi %iota3A, %add3A_631 : vector<16xi32>
      %gather3A_633 = tpu.vector_load_idx %arg6[%add3A_632] : memref<208xf32, #tpu.memory_space<vmem>>[vector<16xi32>], vector<16xf32>,
      %add3A_634 = arith.constant 137 : i32
      %add3A_635 = vector.broadcast %add3A_634 : i32 to vector<16xi32>
      %add3A_636 = arith.addi %iota3A, %add3A_635 : vector<16xi32>
      %gather3A_637 = tpu.vector_load_idx %arg6[%add3A_636] : memref<208xf32, #tpu.memory_space<vmem>>[vector<16xi32>], vector<16xf32>,
      %div3A_638 = arith.constant 5.017600e+04 : f32
      %div3A_639 = vector.broadcast %div3A_638 : f32 to vector<16xf32>
      %div3A_640 = arith.divf %gather3A_629, %div3A_639 : vector<16xf32>
      %bitcast3A_641 = vector.bitcast %div3A_640 : vector<16xf32> to vector<16xi32>
      %shift_right_arithmetic3A_642 = arith.constant 16 : i32
      %shift_right_arithmetic3A_643 = vector.broadcast %shift_right_arithmetic3A_642 : i32 to vector<16xi32>
      %shift_right_arithmetic3A_644 = arith.shrsi %bitcast3A_641, %shift_right_arithmetic3A_643 : vector<16xi32>
      %and3A_645 = arith.constant 1 : i32
      %and3A_646 = vector.broadcast %and3A_645 : i32 to vector<16xi32>
      %and3A_647 = arith.andi %shift_right_arithmetic3A_644, %and3A_646 : vector<16xi32>
      %add3A_648 = arith.addi %bitcast3A_641, %and3A_647 : vector<16xi32>
      %add3A_649 = arith.constant 32767 : i32
      %add3A_650 = vector.broadcast %add3A_649 : i32 to vector<16xi32>
      %add3A_651 = arith.addi %add3A_648, %add3A_650 : vector<16xi32>
      %and3A_652 = arith.constant -65536 : i32
      %and3A_653 = vector.broadcast %and3A_652 : i32 to vector<16xi32>
      %and3A_654 = arith.andi %add3A_651, %and3A_653 : vector<16xi32>
      %bitcast3A_655 = vector.bitcast %and3A_654 : vector<16xi32> to vector<16xf32>
      %div3A_656 = arith.constant 5.017600e+04 : f32
      %div3A_657 = vector.broadcast %div3A_656 : f32 to vector<16xf32>
      %div3A_658 = arith.divf %gather3A_633, %div3A_657 : vector<16xf32>
      %bitcast3A_659 = vector.bitcast %div3A_658 : vector<16xf32> to vector<16xi32>
      %shift_right_arithmetic3A_660 = arith.constant 16 : i32
      %shift_right_arithmetic3A_661 = vector.broadcast %shift_right_arithmetic3A_660 : i32 to vector<16xi32>
      %shift_right_arithmetic3A_662 = arith.shrsi %bitcast3A_659, %shift_right_arithmetic3A_661 : vector<16xi32>
      %and3A_663 = arith.constant 1 : i32
      %and3A_664 = vector.broadcast %and3A_663 : i32 to vector<16xi32>
      %and3A_665 = arith.andi %shift_right_arithmetic3A_662, %and3A_664 : vector<16xi32>
      %add3A_666 = arith.addi %bitcast3A_659, %and3A_665 : vector<16xi32>
      %add3A_667 = arith.constant 32767 : i32
      %add3A_668 = vector.broadcast %add3A_667 : i32 to vector<16xi32>
      %add3A_669 = arith.addi %add3A_666, %add3A_668 : vector<16xi32>
      %and3A_670 = arith.constant -65536 : i32
      %and3A_671 = vector.broadcast %and3A_670 : i32 to vector<16xi32>
      %and3A_672 = arith.andi %add3A_669, %and3A_671 : vector<16xi32>
      %bitcast3A_673 = vector.bitcast %and3A_672 : vector<16xi32> to vector<16xf32>
      %div3A_674 = arith.constant 5.017600e+04 : f32
      %div3A_675 = vector.broadcast %div3A_674 : f32 to vector<16xf32>
      %div3A_676 = arith.divf %gather3A_637, %div3A_675 : vector<16xf32>
      %bitcast3A_677 = vector.bitcast %div3A_676 : vector<16xf32> to vector<16xi32>
      %shift_right_arithmetic3A_678 = arith.constant 16 : i32
      %shift_right_arithmetic3A_679 = vector.broadcast %shift_right_arithmetic3A_678 : i32 to vector<16xi32>
      %shift_right_arithmetic3A_680 = arith.shrsi %bitcast3A_677, %shift_right_arithmetic3A_679 : vector<16xi32>
      %and3A_681 = arith.constant 1 : i32
      %and3A_682 = vector.broadcast %and3A_681 : i32 to vector<16xi32>
      %and3A_683 = arith.andi %shift_right_arithmetic3A_680, %and3A_682 : vector<16xi32>
      %add3A_684 = arith.addi %bitcast3A_677, %and3A_683 : vector<16xi32>
      %add3A_685 = arith.constant 32767 : i32
      %add3A_686 = vector.broadcast %add3A_685 : i32 to vector<16xi32>
      %add3A_687 = arith.addi %add3A_684, %add3A_686 : vector<16xi32>
      %and3A_688 = arith.constant -65536 : i32
      %and3A_689 = vector.broadcast %and3A_688 : i32 to vector<16xi32>
      %and3A_690 = arith.andi %add3A_687, %and3A_689 : vector<16xi32>
      %bitcast3A_691 = vector.bitcast %and3A_690 : vector<16xi32> to vector<16xf32>
      %mul3A_692 = arith.mulf %get3A_34, %bitcast3A_655 : vector<16xf32>
      %mul3A_693 = arith.mulf %get3A_36, %bitcast3A_673 : vector<16xf32>
      %add3A_694 = arith.addf %mul3A_692, %mul3A_693 : vector<16xf32>
      %mul3A_695 = arith.mulf %get3A_38, %bitcast3A_691 : vector<16xf32>
      %add3A_696 = arith.addf %add3A_694, %mul3A_695 : vector<16xf32>
      %swap3A_697 = arith.constant 128 : index
      %swap3A_698 = tpu.vector_load %arg7[%swap3A_697] {strides = array<i32>} : memref<192xf32, #tpu.memory_space<vmem>>, vector<16xf32>,
      tpu.vector_store %arg7[%swap3A_697], %add3A_696 {strides = array<i32>} : memref<192xf32, #tpu.memory_space<vmem>>, vector<16xf32>,
      %add3A_699 = arith.constant 151 : i32
      %add3A_700 = vector.broadcast %add3A_699 : i32 to vector<16xi32>
      %add3A_701 = arith.addi %iota3A, %add3A_700 : vector<16xi32>
      %gather3A_702 = tpu.vector_load_idx %arg6[%add3A_701] : memref<208xf32, #tpu.memory_space<vmem>>[vector<16xi32>], vector<16xf32>,
      %add3A_703 = arith.constant 152 : i32
      %add3A_704 = vector.broadcast %add3A_703 : i32 to vector<16xi32>
      %add3A_705 = arith.addi %iota3A, %add3A_704 : vector<16xi32>
      %gather3A_706 = tpu.vector_load_idx %arg6[%add3A_705] : memref<208xf32, #tpu.memory_space<vmem>>[vector<16xi32>], vector<16xf32>,
      %add3A_707 = arith.constant 153 : i32
      %add3A_708 = vector.broadcast %add3A_707 : i32 to vector<16xi32>
      %add3A_709 = arith.addi %iota3A, %add3A_708 : vector<16xi32>
      %gather3A_710 = tpu.vector_load_idx %arg6[%add3A_709] : memref<208xf32, #tpu.memory_space<vmem>>[vector<16xi32>], vector<16xf32>,
      %div3A_711 = arith.constant 5.017600e+04 : f32
      %div3A_712 = vector.broadcast %div3A_711 : f32 to vector<16xf32>
      %div3A_713 = arith.divf %gather3A_702, %div3A_712 : vector<16xf32>
      %bitcast3A_714 = vector.bitcast %div3A_713 : vector<16xf32> to vector<16xi32>
      %shift_right_arithmetic3A_715 = arith.constant 16 : i32
      %shift_right_arithmetic3A_716 = vector.broadcast %shift_right_arithmetic3A_715 : i32 to vector<16xi32>
      %shift_right_arithmetic3A_717 = arith.shrsi %bitcast3A_714, %shift_right_arithmetic3A_716 : vector<16xi32>
      %and3A_718 = arith.constant 1 : i32
      %and3A_719 = vector.broadcast %and3A_718 : i32 to vector<16xi32>
      %and3A_720 = arith.andi %shift_right_arithmetic3A_717, %and3A_719 : vector<16xi32>
      %add3A_721 = arith.addi %bitcast3A_714, %and3A_720 : vector<16xi32>
      %add3A_722 = arith.constant 32767 : i32
      %add3A_723 = vector.broadcast %add3A_722 : i32 to vector<16xi32>
      %add3A_724 = arith.addi %add3A_721, %add3A_723 : vector<16xi32>
      %and3A_725 = arith.constant -65536 : i32
      %and3A_726 = vector.broadcast %and3A_725 : i32 to vector<16xi32>
      %and3A_727 = arith.andi %add3A_724, %and3A_726 : vector<16xi32>
      %bitcast3A_728 = vector.bitcast %and3A_727 : vector<16xi32> to vector<16xf32>
      %div3A_729 = arith.constant 5.017600e+04 : f32
      %div3A_730 = vector.broadcast %div3A_729 : f32 to vector<16xf32>
      %div3A_731 = arith.divf %gather3A_706, %div3A_730 : vector<16xf32>
      %bitcast3A_732 = vector.bitcast %div3A_731 : vector<16xf32> to vector<16xi32>
      %shift_right_arithmetic3A_733 = arith.constant 16 : i32
      %shift_right_arithmetic3A_734 = vector.broadcast %shift_right_arithmetic3A_733 : i32 to vector<16xi32>
      %shift_right_arithmetic3A_735 = arith.shrsi %bitcast3A_732, %shift_right_arithmetic3A_734 : vector<16xi32>
      %and3A_736 = arith.constant 1 : i32
      %and3A_737 = vector.broadcast %and3A_736 : i32 to vector<16xi32>
      %and3A_738 = arith.andi %shift_right_arithmetic3A_735, %and3A_737 : vector<16xi32>
      %add3A_739 = arith.addi %bitcast3A_732, %and3A_738 : vector<16xi32>
      %add3A_740 = arith.constant 32767 : i32
      %add3A_741 = vector.broadcast %add3A_740 : i32 to vector<16xi32>
      %add3A_742 = arith.addi %add3A_739, %add3A_741 : vector<16xi32>
      %and3A_743 = arith.constant -65536 : i32
      %and3A_744 = vector.broadcast %and3A_743 : i32 to vector<16xi32>
      %and3A_745 = arith.andi %add3A_742, %and3A_744 : vector<16xi32>
      %bitcast3A_746 = vector.bitcast %and3A_745 : vector<16xi32> to vector<16xf32>
      %div3A_747 = arith.constant 5.017600e+04 : f32
      %div3A_748 = vector.broadcast %div3A_747 : f32 to vector<16xf32>
      %div3A_749 = arith.divf %gather3A_710, %div3A_748 : vector<16xf32>
      %bitcast3A_750 = vector.bitcast %div3A_749 : vector<16xf32> to vector<16xi32>
      %shift_right_arithmetic3A_751 = arith.constant 16 : i32
      %shift_right_arithmetic3A_752 = vector.broadcast %shift_right_arithmetic3A_751 : i32 to vector<16xi32>
      %shift_right_arithmetic3A_753 = arith.shrsi %bitcast3A_750, %shift_right_arithmetic3A_752 : vector<16xi32>
      %and3A_754 = arith.constant 1 : i32
      %and3A_755 = vector.broadcast %and3A_754 : i32 to vector<16xi32>
      %and3A_756 = arith.andi %shift_right_arithmetic3A_753, %and3A_755 : vector<16xi32>
      %add3A_757 = arith.addi %bitcast3A_750, %and3A_756 : vector<16xi32>
      %add3A_758 = arith.constant 32767 : i32
      %add3A_759 = vector.broadcast %add3A_758 : i32 to vector<16xi32>
      %add3A_760 = arith.addi %add3A_757, %add3A_759 : vector<16xi32>
      %and3A_761 = arith.constant -65536 : i32
      %and3A_762 = vector.broadcast %and3A_761 : i32 to vector<16xi32>
      %and3A_763 = arith.andi %add3A_760, %and3A_762 : vector<16xi32>
      %bitcast3A_764 = vector.bitcast %and3A_763 : vector<16xi32> to vector<16xf32>
      %mul3A_765 = arith.mulf %get3A_34, %bitcast3A_728 : vector<16xf32>
      %mul3A_766 = arith.mulf %get3A_36, %bitcast3A_746 : vector<16xf32>
      %add3A_767 = arith.addf %mul3A_765, %mul3A_766 : vector<16xf32>
      %mul3A_768 = arith.mulf %get3A_38, %bitcast3A_764 : vector<16xf32>
      %add3A_769 = arith.addf %add3A_767, %mul3A_768 : vector<16xf32>
      %swap3A_770 = arith.constant 144 : index
      %swap3A_771 = tpu.vector_load %arg7[%swap3A_770] {strides = array<i32>} : memref<192xf32, #tpu.memory_space<vmem>>, vector<16xf32>,
      tpu.vector_store %arg7[%swap3A_770], %add3A_769 {strides = array<i32>} : memref<192xf32, #tpu.memory_space<vmem>>, vector<16xf32>,
      %add3A_772 = arith.constant 167 : i32
      %add3A_773 = vector.broadcast %add3A_772 : i32 to vector<16xi32>
      %add3A_774 = arith.addi %iota3A, %add3A_773 : vector<16xi32>
      %gather3A_775 = tpu.vector_load_idx %arg6[%add3A_774] : memref<208xf32, #tpu.memory_space<vmem>>[vector<16xi32>], vector<16xf32>,
      %add3A_776 = arith.constant 168 : i32
      %add3A_777 = vector.broadcast %add3A_776 : i32 to vector<16xi32>
      %add3A_778 = arith.addi %iota3A, %add3A_777 : vector<16xi32>
      %gather3A_779 = tpu.vector_load_idx %arg6[%add3A_778] : memref<208xf32, #tpu.memory_space<vmem>>[vector<16xi32>], vector<16xf32>,
      %add3A_780 = arith.constant 169 : i32
      %add3A_781 = vector.broadcast %add3A_780 : i32 to vector<16xi32>
      %add3A_782 = arith.addi %iota3A, %add3A_781 : vector<16xi32>
      %gather3A_783 = tpu.vector_load_idx %arg6[%add3A_782] : memref<208xf32, #tpu.memory_space<vmem>>[vector<16xi32>], vector<16xf32>,
      %div3A_784 = arith.constant 5.017600e+04 : f32
      %div3A_785 = vector.broadcast %div3A_784 : f32 to vector<16xf32>
      %div3A_786 = arith.divf %gather3A_775, %div3A_785 : vector<16xf32>
      %bitcast3A_787 = vector.bitcast %div3A_786 : vector<16xf32> to vector<16xi32>
      %shift_right_arithmetic3A_788 = arith.constant 16 : i32
      %shift_right_arithmetic3A_789 = vector.broadcast %shift_right_arithmetic3A_788 : i32 to vector<16xi32>
      %shift_right_arithmetic3A_790 = arith.shrsi %bitcast3A_787, %shift_right_arithmetic3A_789 : vector<16xi32>
      %and3A_791 = arith.constant 1 : i32
      %and3A_792 = vector.broadcast %and3A_791 : i32 to vector<16xi32>
      %and3A_793 = arith.andi %shift_right_arithmetic3A_790, %and3A_792 : vector<16xi32>
      %add3A_794 = arith.addi %bitcast3A_787, %and3A_793 : vector<16xi32>
      %add3A_795 = arith.constant 32767 : i32
      %add3A_796 = vector.broadcast %add3A_795 : i32 to vector<16xi32>
      %add3A_797 = arith.addi %add3A_794, %add3A_796 : vector<16xi32>
      %and3A_798 = arith.constant -65536 : i32
      %and3A_799 = vector.broadcast %and3A_798 : i32 to vector<16xi32>
      %and3A_800 = arith.andi %add3A_797, %and3A_799 : vector<16xi32>
      %bitcast3A_801 = vector.bitcast %and3A_800 : vector<16xi32> to vector<16xf32>
      %div3A_802 = arith.constant 5.017600e+04 : f32
      %div3A_803 = vector.broadcast %div3A_802 : f32 to vector<16xf32>
      %div3A_804 = arith.divf %gather3A_779, %div3A_803 : vector<16xf32>
      %bitcast3A_805 = vector.bitcast %div3A_804 : vector<16xf32> to vector<16xi32>
      %shift_right_arithmetic3A_806 = arith.constant 16 : i32
      %shift_right_arithmetic3A_807 = vector.broadcast %shift_right_arithmetic3A_806 : i32 to vector<16xi32>
      %shift_right_arithmetic3A_808 = arith.shrsi %bitcast3A_805, %shift_right_arithmetic3A_807 : vector<16xi32>
      %and3A_809 = arith.constant 1 : i32
      %and3A_810 = vector.broadcast %and3A_809 : i32 to vector<16xi32>
      %and3A_811 = arith.andi %shift_right_arithmetic3A_808, %and3A_810 : vector<16xi32>
      %add3A_812 = arith.addi %bitcast3A_805, %and3A_811 : vector<16xi32>
      %add3A_813 = arith.constant 32767 : i32
      %add3A_814 = vector.broadcast %add3A_813 : i32 to vector<16xi32>
      %add3A_815 = arith.addi %add3A_812, %add3A_814 : vector<16xi32>
      %and3A_816 = arith.constant -65536 : i32
      %and3A_817 = vector.broadcast %and3A_816 : i32 to vector<16xi32>
      %and3A_818 = arith.andi %add3A_815, %and3A_817 : vector<16xi32>
      %bitcast3A_819 = vector.bitcast %and3A_818 : vector<16xi32> to vector<16xf32>
      %div3A_820 = arith.constant 5.017600e+04 : f32
      %div3A_821 = vector.broadcast %div3A_820 : f32 to vector<16xf32>
      %div3A_822 = arith.divf %gather3A_783, %div3A_821 : vector<16xf32>
      %bitcast3A_823 = vector.bitcast %div3A_822 : vector<16xf32> to vector<16xi32>
      %shift_right_arithmetic3A_824 = arith.constant 16 : i32
      %shift_right_arithmetic3A_825 = vector.broadcast %shift_right_arithmetic3A_824 : i32 to vector<16xi32>
      %shift_right_arithmetic3A_826 = arith.shrsi %bitcast3A_823, %shift_right_arithmetic3A_825 : vector<16xi32>
      %and3A_827 = arith.constant 1 : i32
      %and3A_828 = vector.broadcast %and3A_827 : i32 to vector<16xi32>
      %and3A_829 = arith.andi %shift_right_arithmetic3A_826, %and3A_828 : vector<16xi32>
      %add3A_830 = arith.addi %bitcast3A_823, %and3A_829 : vector<16xi32>
      %add3A_831 = arith.constant 32767 : i32
      %add3A_832 = vector.broadcast %add3A_831 : i32 to vector<16xi32>
      %add3A_833 = arith.addi %add3A_830, %add3A_832 : vector<16xi32>
      %and3A_834 = arith.constant -65536 : i32
      %and3A_835 = vector.broadcast %and3A_834 : i32 to vector<16xi32>
      %and3A_836 = arith.andi %add3A_833, %and3A_835 : vector<16xi32>
      %bitcast3A_837 = vector.bitcast %and3A_836 : vector<16xi32> to vector<16xf32>
      %mul3A_838 = arith.mulf %get3A_34, %bitcast3A_801 : vector<16xf32>
      %mul3A_839 = arith.mulf %get3A_36, %bitcast3A_819 : vector<16xf32>
      %add3A_840 = arith.addf %mul3A_838, %mul3A_839 : vector<16xf32>
      %mul3A_841 = arith.mulf %get3A_38, %bitcast3A_837 : vector<16xf32>
      %add3A_842 = arith.addf %add3A_840, %mul3A_841 : vector<16xf32>
      %swap3A_843 = arith.constant 160 : index
      %swap3A_844 = tpu.vector_load %arg7[%swap3A_843] {strides = array<i32>} : memref<192xf32, #tpu.memory_space<vmem>>, vector<16xf32>,
      tpu.vector_store %arg7[%swap3A_843], %add3A_842 {strides = array<i32>} : memref<192xf32, #tpu.memory_space<vmem>>, vector<16xf32>,
      %add3A_845 = arith.constant 183 : i32
      %add3A_846 = vector.broadcast %add3A_845 : i32 to vector<16xi32>
      %add3A_847 = arith.addi %iota3A, %add3A_846 : vector<16xi32>
      %gather3A_848 = tpu.vector_load_idx %arg6[%add3A_847] : memref<208xf32, #tpu.memory_space<vmem>>[vector<16xi32>], vector<16xf32>,
      %add3A_849 = arith.constant 184 : i32
      %add3A_850 = vector.broadcast %add3A_849 : i32 to vector<16xi32>
      %add3A_851 = arith.addi %iota3A, %add3A_850 : vector<16xi32>
      %gather3A_852 = tpu.vector_load_idx %arg6[%add3A_851] : memref<208xf32, #tpu.memory_space<vmem>>[vector<16xi32>], vector<16xf32>,
      %add3A_853 = arith.constant 185 : i32
      %add3A_854 = vector.broadcast %add3A_853 : i32 to vector<16xi32>
      %add3A_855 = arith.addi %iota3A, %add3A_854 : vector<16xi32>
      %gather3A_856 = tpu.vector_load_idx %arg6[%add3A_855] : memref<208xf32, #tpu.memory_space<vmem>>[vector<16xi32>], vector<16xf32>,
      %div3A_857 = arith.constant 5.017600e+04 : f32
      %div3A_858 = vector.broadcast %div3A_857 : f32 to vector<16xf32>
      %div3A_859 = arith.divf %gather3A_848, %div3A_858 : vector<16xf32>
      %bitcast3A_860 = vector.bitcast %div3A_859 : vector<16xf32> to vector<16xi32>
      %shift_right_arithmetic3A_861 = arith.constant 16 : i32
      %shift_right_arithmetic3A_862 = vector.broadcast %shift_right_arithmetic3A_861 : i32 to vector<16xi32>
      %shift_right_arithmetic3A_863 = arith.shrsi %bitcast3A_860, %shift_right_arithmetic3A_862 : vector<16xi32>
      %and3A_864 = arith.constant 1 : i32
      %and3A_865 = vector.broadcast %and3A_864 : i32 to vector<16xi32>
      %and3A_866 = arith.andi %shift_right_arithmetic3A_863, %and3A_865 : vector<16xi32>
      %add3A_867 = arith.addi %bitcast3A_860, %and3A_866 : vector<16xi32>
      %add3A_868 = arith.constant 32767 : i32
      %add3A_869 = vector.broadcast %add3A_868 : i32 to vector<16xi32>
      %add3A_870 = arith.addi %add3A_867, %add3A_869 : vector<16xi32>
      %and3A_871 = arith.constant -65536 : i32
      %and3A_872 = vector.broadcast %and3A_871 : i32 to vector<16xi32>
      %and3A_873 = arith.andi %add3A_870, %and3A_872 : vector<16xi32>
      %bitcast3A_874 = vector.bitcast %and3A_873 : vector<16xi32> to vector<16xf32>
      %div3A_875 = arith.constant 5.017600e+04 : f32
      %div3A_876 = vector.broadcast %div3A_875 : f32 to vector<16xf32>
      %div3A_877 = arith.divf %gather3A_852, %div3A_876 : vector<16xf32>
      %bitcast3A_878 = vector.bitcast %div3A_877 : vector<16xf32> to vector<16xi32>
      %shift_right_arithmetic3A_879 = arith.constant 16 : i32
      %shift_right_arithmetic3A_880 = vector.broadcast %shift_right_arithmetic3A_879 : i32 to vector<16xi32>
      %shift_right_arithmetic3A_881 = arith.shrsi %bitcast3A_878, %shift_right_arithmetic3A_880 : vector<16xi32>
      %and3A_882 = arith.constant 1 : i32
      %and3A_883 = vector.broadcast %and3A_882 : i32 to vector<16xi32>
      %and3A_884 = arith.andi %shift_right_arithmetic3A_881, %and3A_883 : vector<16xi32>
      %add3A_885 = arith.addi %bitcast3A_878, %and3A_884 : vector<16xi32>
      %add3A_886 = arith.constant 32767 : i32
      %add3A_887 = vector.broadcast %add3A_886 : i32 to vector<16xi32>
      %add3A_888 = arith.addi %add3A_885, %add3A_887 : vector<16xi32>
      %and3A_889 = arith.constant -65536 : i32
      %and3A_890 = vector.broadcast %and3A_889 : i32 to vector<16xi32>
      %and3A_891 = arith.andi %add3A_888, %and3A_890 : vector<16xi32>
      %bitcast3A_892 = vector.bitcast %and3A_891 : vector<16xi32> to vector<16xf32>
      %div3A_893 = arith.constant 5.017600e+04 : f32
      %div3A_894 = vector.broadcast %div3A_893 : f32 to vector<16xf32>
      %div3A_895 = arith.divf %gather3A_856, %div3A_894 : vector<16xf32>
      %bitcast3A_896 = vector.bitcast %div3A_895 : vector<16xf32> to vector<16xi32>
      %shift_right_arithmetic3A_897 = arith.constant 16 : i32
      %shift_right_arithmetic3A_898 = vector.broadcast %shift_right_arithmetic3A_897 : i32 to vector<16xi32>
      %shift_right_arithmetic3A_899 = arith.shrsi %bitcast3A_896, %shift_right_arithmetic3A_898 : vector<16xi32>
      %and3A_900 = arith.constant 1 : i32
      %and3A_901 = vector.broadcast %and3A_900 : i32 to vector<16xi32>
      %and3A_902 = arith.andi %shift_right_arithmetic3A_899, %and3A_901 : vector<16xi32>
      %add3A_903 = arith.addi %bitcast3A_896, %and3A_902 : vector<16xi32>
      %add3A_904 = arith.constant 32767 : i32
      %add3A_905 = vector.broadcast %add3A_904 : i32 to vector<16xi32>
      %add3A_906 = arith.addi %add3A_903, %add3A_905 : vector<16xi32>
      %and3A_907 = arith.constant -65536 : i32
      %and3A_908 = vector.broadcast %and3A_907 : i32 to vector<16xi32>
      %and3A_909 = arith.andi %add3A_906, %and3A_908 : vector<16xi32>
      %bitcast3A_910 = vector.bitcast %and3A_909 : vector<16xi32> to vector<16xf32>
      %mul3A_911 = arith.mulf %get3A_34, %bitcast3A_874 : vector<16xf32>
      %mul3A_912 = arith.mulf %get3A_36, %bitcast3A_892 : vector<16xf32>
      %add3A_913 = arith.addf %mul3A_911, %mul3A_912 : vector<16xf32>
      %mul3A_914 = arith.mulf %get3A_38, %bitcast3A_910 : vector<16xf32>
      %add3A_915 = arith.addf %add3A_913, %mul3A_914 : vector<16xf32>
      %swap3A_916 = arith.constant 176 : index
      %swap3A_917 = tpu.vector_load %arg7[%swap3A_916] {strides = array<i32>} : memref<192xf32, #tpu.memory_space<vmem>>, vector<16xf32>,
      tpu.vector_store %arg7[%swap3A_916], %add3A_915 {strides = array<i32>} : memref<192xf32, #tpu.memory_space<vmem>>, vector<16xf32>,
      %get3A_918 = arith.constant 0 : index
      %get3A_919 = tpu.vector_load %arg7[%get3A_918] {strides = array<i32>} : memref<192xf32, #tpu.memory_space<vmem>>, vector<16xf32>,
      %add3A_920 = arith.constant 0 : i32
      %add3A_921 = vector.broadcast %add3A_920 : i32 to vector<16xi32>
      %add3A_922 = arith.addi %iota3A, %add3A_921 : vector<16xi32>
      %eq3A_923 = arith.constant -1 : i32
      %eq3A_924 = vector.broadcast %eq3A_923 : i32 to vector<16xi32>
      %eq3A_925 = arith.cmpi eq, %add3A_922, %eq3A_924 : vector<16xi32>
      %eq3A_926 = arith.constant -1 : i32
      %eq3A_927 = vector.broadcast %eq3A_926 : i32 to vector<16xi32>
      %eq3A_928 = arith.cmpi eq, %add3A_922, %eq3A_927 : vector<16xi32>
      %or3A = arith.ori %eq3A_925, %eq3A_928 : vector<16xi1>
      %eq3A_929 = arith.constant -1 : i32
      %eq3A_930 = vector.broadcast %eq3A_929 : i32 to vector<16xi32>
      %eq3A_931 = arith.cmpi eq, %add3A_922, %eq3A_930 : vector<16xi32>
      %or3A_932 = arith.ori %or3A, %eq3A_931 : vector<16xi1>
      %jit3A_933 = arith.constant -3.000000e+38 : f32
      %broadcast_in_dim3A_934 = vector.broadcast %jit3A_933 : f32 to vector<16xf32>
      %select_n3A_935 = arith.select %or3A_932, %broadcast_in_dim3A_934, %get3A_919 : vector<16xi1>, vector<16xf32>
      %reduce_max3A = arith.constant true
      %reduce_max3A_936 = vector.broadcast %reduce_max3A : i1 to vector<16xi1>
      %reduce_max3A_937 = tpu.scan <max>, %select_n3A_935 masked %reduce_max3A_936 : vector<16xf32>, vector<16xi1> -> vector<16xf32>
      %reduce_max3A_938 = vector.extract %reduce_max3A_937[15] : f32 from vector<16xf32>
      %eq3A_939 = vector.broadcast %reduce_max3A_938 : f32 to vector<16xf32>
      %eq3A_940 = arith.cmpf oeq, %select_n3A_935, %eq3A_939 : vector<16xf32>
      %jit3A_941 = arith.constant 1073741824 : i32
      %broadcast_in_dim3A_942 = vector.broadcast %jit3A_941 : i32 to vector<16xi32>
      %select_n3A_943 = arith.select %eq3A_940, %add3A_922, %broadcast_in_dim3A_942 : vector<16xi1>, vector<16xi32>
      %reduce_min3A = arith.constant true
      %reduce_min3A_944 = vector.broadcast %reduce_min3A : i1 to vector<16xi1>
      %reduce_min3A_945 = arith.constant -2147483648 : i32
      %reduce_min3A_946 = vector.broadcast %reduce_min3A_945 : i32 to vector<16xi32>
      %reduce_min3A_947 = arith.xori %select_n3A_943, %reduce_min3A_946 : vector<16xi32>
      %reduce_min3A_948 = tpu.scan <min>, %reduce_min3A_947 masked %reduce_min3A_944 : vector<16xi32>, vector<16xi1> -> vector<16xi32>
      %reduce_min3A_949 = arith.xori %reduce_min3A_948, %reduce_min3A_946 : vector<16xi32>
      %reduce_min3A_950 = vector.extract %reduce_min3A_949[15] : i32 from vector<16xi32>
      %gt3A = arith.constant -3.000000e+38 : f32
      %gt3A_951 = arith.cmpf ogt, %reduce_max3A_938, %gt3A : f32
      %jit3A_952 = arith.constant -3.000000e+38 : f32
      %select_n3A_953 = arith.select %gt3A_951, %reduce_max3A_938, %jit3A_952 : f32
      %jit3A_954 = arith.constant 1073741824 : i32
      %select_n3A_955 = arith.select %gt3A_951, %reduce_min3A_950, %jit3A_954 : i32
      %get3A_956 = arith.constant 16 : index
      %get3A_957 = tpu.vector_load %arg7[%get3A_956] {strides = array<i32>} : memref<192xf32, #tpu.memory_space<vmem>>, vector<16xf32>,
      %add3A_958 = arith.constant 16 : i32
      %add3A_959 = vector.broadcast %add3A_958 : i32 to vector<16xi32>
      %add3A_960 = arith.addi %iota3A, %add3A_959 : vector<16xi32>
      %eq3A_961 = arith.constant -1 : i32
      %eq3A_962 = vector.broadcast %eq3A_961 : i32 to vector<16xi32>
      %eq3A_963 = arith.cmpi eq, %add3A_960, %eq3A_962 : vector<16xi32>
      %eq3A_964 = arith.constant -1 : i32
      %eq3A_965 = vector.broadcast %eq3A_964 : i32 to vector<16xi32>
      %eq3A_966 = arith.cmpi eq, %add3A_960, %eq3A_965 : vector<16xi32>
      %or3A_967 = arith.ori %eq3A_963, %eq3A_966 : vector<16xi1>
      %eq3A_968 = arith.constant -1 : i32
      %eq3A_969 = vector.broadcast %eq3A_968 : i32 to vector<16xi32>
      %eq3A_970 = arith.cmpi eq, %add3A_960, %eq3A_969 : vector<16xi32>
      %or3A_971 = arith.ori %or3A_967, %eq3A_970 : vector<16xi1>
      %jit3A_972 = arith.constant -3.000000e+38 : f32
      %broadcast_in_dim3A_973 = vector.broadcast %jit3A_972 : f32 to vector<16xf32>
      %select_n3A_974 = arith.select %or3A_971, %broadcast_in_dim3A_973, %get3A_957 : vector<16xi1>, vector<16xf32>
      %reduce_max3A_975 = arith.constant true
      %reduce_max3A_976 = vector.broadcast %reduce_max3A_975 : i1 to vector<16xi1>
      %reduce_max3A_977 = tpu.scan <max>, %select_n3A_974 masked %reduce_max3A_976 : vector<16xf32>, vector<16xi1> -> vector<16xf32>
      %reduce_max3A_978 = vector.extract %reduce_max3A_977[15] : f32 from vector<16xf32>
      %eq3A_979 = vector.broadcast %reduce_max3A_978 : f32 to vector<16xf32>
      %eq3A_980 = arith.cmpf oeq, %select_n3A_974, %eq3A_979 : vector<16xf32>
      %jit3A_981 = arith.constant 1073741824 : i32
      %broadcast_in_dim3A_982 = vector.broadcast %jit3A_981 : i32 to vector<16xi32>
      %select_n3A_983 = arith.select %eq3A_980, %add3A_960, %broadcast_in_dim3A_982 : vector<16xi1>, vector<16xi32>
      %reduce_min3A_984 = arith.constant true
      %reduce_min3A_985 = vector.broadcast %reduce_min3A_984 : i1 to vector<16xi1>
      %reduce_min3A_986 = arith.constant -2147483648 : i32
      %reduce_min3A_987 = vector.broadcast %reduce_min3A_986 : i32 to vector<16xi32>
      %reduce_min3A_988 = arith.xori %select_n3A_983, %reduce_min3A_987 : vector<16xi32>
      %reduce_min3A_989 = tpu.scan <min>, %reduce_min3A_988 masked %reduce_min3A_985 : vector<16xi32>, vector<16xi1> -> vector<16xi32>
      %reduce_min3A_990 = arith.xori %reduce_min3A_989, %reduce_min3A_987 : vector<16xi32>
      %reduce_min3A_991 = vector.extract %reduce_min3A_990[15] : i32 from vector<16xi32>
      %gt3A_992 = arith.cmpf ogt, %reduce_max3A_978, %select_n3A_953 : f32
      %select_n3A_993 = arith.select %gt3A_992, %reduce_max3A_978, %select_n3A_953 : f32
      %select_n3A_994 = arith.select %gt3A_992, %reduce_min3A_991, %select_n3A_955 : i32
      %get3A_995 = arith.constant 32 : index
      %get3A_996 = tpu.vector_load %arg7[%get3A_995] {strides = array<i32>} : memref<192xf32, #tpu.memory_space<vmem>>, vector<16xf32>,
      %add3A_997 = arith.constant 32 : i32
      %add3A_998 = vector.broadcast %add3A_997 : i32 to vector<16xi32>
      %add3A_999 = arith.addi %iota3A, %add3A_998 : vector<16xi32>
      %eq3A_1000 = arith.constant -1 : i32
      %eq3A_1001 = vector.broadcast %eq3A_1000 : i32 to vector<16xi32>
      %eq3A_1002 = arith.cmpi eq, %add3A_999, %eq3A_1001 : vector<16xi32>
      %eq3A_1003 = arith.constant -1 : i32
      %eq3A_1004 = vector.broadcast %eq3A_1003 : i32 to vector<16xi32>
      %eq3A_1005 = arith.cmpi eq, %add3A_999, %eq3A_1004 : vector<16xi32>
      %or3A_1006 = arith.ori %eq3A_1002, %eq3A_1005 : vector<16xi1>
      %eq3A_1007 = arith.constant -1 : i32
      %eq3A_1008 = vector.broadcast %eq3A_1007 : i32 to vector<16xi32>
      %eq3A_1009 = arith.cmpi eq, %add3A_999, %eq3A_1008 : vector<16xi32>
      %or3A_1010 = arith.ori %or3A_1006, %eq3A_1009 : vector<16xi1>
      %jit3A_1011 = arith.constant -3.000000e+38 : f32
      %broadcast_in_dim3A_1012 = vector.broadcast %jit3A_1011 : f32 to vector<16xf32>
      %select_n3A_1013 = arith.select %or3A_1010, %broadcast_in_dim3A_1012, %get3A_996 : vector<16xi1>, vector<16xf32>
      %reduce_max3A_1014 = arith.constant true
      %reduce_max3A_1015 = vector.broadcast %reduce_max3A_1014 : i1 to vector<16xi1>
      %reduce_max3A_1016 = tpu.scan <max>, %select_n3A_1013 masked %reduce_max3A_1015 : vector<16xf32>, vector<16xi1> -> vector<16xf32>
      %reduce_max3A_1017 = vector.extract %reduce_max3A_1016[15] : f32 from vector<16xf32>
      %eq3A_1018 = vector.broadcast %reduce_max3A_1017 : f32 to vector<16xf32>
      %eq3A_1019 = arith.cmpf oeq, %select_n3A_1013, %eq3A_1018 : vector<16xf32>
      %jit3A_1020 = arith.constant 1073741824 : i32
      %broadcast_in_dim3A_1021 = vector.broadcast %jit3A_1020 : i32 to vector<16xi32>
      %select_n3A_1022 = arith.select %eq3A_1019, %add3A_999, %broadcast_in_dim3A_1021 : vector<16xi1>, vector<16xi32>
      %reduce_min3A_1023 = arith.constant true
      %reduce_min3A_1024 = vector.broadcast %reduce_min3A_1023 : i1 to vector<16xi1>
      %reduce_min3A_1025 = arith.constant -2147483648 : i32
      %reduce_min3A_1026 = vector.broadcast %reduce_min3A_1025 : i32 to vector<16xi32>
      %reduce_min3A_1027 = arith.xori %select_n3A_1022, %reduce_min3A_1026 : vector<16xi32>
      %reduce_min3A_1028 = tpu.scan <min>, %reduce_min3A_1027 masked %reduce_min3A_1024 : vector<16xi32>, vector<16xi1> -> vector<16xi32>
      %reduce_min3A_1029 = arith.xori %reduce_min3A_1028, %reduce_min3A_1026 : vector<16xi32>
      %reduce_min3A_1030 = vector.extract %reduce_min3A_1029[15] : i32 from vector<16xi32>
      %gt3A_1031 = arith.cmpf ogt, %reduce_max3A_1017, %select_n3A_993 : f32
      %select_n3A_1032 = arith.select %gt3A_1031, %reduce_max3A_1017, %select_n3A_993 : f32
      %select_n3A_1033 = arith.select %gt3A_1031, %reduce_min3A_1030, %select_n3A_994 : i32
      %get3A_1034 = arith.constant 48 : index
      %get3A_1035 = tpu.vector_load %arg7[%get3A_1034] {strides = array<i32>} : memref<192xf32, #tpu.memory_space<vmem>>, vector<16xf32>,
      %add3A_1036 = arith.constant 48 : i32
      %add3A_1037 = vector.broadcast %add3A_1036 : i32 to vector<16xi32>
      %add3A_1038 = arith.addi %iota3A, %add3A_1037 : vector<16xi32>
      %eq3A_1039 = arith.constant -1 : i32
      %eq3A_1040 = vector.broadcast %eq3A_1039 : i32 to vector<16xi32>
      %eq3A_1041 = arith.cmpi eq, %add3A_1038, %eq3A_1040 : vector<16xi32>
      %eq3A_1042 = arith.constant -1 : i32
      %eq3A_1043 = vector.broadcast %eq3A_1042 : i32 to vector<16xi32>
      %eq3A_1044 = arith.cmpi eq, %add3A_1038, %eq3A_1043 : vector<16xi32>
      %or3A_1045 = arith.ori %eq3A_1041, %eq3A_1044 : vector<16xi1>
      %eq3A_1046 = arith.constant -1 : i32
      %eq3A_1047 = vector.broadcast %eq3A_1046 : i32 to vector<16xi32>
      %eq3A_1048 = arith.cmpi eq, %add3A_1038, %eq3A_1047 : vector<16xi32>
      %or3A_1049 = arith.ori %or3A_1045, %eq3A_1048 : vector<16xi1>
      %jit3A_1050 = arith.constant -3.000000e+38 : f32
      %broadcast_in_dim3A_1051 = vector.broadcast %jit3A_1050 : f32 to vector<16xf32>
      %select_n3A_1052 = arith.select %or3A_1049, %broadcast_in_dim3A_1051, %get3A_1035 : vector<16xi1>, vector<16xf32>
      %reduce_max3A_1053 = arith.constant true
      %reduce_max3A_1054 = vector.broadcast %reduce_max3A_1053 : i1 to vector<16xi1>
      %reduce_max3A_1055 = tpu.scan <max>, %select_n3A_1052 masked %reduce_max3A_1054 : vector<16xf32>, vector<16xi1> -> vector<16xf32>
      %reduce_max3A_1056 = vector.extract %reduce_max3A_1055[15] : f32 from vector<16xf32>
      %eq3A_1057 = vector.broadcast %reduce_max3A_1056 : f32 to vector<16xf32>
      %eq3A_1058 = arith.cmpf oeq, %select_n3A_1052, %eq3A_1057 : vector<16xf32>
      %jit3A_1059 = arith.constant 1073741824 : i32
      %broadcast_in_dim3A_1060 = vector.broadcast %jit3A_1059 : i32 to vector<16xi32>
      %select_n3A_1061 = arith.select %eq3A_1058, %add3A_1038, %broadcast_in_dim3A_1060 : vector<16xi1>, vector<16xi32>
      %reduce_min3A_1062 = arith.constant true
      %reduce_min3A_1063 = vector.broadcast %reduce_min3A_1062 : i1 to vector<16xi1>
      %reduce_min3A_1064 = arith.constant -2147483648 : i32
      %reduce_min3A_1065 = vector.broadcast %reduce_min3A_1064 : i32 to vector<16xi32>
      %reduce_min3A_1066 = arith.xori %select_n3A_1061, %reduce_min3A_1065 : vector<16xi32>
      %reduce_min3A_1067 = tpu.scan <min>, %reduce_min3A_1066 masked %reduce_min3A_1063 : vector<16xi32>, vector<16xi1> -> vector<16xi32>
      %reduce_min3A_1068 = arith.xori %reduce_min3A_1067, %reduce_min3A_1065 : vector<16xi32>
      %reduce_min3A_1069 = vector.extract %reduce_min3A_1068[15] : i32 from vector<16xi32>
      %gt3A_1070 = arith.cmpf ogt, %reduce_max3A_1056, %select_n3A_1032 : f32
      %select_n3A_1071 = arith.select %gt3A_1070, %reduce_max3A_1056, %select_n3A_1032 : f32
      %select_n3A_1072 = arith.select %gt3A_1070, %reduce_min3A_1069, %select_n3A_1033 : i32
      %get3A_1073 = arith.constant 64 : index
      %get3A_1074 = tpu.vector_load %arg7[%get3A_1073] {strides = array<i32>} : memref<192xf32, #tpu.memory_space<vmem>>, vector<16xf32>,
      %add3A_1075 = arith.constant 64 : i32
      %add3A_1076 = vector.broadcast %add3A_1075 : i32 to vector<16xi32>
      %add3A_1077 = arith.addi %iota3A, %add3A_1076 : vector<16xi32>
      %eq3A_1078 = arith.constant -1 : i32
      %eq3A_1079 = vector.broadcast %eq3A_1078 : i32 to vector<16xi32>
      %eq3A_1080 = arith.cmpi eq, %add3A_1077, %eq3A_1079 : vector<16xi32>
      %eq3A_1081 = arith.constant -1 : i32
      %eq3A_1082 = vector.broadcast %eq3A_1081 : i32 to vector<16xi32>
      %eq3A_1083 = arith.cmpi eq, %add3A_1077, %eq3A_1082 : vector<16xi32>
      %or3A_1084 = arith.ori %eq3A_1080, %eq3A_1083 : vector<16xi1>
      %eq3A_1085 = arith.constant -1 : i32
      %eq3A_1086 = vector.broadcast %eq3A_1085 : i32 to vector<16xi32>
      %eq3A_1087 = arith.cmpi eq, %add3A_1077, %eq3A_1086 : vector<16xi32>
      %or3A_1088 = arith.ori %or3A_1084, %eq3A_1087 : vector<16xi1>
      %jit3A_1089 = arith.constant -3.000000e+38 : f32
      %broadcast_in_dim3A_1090 = vector.broadcast %jit3A_1089 : f32 to vector<16xf32>
      %select_n3A_1091 = arith.select %or3A_1088, %broadcast_in_dim3A_1090, %get3A_1074 : vector<16xi1>, vector<16xf32>
      %reduce_max3A_1092 = arith.constant true
      %reduce_max3A_1093 = vector.broadcast %reduce_max3A_1092 : i1 to vector<16xi1>
      %reduce_max3A_1094 = tpu.scan <max>, %select_n3A_1091 masked %reduce_max3A_1093 : vector<16xf32>, vector<16xi1> -> vector<16xf32>
      %reduce_max3A_1095 = vector.extract %reduce_max3A_1094[15] : f32 from vector<16xf32>
      %eq3A_1096 = vector.broadcast %reduce_max3A_1095 : f32 to vector<16xf32>
      %eq3A_1097 = arith.cmpf oeq, %select_n3A_1091, %eq3A_1096 : vector<16xf32>
      %jit3A_1098 = arith.constant 1073741824 : i32
      %broadcast_in_dim3A_1099 = vector.broadcast %jit3A_1098 : i32 to vector<16xi32>
      %select_n3A_1100 = arith.select %eq3A_1097, %add3A_1077, %broadcast_in_dim3A_1099 : vector<16xi1>, vector<16xi32>
      %reduce_min3A_1101 = arith.constant true
      %reduce_min3A_1102 = vector.broadcast %reduce_min3A_1101 : i1 to vector<16xi1>
      %reduce_min3A_1103 = arith.constant -2147483648 : i32
      %reduce_min3A_1104 = vector.broadcast %reduce_min3A_1103 : i32 to vector<16xi32>
      %reduce_min3A_1105 = arith.xori %select_n3A_1100, %reduce_min3A_1104 : vector<16xi32>
      %reduce_min3A_1106 = tpu.scan <min>, %reduce_min3A_1105 masked %reduce_min3A_1102 : vector<16xi32>, vector<16xi1> -> vector<16xi32>
      %reduce_min3A_1107 = arith.xori %reduce_min3A_1106, %reduce_min3A_1104 : vector<16xi32>
      %reduce_min3A_1108 = vector.extract %reduce_min3A_1107[15] : i32 from vector<16xi32>
      %gt3A_1109 = arith.cmpf ogt, %reduce_max3A_1095, %select_n3A_1071 : f32
      %select_n3A_1110 = arith.select %gt3A_1109, %reduce_max3A_1095, %select_n3A_1071 : f32
      %select_n3A_1111 = arith.select %gt3A_1109, %reduce_min3A_1108, %select_n3A_1072 : i32
      %get3A_1112 = arith.constant 80 : index
      %get3A_1113 = tpu.vector_load %arg7[%get3A_1112] {strides = array<i32>} : memref<192xf32, #tpu.memory_space<vmem>>, vector<16xf32>,
      %add3A_1114 = arith.constant 80 : i32
      %add3A_1115 = vector.broadcast %add3A_1114 : i32 to vector<16xi32>
      %add3A_1116 = arith.addi %iota3A, %add3A_1115 : vector<16xi32>
      %eq3A_1117 = arith.constant -1 : i32
      %eq3A_1118 = vector.broadcast %eq3A_1117 : i32 to vector<16xi32>
      %eq3A_1119 = arith.cmpi eq, %add3A_1116, %eq3A_1118 : vector<16xi32>
      %eq3A_1120 = arith.constant -1 : i32
      %eq3A_1121 = vector.broadcast %eq3A_1120 : i32 to vector<16xi32>
      %eq3A_1122 = arith.cmpi eq, %add3A_1116, %eq3A_1121 : vector<16xi32>
      %or3A_1123 = arith.ori %eq3A_1119, %eq3A_1122 : vector<16xi1>
      %eq3A_1124 = arith.constant -1 : i32
      %eq3A_1125 = vector.broadcast %eq3A_1124 : i32 to vector<16xi32>
      %eq3A_1126 = arith.cmpi eq, %add3A_1116, %eq3A_1125 : vector<16xi32>
      %or3A_1127 = arith.ori %or3A_1123, %eq3A_1126 : vector<16xi1>
      %jit3A_1128 = arith.constant -3.000000e+38 : f32
      %broadcast_in_dim3A_1129 = vector.broadcast %jit3A_1128 : f32 to vector<16xf32>
      %select_n3A_1130 = arith.select %or3A_1127, %broadcast_in_dim3A_1129, %get3A_1113 : vector<16xi1>, vector<16xf32>
      %reduce_max3A_1131 = arith.constant true
      %reduce_max3A_1132 = vector.broadcast %reduce_max3A_1131 : i1 to vector<16xi1>
      %reduce_max3A_1133 = tpu.scan <max>, %select_n3A_1130 masked %reduce_max3A_1132 : vector<16xf32>, vector<16xi1> -> vector<16xf32>
      %reduce_max3A_1134 = vector.extract %reduce_max3A_1133[15] : f32 from vector<16xf32>
      %eq3A_1135 = vector.broadcast %reduce_max3A_1134 : f32 to vector<16xf32>
      %eq3A_1136 = arith.cmpf oeq, %select_n3A_1130, %eq3A_1135 : vector<16xf32>
      %jit3A_1137 = arith.constant 1073741824 : i32
      %broadcast_in_dim3A_1138 = vector.broadcast %jit3A_1137 : i32 to vector<16xi32>
      %select_n3A_1139 = arith.select %eq3A_1136, %add3A_1116, %broadcast_in_dim3A_1138 : vector<16xi1>, vector<16xi32>
      %reduce_min3A_1140 = arith.constant true
      %reduce_min3A_1141 = vector.broadcast %reduce_min3A_1140 : i1 to vector<16xi1>
      %reduce_min3A_1142 = arith.constant -2147483648 : i32
      %reduce_min3A_1143 = vector.broadcast %reduce_min3A_1142 : i32 to vector<16xi32>
      %reduce_min3A_1144 = arith.xori %select_n3A_1139, %reduce_min3A_1143 : vector<16xi32>
      %reduce_min3A_1145 = tpu.scan <min>, %reduce_min3A_1144 masked %reduce_min3A_1141 : vector<16xi32>, vector<16xi1> -> vector<16xi32>
      %reduce_min3A_1146 = arith.xori %reduce_min3A_1145, %reduce_min3A_1143 : vector<16xi32>
      %reduce_min3A_1147 = vector.extract %reduce_min3A_1146[15] : i32 from vector<16xi32>
      %gt3A_1148 = arith.cmpf ogt, %reduce_max3A_1134, %select_n3A_1110 : f32
      %select_n3A_1149 = arith.select %gt3A_1148, %reduce_max3A_1134, %select_n3A_1110 : f32
      %select_n3A_1150 = arith.select %gt3A_1148, %reduce_min3A_1147, %select_n3A_1111 : i32
      %get3A_1151 = arith.constant 96 : index
      %get3A_1152 = tpu.vector_load %arg7[%get3A_1151] {strides = array<i32>} : memref<192xf32, #tpu.memory_space<vmem>>, vector<16xf32>,
      %add3A_1153 = arith.constant 96 : i32
      %add3A_1154 = vector.broadcast %add3A_1153 : i32 to vector<16xi32>
      %add3A_1155 = arith.addi %iota3A, %add3A_1154 : vector<16xi32>
      %eq3A_1156 = arith.constant -1 : i32
      %eq3A_1157 = vector.broadcast %eq3A_1156 : i32 to vector<16xi32>
      %eq3A_1158 = arith.cmpi eq, %add3A_1155, %eq3A_1157 : vector<16xi32>
      %eq3A_1159 = arith.constant -1 : i32
      %eq3A_1160 = vector.broadcast %eq3A_1159 : i32 to vector<16xi32>
      %eq3A_1161 = arith.cmpi eq, %add3A_1155, %eq3A_1160 : vector<16xi32>
      %or3A_1162 = arith.ori %eq3A_1158, %eq3A_1161 : vector<16xi1>
      %eq3A_1163 = arith.constant -1 : i32
      %eq3A_1164 = vector.broadcast %eq3A_1163 : i32 to vector<16xi32>
      %eq3A_1165 = arith.cmpi eq, %add3A_1155, %eq3A_1164 : vector<16xi32>
      %or3A_1166 = arith.ori %or3A_1162, %eq3A_1165 : vector<16xi1>
      %jit3A_1167 = arith.constant -3.000000e+38 : f32
      %broadcast_in_dim3A_1168 = vector.broadcast %jit3A_1167 : f32 to vector<16xf32>
      %select_n3A_1169 = arith.select %or3A_1166, %broadcast_in_dim3A_1168, %get3A_1152 : vector<16xi1>, vector<16xf32>
      %reduce_max3A_1170 = arith.constant true
      %reduce_max3A_1171 = vector.broadcast %reduce_max3A_1170 : i1 to vector<16xi1>
      %reduce_max3A_1172 = tpu.scan <max>, %select_n3A_1169 masked %reduce_max3A_1171 : vector<16xf32>, vector<16xi1> -> vector<16xf32>
      %reduce_max3A_1173 = vector.extract %reduce_max3A_1172[15] : f32 from vector<16xf32>
      %eq3A_1174 = vector.broadcast %reduce_max3A_1173 : f32 to vector<16xf32>
      %eq3A_1175 = arith.cmpf oeq, %select_n3A_1169, %eq3A_1174 : vector<16xf32>
      %jit3A_1176 = arith.constant 1073741824 : i32
      %broadcast_in_dim3A_1177 = vector.broadcast %jit3A_1176 : i32 to vector<16xi32>
      %select_n3A_1178 = arith.select %eq3A_1175, %add3A_1155, %broadcast_in_dim3A_1177 : vector<16xi1>, vector<16xi32>
      %reduce_min3A_1179 = arith.constant true
      %reduce_min3A_1180 = vector.broadcast %reduce_min3A_1179 : i1 to vector<16xi1>
      %reduce_min3A_1181 = arith.constant -2147483648 : i32
      %reduce_min3A_1182 = vector.broadcast %reduce_min3A_1181 : i32 to vector<16xi32>
      %reduce_min3A_1183 = arith.xori %select_n3A_1178, %reduce_min3A_1182 : vector<16xi32>
      %reduce_min3A_1184 = tpu.scan <min>, %reduce_min3A_1183 masked %reduce_min3A_1180 : vector<16xi32>, vector<16xi1> -> vector<16xi32>
      %reduce_min3A_1185 = arith.xori %reduce_min3A_1184, %reduce_min3A_1182 : vector<16xi32>
      %reduce_min3A_1186 = vector.extract %reduce_min3A_1185[15] : i32 from vector<16xi32>
      %gt3A_1187 = arith.cmpf ogt, %reduce_max3A_1173, %select_n3A_1149 : f32
      %select_n3A_1188 = arith.select %gt3A_1187, %reduce_max3A_1173, %select_n3A_1149 : f32
      %select_n3A_1189 = arith.select %gt3A_1187, %reduce_min3A_1186, %select_n3A_1150 : i32
      %get3A_1190 = arith.constant 112 : index
      %get3A_1191 = tpu.vector_load %arg7[%get3A_1190] {strides = array<i32>} : memref<192xf32, #tpu.memory_space<vmem>>, vector<16xf32>,
      %add3A_1192 = arith.constant 112 : i32
      %add3A_1193 = vector.broadcast %add3A_1192 : i32 to vector<16xi32>
      %add3A_1194 = arith.addi %iota3A, %add3A_1193 : vector<16xi32>
      %eq3A_1195 = arith.constant -1 : i32
      %eq3A_1196 = vector.broadcast %eq3A_1195 : i32 to vector<16xi32>
      %eq3A_1197 = arith.cmpi eq, %add3A_1194, %eq3A_1196 : vector<16xi32>
      %eq3A_1198 = arith.constant -1 : i32
      %eq3A_1199 = vector.broadcast %eq3A_1198 : i32 to vector<16xi32>
      %eq3A_1200 = arith.cmpi eq, %add3A_1194, %eq3A_1199 : vector<16xi32>
      %or3A_1201 = arith.ori %eq3A_1197, %eq3A_1200 : vector<16xi1>
      %eq3A_1202 = arith.constant -1 : i32
      %eq3A_1203 = vector.broadcast %eq3A_1202 : i32 to vector<16xi32>
      %eq3A_1204 = arith.cmpi eq, %add3A_1194, %eq3A_1203 : vector<16xi32>
      %or3A_1205 = arith.ori %or3A_1201, %eq3A_1204 : vector<16xi1>
      %jit3A_1206 = arith.constant -3.000000e+38 : f32
      %broadcast_in_dim3A_1207 = vector.broadcast %jit3A_1206 : f32 to vector<16xf32>
      %select_n3A_1208 = arith.select %or3A_1205, %broadcast_in_dim3A_1207, %get3A_1191 : vector<16xi1>, vector<16xf32>
      %reduce_max3A_1209 = arith.constant true
      %reduce_max3A_1210 = vector.broadcast %reduce_max3A_1209 : i1 to vector<16xi1>
      %reduce_max3A_1211 = tpu.scan <max>, %select_n3A_1208 masked %reduce_max3A_1210 : vector<16xf32>, vector<16xi1> -> vector<16xf32>
      %reduce_max3A_1212 = vector.extract %reduce_max3A_1211[15] : f32 from vector<16xf32>
      %eq3A_1213 = vector.broadcast %reduce_max3A_1212 : f32 to vector<16xf32>
      %eq3A_1214 = arith.cmpf oeq, %select_n3A_1208, %eq3A_1213 : vector<16xf32>
      %jit3A_1215 = arith.constant 1073741824 : i32
      %broadcast_in_dim3A_1216 = vector.broadcast %jit3A_1215 : i32 to vector<16xi32>
      %select_n3A_1217 = arith.select %eq3A_1214, %add3A_1194, %broadcast_in_dim3A_1216 : vector<16xi1>, vector<16xi32>
      %reduce_min3A_1218 = arith.constant true
      %reduce_min3A_1219 = vector.broadcast %reduce_min3A_1218 : i1 to vector<16xi1>
      %reduce_min3A_1220 = arith.constant -2147483648 : i32
      %reduce_min3A_1221 = vector.broadcast %reduce_min3A_1220 : i32 to vector<16xi32>
      %reduce_min3A_1222 = arith.xori %select_n3A_1217, %reduce_min3A_1221 : vector<16xi32>
      %reduce_min3A_1223 = tpu.scan <min>, %reduce_min3A_1222 masked %reduce_min3A_1219 : vector<16xi32>, vector<16xi1> -> vector<16xi32>
      %reduce_min3A_1224 = arith.xori %reduce_min3A_1223, %reduce_min3A_1221 : vector<16xi32>
      %reduce_min3A_1225 = vector.extract %reduce_min3A_1224[15] : i32 from vector<16xi32>
      %gt3A_1226 = arith.cmpf ogt, %reduce_max3A_1212, %select_n3A_1188 : f32
      %select_n3A_1227 = arith.select %gt3A_1226, %reduce_max3A_1212, %select_n3A_1188 : f32
      %select_n3A_1228 = arith.select %gt3A_1226, %reduce_min3A_1225, %select_n3A_1189 : i32
      %get3A_1229 = arith.constant 128 : index
      %get3A_1230 = tpu.vector_load %arg7[%get3A_1229] {strides = array<i32>} : memref<192xf32, #tpu.memory_space<vmem>>, vector<16xf32>,
      %add3A_1231 = arith.constant 128 : i32
      %add3A_1232 = vector.broadcast %add3A_1231 : i32 to vector<16xi32>
      %add3A_1233 = arith.addi %iota3A, %add3A_1232 : vector<16xi32>
      %eq3A_1234 = arith.constant -1 : i32
      %eq3A_1235 = vector.broadcast %eq3A_1234 : i32 to vector<16xi32>
      %eq3A_1236 = arith.cmpi eq, %add3A_1233, %eq3A_1235 : vector<16xi32>
      %eq3A_1237 = arith.constant -1 : i32
      %eq3A_1238 = vector.broadcast %eq3A_1237 : i32 to vector<16xi32>
      %eq3A_1239 = arith.cmpi eq, %add3A_1233, %eq3A_1238 : vector<16xi32>
      %or3A_1240 = arith.ori %eq3A_1236, %eq3A_1239 : vector<16xi1>
      %eq3A_1241 = arith.constant -1 : i32
      %eq3A_1242 = vector.broadcast %eq3A_1241 : i32 to vector<16xi32>
      %eq3A_1243 = arith.cmpi eq, %add3A_1233, %eq3A_1242 : vector<16xi32>
      %or3A_1244 = arith.ori %or3A_1240, %eq3A_1243 : vector<16xi1>
      %jit3A_1245 = arith.constant -3.000000e+38 : f32
      %broadcast_in_dim3A_1246 = vector.broadcast %jit3A_1245 : f32 to vector<16xf32>
      %select_n3A_1247 = arith.select %or3A_1244, %broadcast_in_dim3A_1246, %get3A_1230 : vector<16xi1>, vector<16xf32>
      %reduce_max3A_1248 = arith.constant true
      %reduce_max3A_1249 = vector.broadcast %reduce_max3A_1248 : i1 to vector<16xi1>
      %reduce_max3A_1250 = tpu.scan <max>, %select_n3A_1247 masked %reduce_max3A_1249 : vector<16xf32>, vector<16xi1> -> vector<16xf32>
      %reduce_max3A_1251 = vector.extract %reduce_max3A_1250[15] : f32 from vector<16xf32>
      %eq3A_1252 = vector.broadcast %reduce_max3A_1251 : f32 to vector<16xf32>
      %eq3A_1253 = arith.cmpf oeq, %select_n3A_1247, %eq3A_1252 : vector<16xf32>
      %jit3A_1254 = arith.constant 1073741824 : i32
      %broadcast_in_dim3A_1255 = vector.broadcast %jit3A_1254 : i32 to vector<16xi32>
      %select_n3A_1256 = arith.select %eq3A_1253, %add3A_1233, %broadcast_in_dim3A_1255 : vector<16xi1>, vector<16xi32>
      %reduce_min3A_1257 = arith.constant true
      %reduce_min3A_1258 = vector.broadcast %reduce_min3A_1257 : i1 to vector<16xi1>
      %reduce_min3A_1259 = arith.constant -2147483648 : i32
      %reduce_min3A_1260 = vector.broadcast %reduce_min3A_1259 : i32 to vector<16xi32>
      %reduce_min3A_1261 = arith.xori %select_n3A_1256, %reduce_min3A_1260 : vector<16xi32>
      %reduce_min3A_1262 = tpu.scan <min>, %reduce_min3A_1261 masked %reduce_min3A_1258 : vector<16xi32>, vector<16xi1> -> vector<16xi32>
      %reduce_min3A_1263 = arith.xori %reduce_min3A_1262, %reduce_min3A_1260 : vector<16xi32>
      %reduce_min3A_1264 = vector.extract %reduce_min3A_1263[15] : i32 from vector<16xi32>
      %gt3A_1265 = arith.cmpf ogt, %reduce_max3A_1251, %select_n3A_1227 : f32
      %select_n3A_1266 = arith.select %gt3A_1265, %reduce_max3A_1251, %select_n3A_1227 : f32
      %select_n3A_1267 = arith.select %gt3A_1265, %reduce_min3A_1264, %select_n3A_1228 : i32
      %get3A_1268 = arith.constant 144 : index
      %get3A_1269 = tpu.vector_load %arg7[%get3A_1268] {strides = array<i32>} : memref<192xf32, #tpu.memory_space<vmem>>, vector<16xf32>,
      %add3A_1270 = arith.constant 144 : i32
      %add3A_1271 = vector.broadcast %add3A_1270 : i32 to vector<16xi32>
      %add3A_1272 = arith.addi %iota3A, %add3A_1271 : vector<16xi32>
      %eq3A_1273 = arith.constant -1 : i32
      %eq3A_1274 = vector.broadcast %eq3A_1273 : i32 to vector<16xi32>
      %eq3A_1275 = arith.cmpi eq, %add3A_1272, %eq3A_1274 : vector<16xi32>
      %eq3A_1276 = arith.constant -1 : i32
      %eq3A_1277 = vector.broadcast %eq3A_1276 : i32 to vector<16xi32>
      %eq3A_1278 = arith.cmpi eq, %add3A_1272, %eq3A_1277 : vector<16xi32>
      %or3A_1279 = arith.ori %eq3A_1275, %eq3A_1278 : vector<16xi1>
      %eq3A_1280 = arith.constant -1 : i32
      %eq3A_1281 = vector.broadcast %eq3A_1280 : i32 to vector<16xi32>
      %eq3A_1282 = arith.cmpi eq, %add3A_1272, %eq3A_1281 : vector<16xi32>
      %or3A_1283 = arith.ori %or3A_1279, %eq3A_1282 : vector<16xi1>
      %jit3A_1284 = arith.constant -3.000000e+38 : f32
      %broadcast_in_dim3A_1285 = vector.broadcast %jit3A_1284 : f32 to vector<16xf32>
      %select_n3A_1286 = arith.select %or3A_1283, %broadcast_in_dim3A_1285, %get3A_1269 : vector<16xi1>, vector<16xf32>
      %reduce_max3A_1287 = arith.constant true
      %reduce_max3A_1288 = vector.broadcast %reduce_max3A_1287 : i1 to vector<16xi1>
      %reduce_max3A_1289 = tpu.scan <max>, %select_n3A_1286 masked %reduce_max3A_1288 : vector<16xf32>, vector<16xi1> -> vector<16xf32>
      %reduce_max3A_1290 = vector.extract %reduce_max3A_1289[15] : f32 from vector<16xf32>
      %eq3A_1291 = vector.broadcast %reduce_max3A_1290 : f32 to vector<16xf32>
      %eq3A_1292 = arith.cmpf oeq, %select_n3A_1286, %eq3A_1291 : vector<16xf32>
      %jit3A_1293 = arith.constant 1073741824 : i32
      %broadcast_in_dim3A_1294 = vector.broadcast %jit3A_1293 : i32 to vector<16xi32>
      %select_n3A_1295 = arith.select %eq3A_1292, %add3A_1272, %broadcast_in_dim3A_1294 : vector<16xi1>, vector<16xi32>
      %reduce_min3A_1296 = arith.constant true
      %reduce_min3A_1297 = vector.broadcast %reduce_min3A_1296 : i1 to vector<16xi1>
      %reduce_min3A_1298 = arith.constant -2147483648 : i32
      %reduce_min3A_1299 = vector.broadcast %reduce_min3A_1298 : i32 to vector<16xi32>
      %reduce_min3A_1300 = arith.xori %select_n3A_1295, %reduce_min3A_1299 : vector<16xi32>
      %reduce_min3A_1301 = tpu.scan <min>, %reduce_min3A_1300 masked %reduce_min3A_1297 : vector<16xi32>, vector<16xi1> -> vector<16xi32>
      %reduce_min3A_1302 = arith.xori %reduce_min3A_1301, %reduce_min3A_1299 : vector<16xi32>
      %reduce_min3A_1303 = vector.extract %reduce_min3A_1302[15] : i32 from vector<16xi32>
      %gt3A_1304 = arith.cmpf ogt, %reduce_max3A_1290, %select_n3A_1266 : f32
      %select_n3A_1305 = arith.select %gt3A_1304, %reduce_max3A_1290, %select_n3A_1266 : f32
      %select_n3A_1306 = arith.select %gt3A_1304, %reduce_min3A_1303, %select_n3A_1267 : i32
      %get3A_1307 = arith.constant 160 : index
      %get3A_1308 = tpu.vector_load %arg7[%get3A_1307] {strides = array<i32>} : memref<192xf32, #tpu.memory_space<vmem>>, vector<16xf32>,
      %add3A_1309 = arith.constant 160 : i32
      %add3A_1310 = vector.broadcast %add3A_1309 : i32 to vector<16xi32>
      %add3A_1311 = arith.addi %iota3A, %add3A_1310 : vector<16xi32>
      %eq3A_1312 = arith.constant -1 : i32
      %eq3A_1313 = vector.broadcast %eq3A_1312 : i32 to vector<16xi32>
      %eq3A_1314 = arith.cmpi eq, %add3A_1311, %eq3A_1313 : vector<16xi32>
      %eq3A_1315 = arith.constant -1 : i32
      %eq3A_1316 = vector.broadcast %eq3A_1315 : i32 to vector<16xi32>
      %eq3A_1317 = arith.cmpi eq, %add3A_1311, %eq3A_1316 : vector<16xi32>
      %or3A_1318 = arith.ori %eq3A_1314, %eq3A_1317 : vector<16xi1>
      %eq3A_1319 = arith.constant -1 : i32
      %eq3A_1320 = vector.broadcast %eq3A_1319 : i32 to vector<16xi32>
      %eq3A_1321 = arith.cmpi eq, %add3A_1311, %eq3A_1320 : vector<16xi32>
      %or3A_1322 = arith.ori %or3A_1318, %eq3A_1321 : vector<16xi1>
      %jit3A_1323 = arith.constant -3.000000e+38 : f32
      %broadcast_in_dim3A_1324 = vector.broadcast %jit3A_1323 : f32 to vector<16xf32>
      %select_n3A_1325 = arith.select %or3A_1322, %broadcast_in_dim3A_1324, %get3A_1308 : vector<16xi1>, vector<16xf32>
      %reduce_max3A_1326 = arith.constant true
      %reduce_max3A_1327 = vector.broadcast %reduce_max3A_1326 : i1 to vector<16xi1>
      %reduce_max3A_1328 = tpu.scan <max>, %select_n3A_1325 masked %reduce_max3A_1327 : vector<16xf32>, vector<16xi1> -> vector<16xf32>
      %reduce_max3A_1329 = vector.extract %reduce_max3A_1328[15] : f32 from vector<16xf32>
      %eq3A_1330 = vector.broadcast %reduce_max3A_1329 : f32 to vector<16xf32>
      %eq3A_1331 = arith.cmpf oeq, %select_n3A_1325, %eq3A_1330 : vector<16xf32>
      %jit3A_1332 = arith.constant 1073741824 : i32
      %broadcast_in_dim3A_1333 = vector.broadcast %jit3A_1332 : i32 to vector<16xi32>
      %select_n3A_1334 = arith.select %eq3A_1331, %add3A_1311, %broadcast_in_dim3A_1333 : vector<16xi1>, vector<16xi32>
      %reduce_min3A_1335 = arith.constant true
      %reduce_min3A_1336 = vector.broadcast %reduce_min3A_1335 : i1 to vector<16xi1>
      %reduce_min3A_1337 = arith.constant -2147483648 : i32
      %reduce_min3A_1338 = vector.broadcast %reduce_min3A_1337 : i32 to vector<16xi32>
      %reduce_min3A_1339 = arith.xori %select_n3A_1334, %reduce_min3A_1338 : vector<16xi32>
      %reduce_min3A_1340 = tpu.scan <min>, %reduce_min3A_1339 masked %reduce_min3A_1336 : vector<16xi32>, vector<16xi1> -> vector<16xi32>
      %reduce_min3A_1341 = arith.xori %reduce_min3A_1340, %reduce_min3A_1338 : vector<16xi32>
      %reduce_min3A_1342 = vector.extract %reduce_min3A_1341[15] : i32 from vector<16xi32>
      %gt3A_1343 = arith.cmpf ogt, %reduce_max3A_1329, %select_n3A_1305 : f32
      %select_n3A_1344 = arith.select %gt3A_1343, %reduce_max3A_1329, %select_n3A_1305 : f32
      %select_n3A_1345 = arith.select %gt3A_1343, %reduce_min3A_1342, %select_n3A_1306 : i32
      %get3A_1346 = arith.constant 176 : index
      %get3A_1347 = tpu.vector_load %arg7[%get3A_1346] {strides = array<i32>} : memref<192xf32, #tpu.memory_space<vmem>>, vector<16xf32>,
      %add3A_1348 = arith.constant 176 : i32
      %add3A_1349 = vector.broadcast %add3A_1348 : i32 to vector<16xi32>
      %add3A_1350 = arith.addi %iota3A, %add3A_1349 : vector<16xi32>
      %eq3A_1351 = arith.constant -1 : i32
      %eq3A_1352 = vector.broadcast %eq3A_1351 : i32 to vector<16xi32>
      %eq3A_1353 = arith.cmpi eq, %add3A_1350, %eq3A_1352 : vector<16xi32>
      %eq3A_1354 = arith.constant -1 : i32
      %eq3A_1355 = vector.broadcast %eq3A_1354 : i32 to vector<16xi32>
      %eq3A_1356 = arith.cmpi eq, %add3A_1350, %eq3A_1355 : vector<16xi32>
      %or3A_1357 = arith.ori %eq3A_1353, %eq3A_1356 : vector<16xi1>
      %eq3A_1358 = arith.constant -1 : i32
      %eq3A_1359 = vector.broadcast %eq3A_1358 : i32 to vector<16xi32>
      %eq3A_1360 = arith.cmpi eq, %add3A_1350, %eq3A_1359 : vector<16xi32>
      %or3A_1361 = arith.ori %or3A_1357, %eq3A_1360 : vector<16xi1>
      %jit3A_1362 = arith.constant -3.000000e+38 : f32
      %broadcast_in_dim3A_1363 = vector.broadcast %jit3A_1362 : f32 to vector<16xf32>
      %select_n3A_1364 = arith.select %or3A_1361, %broadcast_in_dim3A_1363, %get3A_1347 : vector<16xi1>, vector<16xf32>
      %reduce_max3A_1365 = arith.constant true
      %reduce_max3A_1366 = vector.broadcast %reduce_max3A_1365 : i1 to vector<16xi1>
      %reduce_max3A_1367 = tpu.scan <max>, %select_n3A_1364 masked %reduce_max3A_1366 : vector<16xf32>, vector<16xi1> -> vector<16xf32>
      %reduce_max3A_1368 = vector.extract %reduce_max3A_1367[15] : f32 from vector<16xf32>
      %eq3A_1369 = vector.broadcast %reduce_max3A_1368 : f32 to vector<16xf32>
      %eq3A_1370 = arith.cmpf oeq, %select_n3A_1364, %eq3A_1369 : vector<16xf32>
      %jit3A_1371 = arith.constant 1073741824 : i32
      %broadcast_in_dim3A_1372 = vector.broadcast %jit3A_1371 : i32 to vector<16xi32>
      %select_n3A_1373 = arith.select %eq3A_1370, %add3A_1350, %broadcast_in_dim3A_1372 : vector<16xi1>, vector<16xi32>
      %reduce_min3A_1374 = arith.constant true
      %reduce_min3A_1375 = vector.broadcast %reduce_min3A_1374 : i1 to vector<16xi1>
      %reduce_min3A_1376 = arith.constant -2147483648 : i32
      %reduce_min3A_1377 = vector.broadcast %reduce_min3A_1376 : i32 to vector<16xi32>
      %reduce_min3A_1378 = arith.xori %select_n3A_1373, %reduce_min3A_1377 : vector<16xi32>
      %reduce_min3A_1379 = tpu.scan <min>, %reduce_min3A_1378 masked %reduce_min3A_1375 : vector<16xi32>, vector<16xi1> -> vector<16xi32>
      %reduce_min3A_1380 = arith.xori %reduce_min3A_1379, %reduce_min3A_1377 : vector<16xi32>
      %reduce_min3A_1381 = vector.extract %reduce_min3A_1380[15] : i32 from vector<16xi32>
      %gt3A_1382 = arith.cmpf ogt, %reduce_max3A_1368, %select_n3A_1344 : f32
      %select_n3A_1383 = arith.select %gt3A_1382, %reduce_max3A_1368, %select_n3A_1344 : f32
      %select_n3A_1384 = arith.select %gt3A_1382, %reduce_min3A_1381, %select_n3A_1345 : i32
      %get3A_1385 = arith.constant 0 : index
      %get3A_1386 = tpu.vector_load %arg7[%get3A_1385] {strides = array<i32>} : memref<192xf32, #tpu.memory_space<vmem>>, vector<16xf32>,
      %add3A_1387 = arith.constant 0 : i32
      %add3A_1388 = vector.broadcast %add3A_1387 : i32 to vector<16xi32>
      %add3A_1389 = arith.addi %iota3A, %add3A_1388 : vector<16xi32>
      %eq3A_1390 = vector.broadcast %select_n3A_1384 : i32 to vector<16xi32>
      %eq3A_1391 = arith.cmpi eq, %add3A_1389, %eq3A_1390 : vector<16xi32>
      %eq3A_1392 = arith.constant -1 : i32
      %eq3A_1393 = vector.broadcast %eq3A_1392 : i32 to vector<16xi32>
      %eq3A_1394 = arith.cmpi eq, %add3A_1389, %eq3A_1393 : vector<16xi32>
      %or3A_1395 = arith.ori %eq3A_1391, %eq3A_1394 : vector<16xi1>
      %eq3A_1396 = arith.constant -1 : i32
      %eq3A_1397 = vector.broadcast %eq3A_1396 : i32 to vector<16xi32>
      %eq3A_1398 = arith.cmpi eq, %add3A_1389, %eq3A_1397 : vector<16xi32>
      %or3A_1399 = arith.ori %or3A_1395, %eq3A_1398 : vector<16xi1>
      %jit3A_1400 = arith.constant -3.000000e+38 : f32
      %broadcast_in_dim3A_1401 = vector.broadcast %jit3A_1400 : f32 to vector<16xf32>
      %select_n3A_1402 = arith.select %or3A_1399, %broadcast_in_dim3A_1401, %get3A_1386 : vector<16xi1>, vector<16xf32>
      %reduce_max3A_1403 = arith.constant true
      %reduce_max3A_1404 = vector.broadcast %reduce_max3A_1403 : i1 to vector<16xi1>
      %reduce_max3A_1405 = tpu.scan <max>, %select_n3A_1402 masked %reduce_max3A_1404 : vector<16xf32>, vector<16xi1> -> vector<16xf32>
      %reduce_max3A_1406 = vector.extract %reduce_max3A_1405[15] : f32 from vector<16xf32>
      %eq3A_1407 = vector.broadcast %reduce_max3A_1406 : f32 to vector<16xf32>
      %eq3A_1408 = arith.cmpf oeq, %select_n3A_1402, %eq3A_1407 : vector<16xf32>
      %jit3A_1409 = arith.constant 1073741824 : i32
      %broadcast_in_dim3A_1410 = vector.broadcast %jit3A_1409 : i32 to vector<16xi32>
      %select_n3A_1411 = arith.select %eq3A_1408, %add3A_1389, %broadcast_in_dim3A_1410 : vector<16xi1>, vector<16xi32>
      %reduce_min3A_1412 = arith.constant true
      %reduce_min3A_1413 = vector.broadcast %reduce_min3A_1412 : i1 to vector<16xi1>
      %reduce_min3A_1414 = arith.constant -2147483648 : i32
      %reduce_min3A_1415 = vector.broadcast %reduce_min3A_1414 : i32 to vector<16xi32>
      %reduce_min3A_1416 = arith.xori %select_n3A_1411, %reduce_min3A_1415 : vector<16xi32>
      %reduce_min3A_1417 = tpu.scan <min>, %reduce_min3A_1416 masked %reduce_min3A_1413 : vector<16xi32>, vector<16xi1> -> vector<16xi32>
      %reduce_min3A_1418 = arith.xori %reduce_min3A_1417, %reduce_min3A_1415 : vector<16xi32>
      %reduce_min3A_1419 = vector.extract %reduce_min3A_1418[15] : i32 from vector<16xi32>
      %gt3A_1420 = arith.constant -3.000000e+38 : f32
      %gt3A_1421 = arith.cmpf ogt, %reduce_max3A_1406, %gt3A_1420 : f32
      %jit3A_1422 = arith.constant -3.000000e+38 : f32
      %select_n3A_1423 = arith.select %gt3A_1421, %reduce_max3A_1406, %jit3A_1422 : f32
      %jit3A_1424 = arith.constant 1073741824 : i32
      %select_n3A_1425 = arith.select %gt3A_1421, %reduce_min3A_1419, %jit3A_1424 : i32
      %get3A_1426 = arith.constant 16 : index
      %get3A_1427 = tpu.vector_load %arg7[%get3A_1426] {strides = array<i32>} : memref<192xf32, #tpu.memory_space<vmem>>, vector<16xf32>,
      %add3A_1428 = arith.constant 16 : i32
      %add3A_1429 = vector.broadcast %add3A_1428 : i32 to vector<16xi32>
      %add3A_1430 = arith.addi %iota3A, %add3A_1429 : vector<16xi32>
      %eq3A_1431 = vector.broadcast %select_n3A_1384 : i32 to vector<16xi32>
      %eq3A_1432 = arith.cmpi eq, %add3A_1430, %eq3A_1431 : vector<16xi32>
      %eq3A_1433 = arith.constant -1 : i32
      %eq3A_1434 = vector.broadcast %eq3A_1433 : i32 to vector<16xi32>
      %eq3A_1435 = arith.cmpi eq, %add3A_1430, %eq3A_1434 : vector<16xi32>
      %or3A_1436 = arith.ori %eq3A_1432, %eq3A_1435 : vector<16xi1>
      %eq3A_1437 = arith.constant -1 : i32
      %eq3A_1438 = vector.broadcast %eq3A_1437 : i32 to vector<16xi32>
      %eq3A_1439 = arith.cmpi eq, %add3A_1430, %eq3A_1438 : vector<16xi32>
      %or3A_1440 = arith.ori %or3A_1436, %eq3A_1439 : vector<16xi1>
      %jit3A_1441 = arith.constant -3.000000e+38 : f32
      %broadcast_in_dim3A_1442 = vector.broadcast %jit3A_1441 : f32 to vector<16xf32>
      %select_n3A_1443 = arith.select %or3A_1440, %broadcast_in_dim3A_1442, %get3A_1427 : vector<16xi1>, vector<16xf32>
      %reduce_max3A_1444 = arith.constant true
      %reduce_max3A_1445 = vector.broadcast %reduce_max3A_1444 : i1 to vector<16xi1>
      %reduce_max3A_1446 = tpu.scan <max>, %select_n3A_1443 masked %reduce_max3A_1445 : vector<16xf32>, vector<16xi1> -> vector<16xf32>
      %reduce_max3A_1447 = vector.extract %reduce_max3A_1446[15] : f32 from vector<16xf32>
      %eq3A_1448 = vector.broadcast %reduce_max3A_1447 : f32 to vector<16xf32>
      %eq3A_1449 = arith.cmpf oeq, %select_n3A_1443, %eq3A_1448 : vector<16xf32>
      %jit3A_1450 = arith.constant 1073741824 : i32
      %broadcast_in_dim3A_1451 = vector.broadcast %jit3A_1450 : i32 to vector<16xi32>
      %select_n3A_1452 = arith.select %eq3A_1449, %add3A_1430, %broadcast_in_dim3A_1451 : vector<16xi1>, vector<16xi32>
      %reduce_min3A_1453 = arith.constant true
      %reduce_min3A_1454 = vector.broadcast %reduce_min3A_1453 : i1 to vector<16xi1>
      %reduce_min3A_1455 = arith.constant -2147483648 : i32
      %reduce_min3A_1456 = vector.broadcast %reduce_min3A_1455 : i32 to vector<16xi32>
      %reduce_min3A_1457 = arith.xori %select_n3A_1452, %reduce_min3A_1456 : vector<16xi32>
      %reduce_min3A_1458 = tpu.scan <min>, %reduce_min3A_1457 masked %reduce_min3A_1454 : vector<16xi32>, vector<16xi1> -> vector<16xi32>
      %reduce_min3A_1459 = arith.xori %reduce_min3A_1458, %reduce_min3A_1456 : vector<16xi32>
      %reduce_min3A_1460 = vector.extract %reduce_min3A_1459[15] : i32 from vector<16xi32>
      %gt3A_1461 = arith.cmpf ogt, %reduce_max3A_1447, %select_n3A_1423 : f32
      %select_n3A_1462 = arith.select %gt3A_1461, %reduce_max3A_1447, %select_n3A_1423 : f32
      %select_n3A_1463 = arith.select %gt3A_1461, %reduce_min3A_1460, %select_n3A_1425 : i32
      %get3A_1464 = arith.constant 32 : index
      %get3A_1465 = tpu.vector_load %arg7[%get3A_1464] {strides = array<i32>} : memref<192xf32, #tpu.memory_space<vmem>>, vector<16xf32>,
      %add3A_1466 = arith.constant 32 : i32
      %add3A_1467 = vector.broadcast %add3A_1466 : i32 to vector<16xi32>
      %add3A_1468 = arith.addi %iota3A, %add3A_1467 : vector<16xi32>
      %eq3A_1469 = vector.broadcast %select_n3A_1384 : i32 to vector<16xi32>
      %eq3A_1470 = arith.cmpi eq, %add3A_1468, %eq3A_1469 : vector<16xi32>
      %eq3A_1471 = arith.constant -1 : i32
      %eq3A_1472 = vector.broadcast %eq3A_1471 : i32 to vector<16xi32>
      %eq3A_1473 = arith.cmpi eq, %add3A_1468, %eq3A_1472 : vector<16xi32>
      %or3A_1474 = arith.ori %eq3A_1470, %eq3A_1473 : vector<16xi1>
      %eq3A_1475 = arith.constant -1 : i32
      %eq3A_1476 = vector.broadcast %eq3A_1475 : i32 to vector<16xi32>
      %eq3A_1477 = arith.cmpi eq, %add3A_1468, %eq3A_1476 : vector<16xi32>
      %or3A_1478 = arith.ori %or3A_1474, %eq3A_1477 : vector<16xi1>
      %jit3A_1479 = arith.constant -3.000000e+38 : f32
      %broadcast_in_dim3A_1480 = vector.broadcast %jit3A_1479 : f32 to vector<16xf32>
      %select_n3A_1481 = arith.select %or3A_1478, %broadcast_in_dim3A_1480, %get3A_1465 : vector<16xi1>, vector<16xf32>
      %reduce_max3A_1482 = arith.constant true
      %reduce_max3A_1483 = vector.broadcast %reduce_max3A_1482 : i1 to vector<16xi1>
      %reduce_max3A_1484 = tpu.scan <max>, %select_n3A_1481 masked %reduce_max3A_1483 : vector<16xf32>, vector<16xi1> -> vector<16xf32>
      %reduce_max3A_1485 = vector.extract %reduce_max3A_1484[15] : f32 from vector<16xf32>
      %eq3A_1486 = vector.broadcast %reduce_max3A_1485 : f32 to vector<16xf32>
      %eq3A_1487 = arith.cmpf oeq, %select_n3A_1481, %eq3A_1486 : vector<16xf32>
      %jit3A_1488 = arith.constant 1073741824 : i32
      %broadcast_in_dim3A_1489 = vector.broadcast %jit3A_1488 : i32 to vector<16xi32>
      %select_n3A_1490 = arith.select %eq3A_1487, %add3A_1468, %broadcast_in_dim3A_1489 : vector<16xi1>, vector<16xi32>
      %reduce_min3A_1491 = arith.constant true
      %reduce_min3A_1492 = vector.broadcast %reduce_min3A_1491 : i1 to vector<16xi1>
      %reduce_min3A_1493 = arith.constant -2147483648 : i32
      %reduce_min3A_1494 = vector.broadcast %reduce_min3A_1493 : i32 to vector<16xi32>
      %reduce_min3A_1495 = arith.xori %select_n3A_1490, %reduce_min3A_1494 : vector<16xi32>
      %reduce_min3A_1496 = tpu.scan <min>, %reduce_min3A_1495 masked %reduce_min3A_1492 : vector<16xi32>, vector<16xi1> -> vector<16xi32>
      %reduce_min3A_1497 = arith.xori %reduce_min3A_1496, %reduce_min3A_1494 : vector<16xi32>
      %reduce_min3A_1498 = vector.extract %reduce_min3A_1497[15] : i32 from vector<16xi32>
      %gt3A_1499 = arith.cmpf ogt, %reduce_max3A_1485, %select_n3A_1462 : f32
      %select_n3A_1500 = arith.select %gt3A_1499, %reduce_max3A_1485, %select_n3A_1462 : f32
      %select_n3A_1501 = arith.select %gt3A_1499, %reduce_min3A_1498, %select_n3A_1463 : i32
      %get3A_1502 = arith.constant 48 : index
      %get3A_1503 = tpu.vector_load %arg7[%get3A_1502] {strides = array<i32>} : memref<192xf32, #tpu.memory_space<vmem>>, vector<16xf32>,
      %add3A_1504 = arith.constant 48 : i32
      %add3A_1505 = vector.broadcast %add3A_1504 : i32 to vector<16xi32>
      %add3A_1506 = arith.addi %iota3A, %add3A_1505 : vector<16xi32>
      %eq3A_1507 = vector.broadcast %select_n3A_1384 : i32 to vector<16xi32>
      %eq3A_1508 = arith.cmpi eq, %add3A_1506, %eq3A_1507 : vector<16xi32>
      %eq3A_1509 = arith.constant -1 : i32
      %eq3A_1510 = vector.broadcast %eq3A_1509 : i32 to vector<16xi32>
      %eq3A_1511 = arith.cmpi eq, %add3A_1506, %eq3A_1510 : vector<16xi32>
      %or3A_1512 = arith.ori %eq3A_1508, %eq3A_1511 : vector<16xi1>
      %eq3A_1513 = arith.constant -1 : i32
      %eq3A_1514 = vector.broadcast %eq3A_1513 : i32 to vector<16xi32>
      %eq3A_1515 = arith.cmpi eq, %add3A_1506, %eq3A_1514 : vector<16xi32>
      %or3A_1516 = arith.ori %or3A_1512, %eq3A_1515 : vector<16xi1>
      %jit3A_1517 = arith.constant -3.000000e+38 : f32
      %broadcast_in_dim3A_1518 = vector.broadcast %jit3A_1517 : f32 to vector<16xf32>
      %select_n3A_1519 = arith.select %or3A_1516, %broadcast_in_dim3A_1518, %get3A_1503 : vector<16xi1>, vector<16xf32>
      %reduce_max3A_1520 = arith.constant true
      %reduce_max3A_1521 = vector.broadcast %reduce_max3A_1520 : i1 to vector<16xi1>
      %reduce_max3A_1522 = tpu.scan <max>, %select_n3A_1519 masked %reduce_max3A_1521 : vector<16xf32>, vector<16xi1> -> vector<16xf32>
      %reduce_max3A_1523 = vector.extract %reduce_max3A_1522[15] : f32 from vector<16xf32>
      %eq3A_1524 = vector.broadcast %reduce_max3A_1523 : f32 to vector<16xf32>
      %eq3A_1525 = arith.cmpf oeq, %select_n3A_1519, %eq3A_1524 : vector<16xf32>
      %jit3A_1526 = arith.constant 1073741824 : i32
      %broadcast_in_dim3A_1527 = vector.broadcast %jit3A_1526 : i32 to vector<16xi32>
      %select_n3A_1528 = arith.select %eq3A_1525, %add3A_1506, %broadcast_in_dim3A_1527 : vector<16xi1>, vector<16xi32>
      %reduce_min3A_1529 = arith.constant true
      %reduce_min3A_1530 = vector.broadcast %reduce_min3A_1529 : i1 to vector<16xi1>
      %reduce_min3A_1531 = arith.constant -2147483648 : i32
      %reduce_min3A_1532 = vector.broadcast %reduce_min3A_1531 : i32 to vector<16xi32>
      %reduce_min3A_1533 = arith.xori %select_n3A_1528, %reduce_min3A_1532 : vector<16xi32>
      %reduce_min3A_1534 = tpu.scan <min>, %reduce_min3A_1533 masked %reduce_min3A_1530 : vector<16xi32>, vector<16xi1> -> vector<16xi32>
      %reduce_min3A_1535 = arith.xori %reduce_min3A_1534, %reduce_min3A_1532 : vector<16xi32>
      %reduce_min3A_1536 = vector.extract %reduce_min3A_1535[15] : i32 from vector<16xi32>
      %gt3A_1537 = arith.cmpf ogt, %reduce_max3A_1523, %select_n3A_1500 : f32
      %select_n3A_1538 = arith.select %gt3A_1537, %reduce_max3A_1523, %select_n3A_1500 : f32
      %select_n3A_1539 = arith.select %gt3A_1537, %reduce_min3A_1536, %select_n3A_1501 : i32
      %get3A_1540 = arith.constant 64 : index
      %get3A_1541 = tpu.vector_load %arg7[%get3A_1540] {strides = array<i32>} : memref<192xf32, #tpu.memory_space<vmem>>, vector<16xf32>,
      %add3A_1542 = arith.constant 64 : i32
      %add3A_1543 = vector.broadcast %add3A_1542 : i32 to vector<16xi32>
      %add3A_1544 = arith.addi %iota3A, %add3A_1543 : vector<16xi32>
      %eq3A_1545 = vector.broadcast %select_n3A_1384 : i32 to vector<16xi32>
      %eq3A_1546 = arith.cmpi eq, %add3A_1544, %eq3A_1545 : vector<16xi32>
      %eq3A_1547 = arith.constant -1 : i32
      %eq3A_1548 = vector.broadcast %eq3A_1547 : i32 to vector<16xi32>
      %eq3A_1549 = arith.cmpi eq, %add3A_1544, %eq3A_1548 : vector<16xi32>
      %or3A_1550 = arith.ori %eq3A_1546, %eq3A_1549 : vector<16xi1>
      %eq3A_1551 = arith.constant -1 : i32
      %eq3A_1552 = vector.broadcast %eq3A_1551 : i32 to vector<16xi32>
      %eq3A_1553 = arith.cmpi eq, %add3A_1544, %eq3A_1552 : vector<16xi32>
      %or3A_1554 = arith.ori %or3A_1550, %eq3A_1553 : vector<16xi1>
      %jit3A_1555 = arith.constant -3.000000e+38 : f32
      %broadcast_in_dim3A_1556 = vector.broadcast %jit3A_1555 : f32 to vector<16xf32>
      %select_n3A_1557 = arith.select %or3A_1554, %broadcast_in_dim3A_1556, %get3A_1541 : vector<16xi1>, vector<16xf32>
      %reduce_max3A_1558 = arith.constant true
      %reduce_max3A_1559 = vector.broadcast %reduce_max3A_1558 : i1 to vector<16xi1>
      %reduce_max3A_1560 = tpu.scan <max>, %select_n3A_1557 masked %reduce_max3A_1559 : vector<16xf32>, vector<16xi1> -> vector<16xf32>
      %reduce_max3A_1561 = vector.extract %reduce_max3A_1560[15] : f32 from vector<16xf32>
      %eq3A_1562 = vector.broadcast %reduce_max3A_1561 : f32 to vector<16xf32>
      %eq3A_1563 = arith.cmpf oeq, %select_n3A_1557, %eq3A_1562 : vector<16xf32>
      %jit3A_1564 = arith.constant 1073741824 : i32
      %broadcast_in_dim3A_1565 = vector.broadcast %jit3A_1564 : i32 to vector<16xi32>
      %select_n3A_1566 = arith.select %eq3A_1563, %add3A_1544, %broadcast_in_dim3A_1565 : vector<16xi1>, vector<16xi32>
      %reduce_min3A_1567 = arith.constant true
      %reduce_min3A_1568 = vector.broadcast %reduce_min3A_1567 : i1 to vector<16xi1>
      %reduce_min3A_1569 = arith.constant -2147483648 : i32
      %reduce_min3A_1570 = vector.broadcast %reduce_min3A_1569 : i32 to vector<16xi32>
      %reduce_min3A_1571 = arith.xori %select_n3A_1566, %reduce_min3A_1570 : vector<16xi32>
      %reduce_min3A_1572 = tpu.scan <min>, %reduce_min3A_1571 masked %reduce_min3A_1568 : vector<16xi32>, vector<16xi1> -> vector<16xi32>
      %reduce_min3A_1573 = arith.xori %reduce_min3A_1572, %reduce_min3A_1570 : vector<16xi32>
      %reduce_min3A_1574 = vector.extract %reduce_min3A_1573[15] : i32 from vector<16xi32>
      %gt3A_1575 = arith.cmpf ogt, %reduce_max3A_1561, %select_n3A_1538 : f32
      %select_n3A_1576 = arith.select %gt3A_1575, %reduce_max3A_1561, %select_n3A_1538 : f32
      %select_n3A_1577 = arith.select %gt3A_1575, %reduce_min3A_1574, %select_n3A_1539 : i32
      %get3A_1578 = arith.constant 80 : index
      %get3A_1579 = tpu.vector_load %arg7[%get3A_1578] {strides = array<i32>} : memref<192xf32, #tpu.memory_space<vmem>>, vector<16xf32>,
      %add3A_1580 = arith.constant 80 : i32
      %add3A_1581 = vector.broadcast %add3A_1580 : i32 to vector<16xi32>
      %add3A_1582 = arith.addi %iota3A, %add3A_1581 : vector<16xi32>
      %eq3A_1583 = vector.broadcast %select_n3A_1384 : i32 to vector<16xi32>
      %eq3A_1584 = arith.cmpi eq, %add3A_1582, %eq3A_1583 : vector<16xi32>
      %eq3A_1585 = arith.constant -1 : i32
      %eq3A_1586 = vector.broadcast %eq3A_1585 : i32 to vector<16xi32>
      %eq3A_1587 = arith.cmpi eq, %add3A_1582, %eq3A_1586 : vector<16xi32>
      %or3A_1588 = arith.ori %eq3A_1584, %eq3A_1587 : vector<16xi1>
      %eq3A_1589 = arith.constant -1 : i32
      %eq3A_1590 = vector.broadcast %eq3A_1589 : i32 to vector<16xi32>
      %eq3A_1591 = arith.cmpi eq, %add3A_1582, %eq3A_1590 : vector<16xi32>
      %or3A_1592 = arith.ori %or3A_1588, %eq3A_1591 : vector<16xi1>
      %jit3A_1593 = arith.constant -3.000000e+38 : f32
      %broadcast_in_dim3A_1594 = vector.broadcast %jit3A_1593 : f32 to vector<16xf32>
      %select_n3A_1595 = arith.select %or3A_1592, %broadcast_in_dim3A_1594, %get3A_1579 : vector<16xi1>, vector<16xf32>
      %reduce_max3A_1596 = arith.constant true
      %reduce_max3A_1597 = vector.broadcast %reduce_max3A_1596 : i1 to vector<16xi1>
      %reduce_max3A_1598 = tpu.scan <max>, %select_n3A_1595 masked %reduce_max3A_1597 : vector<16xf32>, vector<16xi1> -> vector<16xf32>
      %reduce_max3A_1599 = vector.extract %reduce_max3A_1598[15] : f32 from vector<16xf32>
      %eq3A_1600 = vector.broadcast %reduce_max3A_1599 : f32 to vector<16xf32>
      %eq3A_1601 = arith.cmpf oeq, %select_n3A_1595, %eq3A_1600 : vector<16xf32>
      %jit3A_1602 = arith.constant 1073741824 : i32
      %broadcast_in_dim3A_1603 = vector.broadcast %jit3A_1602 : i32 to vector<16xi32>
      %select_n3A_1604 = arith.select %eq3A_1601, %add3A_1582, %broadcast_in_dim3A_1603 : vector<16xi1>, vector<16xi32>
      %reduce_min3A_1605 = arith.constant true
      %reduce_min3A_1606 = vector.broadcast %reduce_min3A_1605 : i1 to vector<16xi1>
      %reduce_min3A_1607 = arith.constant -2147483648 : i32
      %reduce_min3A_1608 = vector.broadcast %reduce_min3A_1607 : i32 to vector<16xi32>
      %reduce_min3A_1609 = arith.xori %select_n3A_1604, %reduce_min3A_1608 : vector<16xi32>
      %reduce_min3A_1610 = tpu.scan <min>, %reduce_min3A_1609 masked %reduce_min3A_1606 : vector<16xi32>, vector<16xi1> -> vector<16xi32>
      %reduce_min3A_1611 = arith.xori %reduce_min3A_1610, %reduce_min3A_1608 : vector<16xi32>
      %reduce_min3A_1612 = vector.extract %reduce_min3A_1611[15] : i32 from vector<16xi32>
      %gt3A_1613 = arith.cmpf ogt, %reduce_max3A_1599, %select_n3A_1576 : f32
      %select_n3A_1614 = arith.select %gt3A_1613, %reduce_max3A_1599, %select_n3A_1576 : f32
      %select_n3A_1615 = arith.select %gt3A_1613, %reduce_min3A_1612, %select_n3A_1577 : i32
      %get3A_1616 = arith.constant 96 : index
      %get3A_1617 = tpu.vector_load %arg7[%get3A_1616] {strides = array<i32>} : memref<192xf32, #tpu.memory_space<vmem>>, vector<16xf32>,
      %add3A_1618 = arith.constant 96 : i32
      %add3A_1619 = vector.broadcast %add3A_1618 : i32 to vector<16xi32>
      %add3A_1620 = arith.addi %iota3A, %add3A_1619 : vector<16xi32>
      %eq3A_1621 = vector.broadcast %select_n3A_1384 : i32 to vector<16xi32>
      %eq3A_1622 = arith.cmpi eq, %add3A_1620, %eq3A_1621 : vector<16xi32>
      %eq3A_1623 = arith.constant -1 : i32
      %eq3A_1624 = vector.broadcast %eq3A_1623 : i32 to vector<16xi32>
      %eq3A_1625 = arith.cmpi eq, %add3A_1620, %eq3A_1624 : vector<16xi32>
      %or3A_1626 = arith.ori %eq3A_1622, %eq3A_1625 : vector<16xi1>
      %eq3A_1627 = arith.constant -1 : i32
      %eq3A_1628 = vector.broadcast %eq3A_1627 : i32 to vector<16xi32>
      %eq3A_1629 = arith.cmpi eq, %add3A_1620, %eq3A_1628 : vector<16xi32>
      %or3A_1630 = arith.ori %or3A_1626, %eq3A_1629 : vector<16xi1>
      %jit3A_1631 = arith.constant -3.000000e+38 : f32
      %broadcast_in_dim3A_1632 = vector.broadcast %jit3A_1631 : f32 to vector<16xf32>
      %select_n3A_1633 = arith.select %or3A_1630, %broadcast_in_dim3A_1632, %get3A_1617 : vector<16xi1>, vector<16xf32>
      %reduce_max3A_1634 = arith.constant true
      %reduce_max3A_1635 = vector.broadcast %reduce_max3A_1634 : i1 to vector<16xi1>
      %reduce_max3A_1636 = tpu.scan <max>, %select_n3A_1633 masked %reduce_max3A_1635 : vector<16xf32>, vector<16xi1> -> vector<16xf32>
      %reduce_max3A_1637 = vector.extract %reduce_max3A_1636[15] : f32 from vector<16xf32>
      %eq3A_1638 = vector.broadcast %reduce_max3A_1637 : f32 to vector<16xf32>
      %eq3A_1639 = arith.cmpf oeq, %select_n3A_1633, %eq3A_1638 : vector<16xf32>
      %jit3A_1640 = arith.constant 1073741824 : i32
      %broadcast_in_dim3A_1641 = vector.broadcast %jit3A_1640 : i32 to vector<16xi32>
      %select_n3A_1642 = arith.select %eq3A_1639, %add3A_1620, %broadcast_in_dim3A_1641 : vector<16xi1>, vector<16xi32>
      %reduce_min3A_1643 = arith.constant true
      %reduce_min3A_1644 = vector.broadcast %reduce_min3A_1643 : i1 to vector<16xi1>
      %reduce_min3A_1645 = arith.constant -2147483648 : i32
      %reduce_min3A_1646 = vector.broadcast %reduce_min3A_1645 : i32 to vector<16xi32>
      %reduce_min3A_1647 = arith.xori %select_n3A_1642, %reduce_min3A_1646 : vector<16xi32>
      %reduce_min3A_1648 = tpu.scan <min>, %reduce_min3A_1647 masked %reduce_min3A_1644 : vector<16xi32>, vector<16xi1> -> vector<16xi32>
      %reduce_min3A_1649 = arith.xori %reduce_min3A_1648, %reduce_min3A_1646 : vector<16xi32>
      %reduce_min3A_1650 = vector.extract %reduce_min3A_1649[15] : i32 from vector<16xi32>
      %gt3A_1651 = arith.cmpf ogt, %reduce_max3A_1637, %select_n3A_1614 : f32
      %select_n3A_1652 = arith.select %gt3A_1651, %reduce_max3A_1637, %select_n3A_1614 : f32
      %select_n3A_1653 = arith.select %gt3A_1651, %reduce_min3A_1650, %select_n3A_1615 : i32
      %get3A_1654 = arith.constant 112 : index
      %get3A_1655 = tpu.vector_load %arg7[%get3A_1654] {strides = array<i32>} : memref<192xf32, #tpu.memory_space<vmem>>, vector<16xf32>,
      %add3A_1656 = arith.constant 112 : i32
      %add3A_1657 = vector.broadcast %add3A_1656 : i32 to vector<16xi32>
      %add3A_1658 = arith.addi %iota3A, %add3A_1657 : vector<16xi32>
      %eq3A_1659 = vector.broadcast %select_n3A_1384 : i32 to vector<16xi32>
      %eq3A_1660 = arith.cmpi eq, %add3A_1658, %eq3A_1659 : vector<16xi32>
      %eq3A_1661 = arith.constant -1 : i32
      %eq3A_1662 = vector.broadcast %eq3A_1661 : i32 to vector<16xi32>
      %eq3A_1663 = arith.cmpi eq, %add3A_1658, %eq3A_1662 : vector<16xi32>
      %or3A_1664 = arith.ori %eq3A_1660, %eq3A_1663 : vector<16xi1>
      %eq3A_1665 = arith.constant -1 : i32
      %eq3A_1666 = vector.broadcast %eq3A_1665 : i32 to vector<16xi32>
      %eq3A_1667 = arith.cmpi eq, %add3A_1658, %eq3A_1666 : vector<16xi32>
      %or3A_1668 = arith.ori %or3A_1664, %eq3A_1667 : vector<16xi1>
      %jit3A_1669 = arith.constant -3.000000e+38 : f32
      %broadcast_in_dim3A_1670 = vector.broadcast %jit3A_1669 : f32 to vector<16xf32>
      %select_n3A_1671 = arith.select %or3A_1668, %broadcast_in_dim3A_1670, %get3A_1655 : vector<16xi1>, vector<16xf32>
      %reduce_max3A_1672 = arith.constant true
      %reduce_max3A_1673 = vector.broadcast %reduce_max3A_1672 : i1 to vector<16xi1>
      %reduce_max3A_1674 = tpu.scan <max>, %select_n3A_1671 masked %reduce_max3A_1673 : vector<16xf32>, vector<16xi1> -> vector<16xf32>
      %reduce_max3A_1675 = vector.extract %reduce_max3A_1674[15] : f32 from vector<16xf32>
      %eq3A_1676 = vector.broadcast %reduce_max3A_1675 : f32 to vector<16xf32>
      %eq3A_1677 = arith.cmpf oeq, %select_n3A_1671, %eq3A_1676 : vector<16xf32>
      %jit3A_1678 = arith.constant 1073741824 : i32
      %broadcast_in_dim3A_1679 = vector.broadcast %jit3A_1678 : i32 to vector<16xi32>
      %select_n3A_1680 = arith.select %eq3A_1677, %add3A_1658, %broadcast_in_dim3A_1679 : vector<16xi1>, vector<16xi32>
      %reduce_min3A_1681 = arith.constant true
      %reduce_min3A_1682 = vector.broadcast %reduce_min3A_1681 : i1 to vector<16xi1>
      %reduce_min3A_1683 = arith.constant -2147483648 : i32
      %reduce_min3A_1684 = vector.broadcast %reduce_min3A_1683 : i32 to vector<16xi32>
      %reduce_min3A_1685 = arith.xori %select_n3A_1680, %reduce_min3A_1684 : vector<16xi32>
      %reduce_min3A_1686 = tpu.scan <min>, %reduce_min3A_1685 masked %reduce_min3A_1682 : vector<16xi32>, vector<16xi1> -> vector<16xi32>
      %reduce_min3A_1687 = arith.xori %reduce_min3A_1686, %reduce_min3A_1684 : vector<16xi32>
      %reduce_min3A_1688 = vector.extract %reduce_min3A_1687[15] : i32 from vector<16xi32>
      %gt3A_1689 = arith.cmpf ogt, %reduce_max3A_1675, %select_n3A_1652 : f32
      %select_n3A_1690 = arith.select %gt3A_1689, %reduce_max3A_1675, %select_n3A_1652 : f32
      %select_n3A_1691 = arith.select %gt3A_1689, %reduce_min3A_1688, %select_n3A_1653 : i32
      %get3A_1692 = arith.constant 128 : index
      %get3A_1693 = tpu.vector_load %arg7[%get3A_1692] {strides = array<i32>} : memref<192xf32, #tpu.memory_space<vmem>>, vector<16xf32>,
      %add3A_1694 = arith.constant 128 : i32
      %add3A_1695 = vector.broadcast %add3A_1694 : i32 to vector<16xi32>
      %add3A_1696 = arith.addi %iota3A, %add3A_1695 : vector<16xi32>
      %eq3A_1697 = vector.broadcast %select_n3A_1384 : i32 to vector<16xi32>
      %eq3A_1698 = arith.cmpi eq, %add3A_1696, %eq3A_1697 : vector<16xi32>
      %eq3A_1699 = arith.constant -1 : i32
      %eq3A_1700 = vector.broadcast %eq3A_1699 : i32 to vector<16xi32>
      %eq3A_1701 = arith.cmpi eq, %add3A_1696, %eq3A_1700 : vector<16xi32>
      %or3A_1702 = arith.ori %eq3A_1698, %eq3A_1701 : vector<16xi1>
      %eq3A_1703 = arith.constant -1 : i32
      %eq3A_1704 = vector.broadcast %eq3A_1703 : i32 to vector<16xi32>
      %eq3A_1705 = arith.cmpi eq, %add3A_1696, %eq3A_1704 : vector<16xi32>
      %or3A_1706 = arith.ori %or3A_1702, %eq3A_1705 : vector<16xi1>
      %jit3A_1707 = arith.constant -3.000000e+38 : f32
      %broadcast_in_dim3A_1708 = vector.broadcast %jit3A_1707 : f32 to vector<16xf32>
      %select_n3A_1709 = arith.select %or3A_1706, %broadcast_in_dim3A_1708, %get3A_1693 : vector<16xi1>, vector<16xf32>
      %reduce_max3A_1710 = arith.constant true
      %reduce_max3A_1711 = vector.broadcast %reduce_max3A_1710 : i1 to vector<16xi1>
      %reduce_max3A_1712 = tpu.scan <max>, %select_n3A_1709 masked %reduce_max3A_1711 : vector<16xf32>, vector<16xi1> -> vector<16xf32>
      %reduce_max3A_1713 = vector.extract %reduce_max3A_1712[15] : f32 from vector<16xf32>
      %eq3A_1714 = vector.broadcast %reduce_max3A_1713 : f32 to vector<16xf32>
      %eq3A_1715 = arith.cmpf oeq, %select_n3A_1709, %eq3A_1714 : vector<16xf32>
      %jit3A_1716 = arith.constant 1073741824 : i32
      %broadcast_in_dim3A_1717 = vector.broadcast %jit3A_1716 : i32 to vector<16xi32>
      %select_n3A_1718 = arith.select %eq3A_1715, %add3A_1696, %broadcast_in_dim3A_1717 : vector<16xi1>, vector<16xi32>
      %reduce_min3A_1719 = arith.constant true
      %reduce_min3A_1720 = vector.broadcast %reduce_min3A_1719 : i1 to vector<16xi1>
      %reduce_min3A_1721 = arith.constant -2147483648 : i32
      %reduce_min3A_1722 = vector.broadcast %reduce_min3A_1721 : i32 to vector<16xi32>
      %reduce_min3A_1723 = arith.xori %select_n3A_1718, %reduce_min3A_1722 : vector<16xi32>
      %reduce_min3A_1724 = tpu.scan <min>, %reduce_min3A_1723 masked %reduce_min3A_1720 : vector<16xi32>, vector<16xi1> -> vector<16xi32>
      %reduce_min3A_1725 = arith.xori %reduce_min3A_1724, %reduce_min3A_1722 : vector<16xi32>
      %reduce_min3A_1726 = vector.extract %reduce_min3A_1725[15] : i32 from vector<16xi32>
      %gt3A_1727 = arith.cmpf ogt, %reduce_max3A_1713, %select_n3A_1690 : f32
      %select_n3A_1728 = arith.select %gt3A_1727, %reduce_max3A_1713, %select_n3A_1690 : f32
      %select_n3A_1729 = arith.select %gt3A_1727, %reduce_min3A_1726, %select_n3A_1691 : i32
      %get3A_1730 = arith.constant 144 : index
      %get3A_1731 = tpu.vector_load %arg7[%get3A_1730] {strides = array<i32>} : memref<192xf32, #tpu.memory_space<vmem>>, vector<16xf32>,
      %add3A_1732 = arith.constant 144 : i32
      %add3A_1733 = vector.broadcast %add3A_1732 : i32 to vector<16xi32>
      %add3A_1734 = arith.addi %iota3A, %add3A_1733 : vector<16xi32>
      %eq3A_1735 = vector.broadcast %select_n3A_1384 : i32 to vector<16xi32>
      %eq3A_1736 = arith.cmpi eq, %add3A_1734, %eq3A_1735 : vector<16xi32>
      %eq3A_1737 = arith.constant -1 : i32
      %eq3A_1738 = vector.broadcast %eq3A_1737 : i32 to vector<16xi32>
      %eq3A_1739 = arith.cmpi eq, %add3A_1734, %eq3A_1738 : vector<16xi32>
      %or3A_1740 = arith.ori %eq3A_1736, %eq3A_1739 : vector<16xi1>
      %eq3A_1741 = arith.constant -1 : i32
      %eq3A_1742 = vector.broadcast %eq3A_1741 : i32 to vector<16xi32>
      %eq3A_1743 = arith.cmpi eq, %add3A_1734, %eq3A_1742 : vector<16xi32>
      %or3A_1744 = arith.ori %or3A_1740, %eq3A_1743 : vector<16xi1>
      %jit3A_1745 = arith.constant -3.000000e+38 : f32
      %broadcast_in_dim3A_1746 = vector.broadcast %jit3A_1745 : f32 to vector<16xf32>
      %select_n3A_1747 = arith.select %or3A_1744, %broadcast_in_dim3A_1746, %get3A_1731 : vector<16xi1>, vector<16xf32>
      %reduce_max3A_1748 = arith.constant true
      %reduce_max3A_1749 = vector.broadcast %reduce_max3A_1748 : i1 to vector<16xi1>
      %reduce_max3A_1750 = tpu.scan <max>, %select_n3A_1747 masked %reduce_max3A_1749 : vector<16xf32>, vector<16xi1> -> vector<16xf32>
      %reduce_max3A_1751 = vector.extract %reduce_max3A_1750[15] : f32 from vector<16xf32>
      %eq3A_1752 = vector.broadcast %reduce_max3A_1751 : f32 to vector<16xf32>
      %eq3A_1753 = arith.cmpf oeq, %select_n3A_1747, %eq3A_1752 : vector<16xf32>
      %jit3A_1754 = arith.constant 1073741824 : i32
      %broadcast_in_dim3A_1755 = vector.broadcast %jit3A_1754 : i32 to vector<16xi32>
      %select_n3A_1756 = arith.select %eq3A_1753, %add3A_1734, %broadcast_in_dim3A_1755 : vector<16xi1>, vector<16xi32>
      %reduce_min3A_1757 = arith.constant true
      %reduce_min3A_1758 = vector.broadcast %reduce_min3A_1757 : i1 to vector<16xi1>
      %reduce_min3A_1759 = arith.constant -2147483648 : i32
      %reduce_min3A_1760 = vector.broadcast %reduce_min3A_1759 : i32 to vector<16xi32>
      %reduce_min3A_1761 = arith.xori %select_n3A_1756, %reduce_min3A_1760 : vector<16xi32>
      %reduce_min3A_1762 = tpu.scan <min>, %reduce_min3A_1761 masked %reduce_min3A_1758 : vector<16xi32>, vector<16xi1> -> vector<16xi32>
      %reduce_min3A_1763 = arith.xori %reduce_min3A_1762, %reduce_min3A_1760 : vector<16xi32>
      %reduce_min3A_1764 = vector.extract %reduce_min3A_1763[15] : i32 from vector<16xi32>
      %gt3A_1765 = arith.cmpf ogt, %reduce_max3A_1751, %select_n3A_1728 : f32
      %select_n3A_1766 = arith.select %gt3A_1765, %reduce_max3A_1751, %select_n3A_1728 : f32
      %select_n3A_1767 = arith.select %gt3A_1765, %reduce_min3A_1764, %select_n3A_1729 : i32
      %get3A_1768 = arith.constant 160 : index
      %get3A_1769 = tpu.vector_load %arg7[%get3A_1768] {strides = array<i32>} : memref<192xf32, #tpu.memory_space<vmem>>, vector<16xf32>,
      %add3A_1770 = arith.constant 160 : i32
      %add3A_1771 = vector.broadcast %add3A_1770 : i32 to vector<16xi32>
      %add3A_1772 = arith.addi %iota3A, %add3A_1771 : vector<16xi32>
      %eq3A_1773 = vector.broadcast %select_n3A_1384 : i32 to vector<16xi32>
      %eq3A_1774 = arith.cmpi eq, %add3A_1772, %eq3A_1773 : vector<16xi32>
      %eq3A_1775 = arith.constant -1 : i32
      %eq3A_1776 = vector.broadcast %eq3A_1775 : i32 to vector<16xi32>
      %eq3A_1777 = arith.cmpi eq, %add3A_1772, %eq3A_1776 : vector<16xi32>
      %or3A_1778 = arith.ori %eq3A_1774, %eq3A_1777 : vector<16xi1>
      %eq3A_1779 = arith.constant -1 : i32
      %eq3A_1780 = vector.broadcast %eq3A_1779 : i32 to vector<16xi32>
      %eq3A_1781 = arith.cmpi eq, %add3A_1772, %eq3A_1780 : vector<16xi32>
      %or3A_1782 = arith.ori %or3A_1778, %eq3A_1781 : vector<16xi1>
      %jit3A_1783 = arith.constant -3.000000e+38 : f32
      %broadcast_in_dim3A_1784 = vector.broadcast %jit3A_1783 : f32 to vector<16xf32>
      %select_n3A_1785 = arith.select %or3A_1782, %broadcast_in_dim3A_1784, %get3A_1769 : vector<16xi1>, vector<16xf32>
      %reduce_max3A_1786 = arith.constant true
      %reduce_max3A_1787 = vector.broadcast %reduce_max3A_1786 : i1 to vector<16xi1>
      %reduce_max3A_1788 = tpu.scan <max>, %select_n3A_1785 masked %reduce_max3A_1787 : vector<16xf32>, vector<16xi1> -> vector<16xf32>
      %reduce_max3A_1789 = vector.extract %reduce_max3A_1788[15] : f32 from vector<16xf32>
      %eq3A_1790 = vector.broadcast %reduce_max3A_1789 : f32 to vector<16xf32>
      %eq3A_1791 = arith.cmpf oeq, %select_n3A_1785, %eq3A_1790 : vector<16xf32>
      %jit3A_1792 = arith.constant 1073741824 : i32
      %broadcast_in_dim3A_1793 = vector.broadcast %jit3A_1792 : i32 to vector<16xi32>
      %select_n3A_1794 = arith.select %eq3A_1791, %add3A_1772, %broadcast_in_dim3A_1793 : vector<16xi1>, vector<16xi32>
      %reduce_min3A_1795 = arith.constant true
      %reduce_min3A_1796 = vector.broadcast %reduce_min3A_1795 : i1 to vector<16xi1>
      %reduce_min3A_1797 = arith.constant -2147483648 : i32
      %reduce_min3A_1798 = vector.broadcast %reduce_min3A_1797 : i32 to vector<16xi32>
      %reduce_min3A_1799 = arith.xori %select_n3A_1794, %reduce_min3A_1798 : vector<16xi32>
      %reduce_min3A_1800 = tpu.scan <min>, %reduce_min3A_1799 masked %reduce_min3A_1796 : vector<16xi32>, vector<16xi1> -> vector<16xi32>
      %reduce_min3A_1801 = arith.xori %reduce_min3A_1800, %reduce_min3A_1798 : vector<16xi32>
      %reduce_min3A_1802 = vector.extract %reduce_min3A_1801[15] : i32 from vector<16xi32>
      %gt3A_1803 = arith.cmpf ogt, %reduce_max3A_1789, %select_n3A_1766 : f32
      %select_n3A_1804 = arith.select %gt3A_1803, %reduce_max3A_1789, %select_n3A_1766 : f32
      %select_n3A_1805 = arith.select %gt3A_1803, %reduce_min3A_1802, %select_n3A_1767 : i32
      %get3A_1806 = arith.constant 176 : index
      %get3A_1807 = tpu.vector_load %arg7[%get3A_1806] {strides = array<i32>} : memref<192xf32, #tpu.memory_space<vmem>>, vector<16xf32>,
      %add3A_1808 = arith.constant 176 : i32
      %add3A_1809 = vector.broadcast %add3A_1808 : i32 to vector<16xi32>
      %add3A_1810 = arith.addi %iota3A, %add3A_1809 : vector<16xi32>
      %eq3A_1811 = vector.broadcast %select_n3A_1384 : i32 to vector<16xi32>
      %eq3A_1812 = arith.cmpi eq, %add3A_1810, %eq3A_1811 : vector<16xi32>
      %eq3A_1813 = arith.constant -1 : i32
      %eq3A_1814 = vector.broadcast %eq3A_1813 : i32 to vector<16xi32>
      %eq3A_1815 = arith.cmpi eq, %add3A_1810, %eq3A_1814 : vector<16xi32>
      %or3A_1816 = arith.ori %eq3A_1812, %eq3A_1815 : vector<16xi1>
      %eq3A_1817 = arith.constant -1 : i32
      %eq3A_1818 = vector.broadcast %eq3A_1817 : i32 to vector<16xi32>
      %eq3A_1819 = arith.cmpi eq, %add3A_1810, %eq3A_1818 : vector<16xi32>
      %or3A_1820 = arith.ori %or3A_1816, %eq3A_1819 : vector<16xi1>
      %jit3A_1821 = arith.constant -3.000000e+38 : f32
      %broadcast_in_dim3A_1822 = vector.broadcast %jit3A_1821 : f32 to vector<16xf32>
      %select_n3A_1823 = arith.select %or3A_1820, %broadcast_in_dim3A_1822, %get3A_1807 : vector<16xi1>, vector<16xf32>
      %reduce_max3A_1824 = arith.constant true
      %reduce_max3A_1825 = vector.broadcast %reduce_max3A_1824 : i1 to vector<16xi1>
      %reduce_max3A_1826 = tpu.scan <max>, %select_n3A_1823 masked %reduce_max3A_1825 : vector<16xf32>, vector<16xi1> -> vector<16xf32>
      %reduce_max3A_1827 = vector.extract %reduce_max3A_1826[15] : f32 from vector<16xf32>
      %eq3A_1828 = vector.broadcast %reduce_max3A_1827 : f32 to vector<16xf32>
      %eq3A_1829 = arith.cmpf oeq, %select_n3A_1823, %eq3A_1828 : vector<16xf32>
      %jit3A_1830 = arith.constant 1073741824 : i32
      %broadcast_in_dim3A_1831 = vector.broadcast %jit3A_1830 : i32 to vector<16xi32>
      %select_n3A_1832 = arith.select %eq3A_1829, %add3A_1810, %broadcast_in_dim3A_1831 : vector<16xi1>, vector<16xi32>
      %reduce_min3A_1833 = arith.constant true
      %reduce_min3A_1834 = vector.broadcast %reduce_min3A_1833 : i1 to vector<16xi1>
      %reduce_min3A_1835 = arith.constant -2147483648 : i32
      %reduce_min3A_1836 = vector.broadcast %reduce_min3A_1835 : i32 to vector<16xi32>
      %reduce_min3A_1837 = arith.xori %select_n3A_1832, %reduce_min3A_1836 : vector<16xi32>
      %reduce_min3A_1838 = tpu.scan <min>, %reduce_min3A_1837 masked %reduce_min3A_1834 : vector<16xi32>, vector<16xi1> -> vector<16xi32>
      %reduce_min3A_1839 = arith.xori %reduce_min3A_1838, %reduce_min3A_1836 : vector<16xi32>
      %reduce_min3A_1840 = vector.extract %reduce_min3A_1839[15] : i32 from vector<16xi32>
      %gt3A_1841 = arith.cmpf ogt, %reduce_max3A_1827, %select_n3A_1804 : f32
      %select_n3A_1842 = arith.select %gt3A_1841, %reduce_max3A_1827, %select_n3A_1804 : f32
      %select_n3A_1843 = arith.select %gt3A_1841, %reduce_min3A_1840, %select_n3A_1805 : i32
      %get3A_1844 = arith.constant 0 : index
      %get3A_1845 = tpu.vector_load %arg7[%get3A_1844] {strides = array<i32>} : memref<192xf32, #tpu.memory_space<vmem>>, vector<16xf32>,
      %add3A_1846 = arith.constant 0 : i32
      %add3A_1847 = vector.broadcast %add3A_1846 : i32 to vector<16xi32>
      %add3A_1848 = arith.addi %iota3A, %add3A_1847 : vector<16xi32>
      %eq3A_1849 = vector.broadcast %select_n3A_1384 : i32 to vector<16xi32>
      %eq3A_1850 = arith.cmpi eq, %add3A_1848, %eq3A_1849 : vector<16xi32>
      %eq3A_1851 = vector.broadcast %select_n3A_1843 : i32 to vector<16xi32>
      %eq3A_1852 = arith.cmpi eq, %add3A_1848, %eq3A_1851 : vector<16xi32>
      %or3A_1853 = arith.ori %eq3A_1850, %eq3A_1852 : vector<16xi1>
      %eq3A_1854 = arith.constant -1 : i32
      %eq3A_1855 = vector.broadcast %eq3A_1854 : i32 to vector<16xi32>
      %eq3A_1856 = arith.cmpi eq, %add3A_1848, %eq3A_1855 : vector<16xi32>
      %or3A_1857 = arith.ori %or3A_1853, %eq3A_1856 : vector<16xi1>
      %jit3A_1858 = arith.constant -3.000000e+38 : f32
      %broadcast_in_dim3A_1859 = vector.broadcast %jit3A_1858 : f32 to vector<16xf32>
      %select_n3A_1860 = arith.select %or3A_1857, %broadcast_in_dim3A_1859, %get3A_1845 : vector<16xi1>, vector<16xf32>
      %reduce_max3A_1861 = arith.constant true
      %reduce_max3A_1862 = vector.broadcast %reduce_max3A_1861 : i1 to vector<16xi1>
      %reduce_max3A_1863 = tpu.scan <max>, %select_n3A_1860 masked %reduce_max3A_1862 : vector<16xf32>, vector<16xi1> -> vector<16xf32>
      %reduce_max3A_1864 = vector.extract %reduce_max3A_1863[15] : f32 from vector<16xf32>
      %eq3A_1865 = vector.broadcast %reduce_max3A_1864 : f32 to vector<16xf32>
      %eq3A_1866 = arith.cmpf oeq, %select_n3A_1860, %eq3A_1865 : vector<16xf32>
      %jit3A_1867 = arith.constant 1073741824 : i32
      %broadcast_in_dim3A_1868 = vector.broadcast %jit3A_1867 : i32 to vector<16xi32>
      %select_n3A_1869 = arith.select %eq3A_1866, %add3A_1848, %broadcast_in_dim3A_1868 : vector<16xi1>, vector<16xi32>
      %reduce_min3A_1870 = arith.constant true
      %reduce_min3A_1871 = vector.broadcast %reduce_min3A_1870 : i1 to vector<16xi1>
      %reduce_min3A_1872 = arith.constant -2147483648 : i32
      %reduce_min3A_1873 = vector.broadcast %reduce_min3A_1872 : i32 to vector<16xi32>
      %reduce_min3A_1874 = arith.xori %select_n3A_1869, %reduce_min3A_1873 : vector<16xi32>
      %reduce_min3A_1875 = tpu.scan <min>, %reduce_min3A_1874 masked %reduce_min3A_1871 : vector<16xi32>, vector<16xi1> -> vector<16xi32>
      %reduce_min3A_1876 = arith.xori %reduce_min3A_1875, %reduce_min3A_1873 : vector<16xi32>
      %reduce_min3A_1877 = vector.extract %reduce_min3A_1876[15] : i32 from vector<16xi32>
      %gt3A_1878 = arith.constant -3.000000e+38 : f32
      %gt3A_1879 = arith.cmpf ogt, %reduce_max3A_1864, %gt3A_1878 : f32
      %jit3A_1880 = arith.constant -3.000000e+38 : f32
      %select_n3A_1881 = arith.select %gt3A_1879, %reduce_max3A_1864, %jit3A_1880 : f32
      %jit3A_1882 = arith.constant 1073741824 : i32
      %select_n3A_1883 = arith.select %gt3A_1879, %reduce_min3A_1877, %jit3A_1882 : i32
      %get3A_1884 = arith.constant 16 : index
      %get3A_1885 = tpu.vector_load %arg7[%get3A_1884] {strides = array<i32>} : memref<192xf32, #tpu.memory_space<vmem>>, vector<16xf32>,
      %add3A_1886 = arith.constant 16 : i32
      %add3A_1887 = vector.broadcast %add3A_1886 : i32 to vector<16xi32>
      %add3A_1888 = arith.addi %iota3A, %add3A_1887 : vector<16xi32>
      %eq3A_1889 = vector.broadcast %select_n3A_1384 : i32 to vector<16xi32>
      %eq3A_1890 = arith.cmpi eq, %add3A_1888, %eq3A_1889 : vector<16xi32>
      %eq3A_1891 = vector.broadcast %select_n3A_1843 : i32 to vector<16xi32>
      %eq3A_1892 = arith.cmpi eq, %add3A_1888, %eq3A_1891 : vector<16xi32>
      %or3A_1893 = arith.ori %eq3A_1890, %eq3A_1892 : vector<16xi1>
      %eq3A_1894 = arith.constant -1 : i32
      %eq3A_1895 = vector.broadcast %eq3A_1894 : i32 to vector<16xi32>
      %eq3A_1896 = arith.cmpi eq, %add3A_1888, %eq3A_1895 : vector<16xi32>
      %or3A_1897 = arith.ori %or3A_1893, %eq3A_1896 : vector<16xi1>
      %jit3A_1898 = arith.constant -3.000000e+38 : f32
      %broadcast_in_dim3A_1899 = vector.broadcast %jit3A_1898 : f32 to vector<16xf32>
      %select_n3A_1900 = arith.select %or3A_1897, %broadcast_in_dim3A_1899, %get3A_1885 : vector<16xi1>, vector<16xf32>
      %reduce_max3A_1901 = arith.constant true
      %reduce_max3A_1902 = vector.broadcast %reduce_max3A_1901 : i1 to vector<16xi1>
      %reduce_max3A_1903 = tpu.scan <max>, %select_n3A_1900 masked %reduce_max3A_1902 : vector<16xf32>, vector<16xi1> -> vector<16xf32>
      %reduce_max3A_1904 = vector.extract %reduce_max3A_1903[15] : f32 from vector<16xf32>
      %eq3A_1905 = vector.broadcast %reduce_max3A_1904 : f32 to vector<16xf32>
      %eq3A_1906 = arith.cmpf oeq, %select_n3A_1900, %eq3A_1905 : vector<16xf32>
      %jit3A_1907 = arith.constant 1073741824 : i32
      %broadcast_in_dim3A_1908 = vector.broadcast %jit3A_1907 : i32 to vector<16xi32>
      %select_n3A_1909 = arith.select %eq3A_1906, %add3A_1888, %broadcast_in_dim3A_1908 : vector<16xi1>, vector<16xi32>
      %reduce_min3A_1910 = arith.constant true
      %reduce_min3A_1911 = vector.broadcast %reduce_min3A_1910 : i1 to vector<16xi1>
      %reduce_min3A_1912 = arith.constant -2147483648 : i32
      %reduce_min3A_1913 = vector.broadcast %reduce_min3A_1912 : i32 to vector<16xi32>
      %reduce_min3A_1914 = arith.xori %select_n3A_1909, %reduce_min3A_1913 : vector<16xi32>
      %reduce_min3A_1915 = tpu.scan <min>, %reduce_min3A_1914 masked %reduce_min3A_1911 : vector<16xi32>, vector<16xi1> -> vector<16xi32>
      %reduce_min3A_1916 = arith.xori %reduce_min3A_1915, %reduce_min3A_1913 : vector<16xi32>
      %reduce_min3A_1917 = vector.extract %reduce_min3A_1916[15] : i32 from vector<16xi32>
      %gt3A_1918 = arith.cmpf ogt, %reduce_max3A_1904, %select_n3A_1881 : f32
      %select_n3A_1919 = arith.select %gt3A_1918, %reduce_max3A_1904, %select_n3A_1881 : f32
      %select_n3A_1920 = arith.select %gt3A_1918, %reduce_min3A_1917, %select_n3A_1883 : i32
      %get3A_1921 = arith.constant 32 : index
      %get3A_1922 = tpu.vector_load %arg7[%get3A_1921] {strides = array<i32>} : memref<192xf32, #tpu.memory_space<vmem>>, vector<16xf32>,
      %add3A_1923 = arith.constant 32 : i32
      %add3A_1924 = vector.broadcast %add3A_1923 : i32 to vector<16xi32>
      %add3A_1925 = arith.addi %iota3A, %add3A_1924 : vector<16xi32>
      %eq3A_1926 = vector.broadcast %select_n3A_1384 : i32 to vector<16xi32>
      %eq3A_1927 = arith.cmpi eq, %add3A_1925, %eq3A_1926 : vector<16xi32>
      %eq3A_1928 = vector.broadcast %select_n3A_1843 : i32 to vector<16xi32>
      %eq3A_1929 = arith.cmpi eq, %add3A_1925, %eq3A_1928 : vector<16xi32>
      %or3A_1930 = arith.ori %eq3A_1927, %eq3A_1929 : vector<16xi1>
      %eq3A_1931 = arith.constant -1 : i32
      %eq3A_1932 = vector.broadcast %eq3A_1931 : i32 to vector<16xi32>
      %eq3A_1933 = arith.cmpi eq, %add3A_1925, %eq3A_1932 : vector<16xi32>
      %or3A_1934 = arith.ori %or3A_1930, %eq3A_1933 : vector<16xi1>
      %jit3A_1935 = arith.constant -3.000000e+38 : f32
      %broadcast_in_dim3A_1936 = vector.broadcast %jit3A_1935 : f32 to vector<16xf32>
      %select_n3A_1937 = arith.select %or3A_1934, %broadcast_in_dim3A_1936, %get3A_1922 : vector<16xi1>, vector<16xf32>
      %reduce_max3A_1938 = arith.constant true
      %reduce_max3A_1939 = vector.broadcast %reduce_max3A_1938 : i1 to vector<16xi1>
      %reduce_max3A_1940 = tpu.scan <max>, %select_n3A_1937 masked %reduce_max3A_1939 : vector<16xf32>, vector<16xi1> -> vector<16xf32>
      %reduce_max3A_1941 = vector.extract %reduce_max3A_1940[15] : f32 from vector<16xf32>
      %eq3A_1942 = vector.broadcast %reduce_max3A_1941 : f32 to vector<16xf32>
      %eq3A_1943 = arith.cmpf oeq, %select_n3A_1937, %eq3A_1942 : vector<16xf32>
      %jit3A_1944 = arith.constant 1073741824 : i32
      %broadcast_in_dim3A_1945 = vector.broadcast %jit3A_1944 : i32 to vector<16xi32>
      %select_n3A_1946 = arith.select %eq3A_1943, %add3A_1925, %broadcast_in_dim3A_1945 : vector<16xi1>, vector<16xi32>
      %reduce_min3A_1947 = arith.constant true
      %reduce_min3A_1948 = vector.broadcast %reduce_min3A_1947 : i1 to vector<16xi1>
      %reduce_min3A_1949 = arith.constant -2147483648 : i32
      %reduce_min3A_1950 = vector.broadcast %reduce_min3A_1949 : i32 to vector<16xi32>
      %reduce_min3A_1951 = arith.xori %select_n3A_1946, %reduce_min3A_1950 : vector<16xi32>
      %reduce_min3A_1952 = tpu.scan <min>, %reduce_min3A_1951 masked %reduce_min3A_1948 : vector<16xi32>, vector<16xi1> -> vector<16xi32>
      %reduce_min3A_1953 = arith.xori %reduce_min3A_1952, %reduce_min3A_1950 : vector<16xi32>
      %reduce_min3A_1954 = vector.extract %reduce_min3A_1953[15] : i32 from vector<16xi32>
      %gt3A_1955 = arith.cmpf ogt, %reduce_max3A_1941, %select_n3A_1919 : f32
      %select_n3A_1956 = arith.select %gt3A_1955, %reduce_max3A_1941, %select_n3A_1919 : f32
      %select_n3A_1957 = arith.select %gt3A_1955, %reduce_min3A_1954, %select_n3A_1920 : i32
      %get3A_1958 = arith.constant 48 : index
      %get3A_1959 = tpu.vector_load %arg7[%get3A_1958] {strides = array<i32>} : memref<192xf32, #tpu.memory_space<vmem>>, vector<16xf32>,
      %add3A_1960 = arith.constant 48 : i32
      %add3A_1961 = vector.broadcast %add3A_1960 : i32 to vector<16xi32>
      %add3A_1962 = arith.addi %iota3A, %add3A_1961 : vector<16xi32>
      %eq3A_1963 = vector.broadcast %select_n3A_1384 : i32 to vector<16xi32>
      %eq3A_1964 = arith.cmpi eq, %add3A_1962, %eq3A_1963 : vector<16xi32>
      %eq3A_1965 = vector.broadcast %select_n3A_1843 : i32 to vector<16xi32>
      %eq3A_1966 = arith.cmpi eq, %add3A_1962, %eq3A_1965 : vector<16xi32>
      %or3A_1967 = arith.ori %eq3A_1964, %eq3A_1966 : vector<16xi1>
      %eq3A_1968 = arith.constant -1 : i32
      %eq3A_1969 = vector.broadcast %eq3A_1968 : i32 to vector<16xi32>
      %eq3A_1970 = arith.cmpi eq, %add3A_1962, %eq3A_1969 : vector<16xi32>
      %or3A_1971 = arith.ori %or3A_1967, %eq3A_1970 : vector<16xi1>
      %jit3A_1972 = arith.constant -3.000000e+38 : f32
      %broadcast_in_dim3A_1973 = vector.broadcast %jit3A_1972 : f32 to vector<16xf32>
      %select_n3A_1974 = arith.select %or3A_1971, %broadcast_in_dim3A_1973, %get3A_1959 : vector<16xi1>, vector<16xf32>
      %reduce_max3A_1975 = arith.constant true
      %reduce_max3A_1976 = vector.broadcast %reduce_max3A_1975 : i1 to vector<16xi1>
      %reduce_max3A_1977 = tpu.scan <max>, %select_n3A_1974 masked %reduce_max3A_1976 : vector<16xf32>, vector<16xi1> -> vector<16xf32>
      %reduce_max3A_1978 = vector.extract %reduce_max3A_1977[15] : f32 from vector<16xf32>
      %eq3A_1979 = vector.broadcast %reduce_max3A_1978 : f32 to vector<16xf32>
      %eq3A_1980 = arith.cmpf oeq, %select_n3A_1974, %eq3A_1979 : vector<16xf32>
      %jit3A_1981 = arith.constant 1073741824 : i32
      %broadcast_in_dim3A_1982 = vector.broadcast %jit3A_1981 : i32 to vector<16xi32>
      %select_n3A_1983 = arith.select %eq3A_1980, %add3A_1962, %broadcast_in_dim3A_1982 : vector<16xi1>, vector<16xi32>
      %reduce_min3A_1984 = arith.constant true
      %reduce_min3A_1985 = vector.broadcast %reduce_min3A_1984 : i1 to vector<16xi1>
      %reduce_min3A_1986 = arith.constant -2147483648 : i32
      %reduce_min3A_1987 = vector.broadcast %reduce_min3A_1986 : i32 to vector<16xi32>
      %reduce_min3A_1988 = arith.xori %select_n3A_1983, %reduce_min3A_1987 : vector<16xi32>
      %reduce_min3A_1989 = tpu.scan <min>, %reduce_min3A_1988 masked %reduce_min3A_1985 : vector<16xi32>, vector<16xi1> -> vector<16xi32>
      %reduce_min3A_1990 = arith.xori %reduce_min3A_1989, %reduce_min3A_1987 : vector<16xi32>
      %reduce_min3A_1991 = vector.extract %reduce_min3A_1990[15] : i32 from vector<16xi32>
      %gt3A_1992 = arith.cmpf ogt, %reduce_max3A_1978, %select_n3A_1956 : f32
      %select_n3A_1993 = arith.select %gt3A_1992, %reduce_max3A_1978, %select_n3A_1956 : f32
      %select_n3A_1994 = arith.select %gt3A_1992, %reduce_min3A_1991, %select_n3A_1957 : i32
      %get3A_1995 = arith.constant 64 : index
      %get3A_1996 = tpu.vector_load %arg7[%get3A_1995] {strides = array<i32>} : memref<192xf32, #tpu.memory_space<vmem>>, vector<16xf32>,
      %add3A_1997 = arith.constant 64 : i32
      %add3A_1998 = vector.broadcast %add3A_1997 : i32 to vector<16xi32>
      %add3A_1999 = arith.addi %iota3A, %add3A_1998 : vector<16xi32>
      %eq3A_2000 = vector.broadcast %select_n3A_1384 : i32 to vector<16xi32>
      %eq3A_2001 = arith.cmpi eq, %add3A_1999, %eq3A_2000 : vector<16xi32>
      %eq3A_2002 = vector.broadcast %select_n3A_1843 : i32 to vector<16xi32>
      %eq3A_2003 = arith.cmpi eq, %add3A_1999, %eq3A_2002 : vector<16xi32>
      %or3A_2004 = arith.ori %eq3A_2001, %eq3A_2003 : vector<16xi1>
      %eq3A_2005 = arith.constant -1 : i32
      %eq3A_2006 = vector.broadcast %eq3A_2005 : i32 to vector<16xi32>
      %eq3A_2007 = arith.cmpi eq, %add3A_1999, %eq3A_2006 : vector<16xi32>
      %or3A_2008 = arith.ori %or3A_2004, %eq3A_2007 : vector<16xi1>
      %jit3A_2009 = arith.constant -3.000000e+38 : f32
      %broadcast_in_dim3A_2010 = vector.broadcast %jit3A_2009 : f32 to vector<16xf32>
      %select_n3A_2011 = arith.select %or3A_2008, %broadcast_in_dim3A_2010, %get3A_1996 : vector<16xi1>, vector<16xf32>
      %reduce_max3A_2012 = arith.constant true
      %reduce_max3A_2013 = vector.broadcast %reduce_max3A_2012 : i1 to vector<16xi1>
      %reduce_max3A_2014 = tpu.scan <max>, %select_n3A_2011 masked %reduce_max3A_2013 : vector<16xf32>, vector<16xi1> -> vector<16xf32>
      %reduce_max3A_2015 = vector.extract %reduce_max3A_2014[15] : f32 from vector<16xf32>
      %eq3A_2016 = vector.broadcast %reduce_max3A_2015 : f32 to vector<16xf32>
      %eq3A_2017 = arith.cmpf oeq, %select_n3A_2011, %eq3A_2016 : vector<16xf32>
      %jit3A_2018 = arith.constant 1073741824 : i32
      %broadcast_in_dim3A_2019 = vector.broadcast %jit3A_2018 : i32 to vector<16xi32>
      %select_n3A_2020 = arith.select %eq3A_2017, %add3A_1999, %broadcast_in_dim3A_2019 : vector<16xi1>, vector<16xi32>
      %reduce_min3A_2021 = arith.constant true
      %reduce_min3A_2022 = vector.broadcast %reduce_min3A_2021 : i1 to vector<16xi1>
      %reduce_min3A_2023 = arith.constant -2147483648 : i32
      %reduce_min3A_2024 = vector.broadcast %reduce_min3A_2023 : i32 to vector<16xi32>
      %reduce_min3A_2025 = arith.xori %select_n3A_2020, %reduce_min3A_2024 : vector<16xi32>
      %reduce_min3A_2026 = tpu.scan <min>, %reduce_min3A_2025 masked %reduce_min3A_2022 : vector<16xi32>, vector<16xi1> -> vector<16xi32>
      %reduce_min3A_2027 = arith.xori %reduce_min3A_2026, %reduce_min3A_2024 : vector<16xi32>
      %reduce_min3A_2028 = vector.extract %reduce_min3A_2027[15] : i32 from vector<16xi32>
      %gt3A_2029 = arith.cmpf ogt, %reduce_max3A_2015, %select_n3A_1993 : f32
      %select_n3A_2030 = arith.select %gt3A_2029, %reduce_max3A_2015, %select_n3A_1993 : f32
      %select_n3A_2031 = arith.select %gt3A_2029, %reduce_min3A_2028, %select_n3A_1994 : i32
      %get3A_2032 = arith.constant 80 : index
      %get3A_2033 = tpu.vector_load %arg7[%get3A_2032] {strides = array<i32>} : memref<192xf32, #tpu.memory_space<vmem>>, vector<16xf32>,
      %add3A_2034 = arith.constant 80 : i32
      %add3A_2035 = vector.broadcast %add3A_2034 : i32 to vector<16xi32>
      %add3A_2036 = arith.addi %iota3A, %add3A_2035 : vector<16xi32>
      %eq3A_2037 = vector.broadcast %select_n3A_1384 : i32 to vector<16xi32>
      %eq3A_2038 = arith.cmpi eq, %add3A_2036, %eq3A_2037 : vector<16xi32>
      %eq3A_2039 = vector.broadcast %select_n3A_1843 : i32 to vector<16xi32>
      %eq3A_2040 = arith.cmpi eq, %add3A_2036, %eq3A_2039 : vector<16xi32>
      %or3A_2041 = arith.ori %eq3A_2038, %eq3A_2040 : vector<16xi1>
      %eq3A_2042 = arith.constant -1 : i32
      %eq3A_2043 = vector.broadcast %eq3A_2042 : i32 to vector<16xi32>
      %eq3A_2044 = arith.cmpi eq, %add3A_2036, %eq3A_2043 : vector<16xi32>
      %or3A_2045 = arith.ori %or3A_2041, %eq3A_2044 : vector<16xi1>
      %jit3A_2046 = arith.constant -3.000000e+38 : f32
      %broadcast_in_dim3A_2047 = vector.broadcast %jit3A_2046 : f32 to vector<16xf32>
      %select_n3A_2048 = arith.select %or3A_2045, %broadcast_in_dim3A_2047, %get3A_2033 : vector<16xi1>, vector<16xf32>
      %reduce_max3A_2049 = arith.constant true
      %reduce_max3A_2050 = vector.broadcast %reduce_max3A_2049 : i1 to vector<16xi1>
      %reduce_max3A_2051 = tpu.scan <max>, %select_n3A_2048 masked %reduce_max3A_2050 : vector<16xf32>, vector<16xi1> -> vector<16xf32>
      %reduce_max3A_2052 = vector.extract %reduce_max3A_2051[15] : f32 from vector<16xf32>
      %eq3A_2053 = vector.broadcast %reduce_max3A_2052 : f32 to vector<16xf32>
      %eq3A_2054 = arith.cmpf oeq, %select_n3A_2048, %eq3A_2053 : vector<16xf32>
      %jit3A_2055 = arith.constant 1073741824 : i32
      %broadcast_in_dim3A_2056 = vector.broadcast %jit3A_2055 : i32 to vector<16xi32>
      %select_n3A_2057 = arith.select %eq3A_2054, %add3A_2036, %broadcast_in_dim3A_2056 : vector<16xi1>, vector<16xi32>
      %reduce_min3A_2058 = arith.constant true
      %reduce_min3A_2059 = vector.broadcast %reduce_min3A_2058 : i1 to vector<16xi1>
      %reduce_min3A_2060 = arith.constant -2147483648 : i32
      %reduce_min3A_2061 = vector.broadcast %reduce_min3A_2060 : i32 to vector<16xi32>
      %reduce_min3A_2062 = arith.xori %select_n3A_2057, %reduce_min3A_2061 : vector<16xi32>
      %reduce_min3A_2063 = tpu.scan <min>, %reduce_min3A_2062 masked %reduce_min3A_2059 : vector<16xi32>, vector<16xi1> -> vector<16xi32>
      %reduce_min3A_2064 = arith.xori %reduce_min3A_2063, %reduce_min3A_2061 : vector<16xi32>
      %reduce_min3A_2065 = vector.extract %reduce_min3A_2064[15] : i32 from vector<16xi32>
      %gt3A_2066 = arith.cmpf ogt, %reduce_max3A_2052, %select_n3A_2030 : f32
      %select_n3A_2067 = arith.select %gt3A_2066, %reduce_max3A_2052, %select_n3A_2030 : f32
      %select_n3A_2068 = arith.select %gt3A_2066, %reduce_min3A_2065, %select_n3A_2031 : i32
      %get3A_2069 = arith.constant 96 : index
      %get3A_2070 = tpu.vector_load %arg7[%get3A_2069] {strides = array<i32>} : memref<192xf32, #tpu.memory_space<vmem>>, vector<16xf32>,
      %add3A_2071 = arith.constant 96 : i32
      %add3A_2072 = vector.broadcast %add3A_2071 : i32 to vector<16xi32>
      %add3A_2073 = arith.addi %iota3A, %add3A_2072 : vector<16xi32>
      %eq3A_2074 = vector.broadcast %select_n3A_1384 : i32 to vector<16xi32>
      %eq3A_2075 = arith.cmpi eq, %add3A_2073, %eq3A_2074 : vector<16xi32>
      %eq3A_2076 = vector.broadcast %select_n3A_1843 : i32 to vector<16xi32>
      %eq3A_2077 = arith.cmpi eq, %add3A_2073, %eq3A_2076 : vector<16xi32>
      %or3A_2078 = arith.ori %eq3A_2075, %eq3A_2077 : vector<16xi1>
      %eq3A_2079 = arith.constant -1 : i32
      %eq3A_2080 = vector.broadcast %eq3A_2079 : i32 to vector<16xi32>
      %eq3A_2081 = arith.cmpi eq, %add3A_2073, %eq3A_2080 : vector<16xi32>
      %or3A_2082 = arith.ori %or3A_2078, %eq3A_2081 : vector<16xi1>
      %jit3A_2083 = arith.constant -3.000000e+38 : f32
      %broadcast_in_dim3A_2084 = vector.broadcast %jit3A_2083 : f32 to vector<16xf32>
      %select_n3A_2085 = arith.select %or3A_2082, %broadcast_in_dim3A_2084, %get3A_2070 : vector<16xi1>, vector<16xf32>
      %reduce_max3A_2086 = arith.constant true
      %reduce_max3A_2087 = vector.broadcast %reduce_max3A_2086 : i1 to vector<16xi1>
      %reduce_max3A_2088 = tpu.scan <max>, %select_n3A_2085 masked %reduce_max3A_2087 : vector<16xf32>, vector<16xi1> -> vector<16xf32>
      %reduce_max3A_2089 = vector.extract %reduce_max3A_2088[15] : f32 from vector<16xf32>
      %eq3A_2090 = vector.broadcast %reduce_max3A_2089 : f32 to vector<16xf32>
      %eq3A_2091 = arith.cmpf oeq, %select_n3A_2085, %eq3A_2090 : vector<16xf32>
      %jit3A_2092 = arith.constant 1073741824 : i32
      %broadcast_in_dim3A_2093 = vector.broadcast %jit3A_2092 : i32 to vector<16xi32>
      %select_n3A_2094 = arith.select %eq3A_2091, %add3A_2073, %broadcast_in_dim3A_2093 : vector<16xi1>, vector<16xi32>
      %reduce_min3A_2095 = arith.constant true
      %reduce_min3A_2096 = vector.broadcast %reduce_min3A_2095 : i1 to vector<16xi1>
      %reduce_min3A_2097 = arith.constant -2147483648 : i32
      %reduce_min3A_2098 = vector.broadcast %reduce_min3A_2097 : i32 to vector<16xi32>
      %reduce_min3A_2099 = arith.xori %select_n3A_2094, %reduce_min3A_2098 : vector<16xi32>
      %reduce_min3A_2100 = tpu.scan <min>, %reduce_min3A_2099 masked %reduce_min3A_2096 : vector<16xi32>, vector<16xi1> -> vector<16xi32>
      %reduce_min3A_2101 = arith.xori %reduce_min3A_2100, %reduce_min3A_2098 : vector<16xi32>
      %reduce_min3A_2102 = vector.extract %reduce_min3A_2101[15] : i32 from vector<16xi32>
      %gt3A_2103 = arith.cmpf ogt, %reduce_max3A_2089, %select_n3A_2067 : f32
      %select_n3A_2104 = arith.select %gt3A_2103, %reduce_max3A_2089, %select_n3A_2067 : f32
      %select_n3A_2105 = arith.select %gt3A_2103, %reduce_min3A_2102, %select_n3A_2068 : i32
      %get3A_2106 = arith.constant 112 : index
      %get3A_2107 = tpu.vector_load %arg7[%get3A_2106] {strides = array<i32>} : memref<192xf32, #tpu.memory_space<vmem>>, vector<16xf32>,
      %add3A_2108 = arith.constant 112 : i32
      %add3A_2109 = vector.broadcast %add3A_2108 : i32 to vector<16xi32>
      %add3A_2110 = arith.addi %iota3A, %add3A_2109 : vector<16xi32>
      %eq3A_2111 = vector.broadcast %select_n3A_1384 : i32 to vector<16xi32>
      %eq3A_2112 = arith.cmpi eq, %add3A_2110, %eq3A_2111 : vector<16xi32>
      %eq3A_2113 = vector.broadcast %select_n3A_1843 : i32 to vector<16xi32>
      %eq3A_2114 = arith.cmpi eq, %add3A_2110, %eq3A_2113 : vector<16xi32>
      %or3A_2115 = arith.ori %eq3A_2112, %eq3A_2114 : vector<16xi1>
      %eq3A_2116 = arith.constant -1 : i32
      %eq3A_2117 = vector.broadcast %eq3A_2116 : i32 to vector<16xi32>
      %eq3A_2118 = arith.cmpi eq, %add3A_2110, %eq3A_2117 : vector<16xi32>
      %or3A_2119 = arith.ori %or3A_2115, %eq3A_2118 : vector<16xi1>
      %jit3A_2120 = arith.constant -3.000000e+38 : f32
      %broadcast_in_dim3A_2121 = vector.broadcast %jit3A_2120 : f32 to vector<16xf32>
      %select_n3A_2122 = arith.select %or3A_2119, %broadcast_in_dim3A_2121, %get3A_2107 : vector<16xi1>, vector<16xf32>
      %reduce_max3A_2123 = arith.constant true
      %reduce_max3A_2124 = vector.broadcast %reduce_max3A_2123 : i1 to vector<16xi1>
      %reduce_max3A_2125 = tpu.scan <max>, %select_n3A_2122 masked %reduce_max3A_2124 : vector<16xf32>, vector<16xi1> -> vector<16xf32>
      %reduce_max3A_2126 = vector.extract %reduce_max3A_2125[15] : f32 from vector<16xf32>
      %eq3A_2127 = vector.broadcast %reduce_max3A_2126 : f32 to vector<16xf32>
      %eq3A_2128 = arith.cmpf oeq, %select_n3A_2122, %eq3A_2127 : vector<16xf32>
      %jit3A_2129 = arith.constant 1073741824 : i32
      %broadcast_in_dim3A_2130 = vector.broadcast %jit3A_2129 : i32 to vector<16xi32>
      %select_n3A_2131 = arith.select %eq3A_2128, %add3A_2110, %broadcast_in_dim3A_2130 : vector<16xi1>, vector<16xi32>
      %reduce_min3A_2132 = arith.constant true
      %reduce_min3A_2133 = vector.broadcast %reduce_min3A_2132 : i1 to vector<16xi1>
      %reduce_min3A_2134 = arith.constant -2147483648 : i32
      %reduce_min3A_2135 = vector.broadcast %reduce_min3A_2134 : i32 to vector<16xi32>
      %reduce_min3A_2136 = arith.xori %select_n3A_2131, %reduce_min3A_2135 : vector<16xi32>
      %reduce_min3A_2137 = tpu.scan <min>, %reduce_min3A_2136 masked %reduce_min3A_2133 : vector<16xi32>, vector<16xi1> -> vector<16xi32>
      %reduce_min3A_2138 = arith.xori %reduce_min3A_2137, %reduce_min3A_2135 : vector<16xi32>
      %reduce_min3A_2139 = vector.extract %reduce_min3A_2138[15] : i32 from vector<16xi32>
      %gt3A_2140 = arith.cmpf ogt, %reduce_max3A_2126, %select_n3A_2104 : f32
      %select_n3A_2141 = arith.select %gt3A_2140, %reduce_max3A_2126, %select_n3A_2104 : f32
      %select_n3A_2142 = arith.select %gt3A_2140, %reduce_min3A_2139, %select_n3A_2105 : i32
      %get3A_2143 = arith.constant 128 : index
      %get3A_2144 = tpu.vector_load %arg7[%get3A_2143] {strides = array<i32>} : memref<192xf32, #tpu.memory_space<vmem>>, vector<16xf32>,
      %add3A_2145 = arith.constant 128 : i32
      %add3A_2146 = vector.broadcast %add3A_2145 : i32 to vector<16xi32>
      %add3A_2147 = arith.addi %iota3A, %add3A_2146 : vector<16xi32>
      %eq3A_2148 = vector.broadcast %select_n3A_1384 : i32 to vector<16xi32>
      %eq3A_2149 = arith.cmpi eq, %add3A_2147, %eq3A_2148 : vector<16xi32>
      %eq3A_2150 = vector.broadcast %select_n3A_1843 : i32 to vector<16xi32>
      %eq3A_2151 = arith.cmpi eq, %add3A_2147, %eq3A_2150 : vector<16xi32>
      %or3A_2152 = arith.ori %eq3A_2149, %eq3A_2151 : vector<16xi1>
      %eq3A_2153 = arith.constant -1 : i32
      %eq3A_2154 = vector.broadcast %eq3A_2153 : i32 to vector<16xi32>
      %eq3A_2155 = arith.cmpi eq, %add3A_2147, %eq3A_2154 : vector<16xi32>
      %or3A_2156 = arith.ori %or3A_2152, %eq3A_2155 : vector<16xi1>
      %jit3A_2157 = arith.constant -3.000000e+38 : f32
      %broadcast_in_dim3A_2158 = vector.broadcast %jit3A_2157 : f32 to vector<16xf32>
      %select_n3A_2159 = arith.select %or3A_2156, %broadcast_in_dim3A_2158, %get3A_2144 : vector<16xi1>, vector<16xf32>
      %reduce_max3A_2160 = arith.constant true
      %reduce_max3A_2161 = vector.broadcast %reduce_max3A_2160 : i1 to vector<16xi1>
      %reduce_max3A_2162 = tpu.scan <max>, %select_n3A_2159 masked %reduce_max3A_2161 : vector<16xf32>, vector<16xi1> -> vector<16xf32>
      %reduce_max3A_2163 = vector.extract %reduce_max3A_2162[15] : f32 from vector<16xf32>
      %eq3A_2164 = vector.broadcast %reduce_max3A_2163 : f32 to vector<16xf32>
      %eq3A_2165 = arith.cmpf oeq, %select_n3A_2159, %eq3A_2164 : vector<16xf32>
      %jit3A_2166 = arith.constant 1073741824 : i32
      %broadcast_in_dim3A_2167 = vector.broadcast %jit3A_2166 : i32 to vector<16xi32>
      %select_n3A_2168 = arith.select %eq3A_2165, %add3A_2147, %broadcast_in_dim3A_2167 : vector<16xi1>, vector<16xi32>
      %reduce_min3A_2169 = arith.constant true
      %reduce_min3A_2170 = vector.broadcast %reduce_min3A_2169 : i1 to vector<16xi1>
      %reduce_min3A_2171 = arith.constant -2147483648 : i32
      %reduce_min3A_2172 = vector.broadcast %reduce_min3A_2171 : i32 to vector<16xi32>
      %reduce_min3A_2173 = arith.xori %select_n3A_2168, %reduce_min3A_2172 : vector<16xi32>
      %reduce_min3A_2174 = tpu.scan <min>, %reduce_min3A_2173 masked %reduce_min3A_2170 : vector<16xi32>, vector<16xi1> -> vector<16xi32>
      %reduce_min3A_2175 = arith.xori %reduce_min3A_2174, %reduce_min3A_2172 : vector<16xi32>
      %reduce_min3A_2176 = vector.extract %reduce_min3A_2175[15] : i32 from vector<16xi32>
      %gt3A_2177 = arith.cmpf ogt, %reduce_max3A_2163, %select_n3A_2141 : f32
      %select_n3A_2178 = arith.select %gt3A_2177, %reduce_max3A_2163, %select_n3A_2141 : f32
      %select_n3A_2179 = arith.select %gt3A_2177, %reduce_min3A_2176, %select_n3A_2142 : i32
      %get3A_2180 = arith.constant 144 : index
      %get3A_2181 = tpu.vector_load %arg7[%get3A_2180] {strides = array<i32>} : memref<192xf32, #tpu.memory_space<vmem>>, vector<16xf32>,
      %add3A_2182 = arith.constant 144 : i32
      %add3A_2183 = vector.broadcast %add3A_2182 : i32 to vector<16xi32>
      %add3A_2184 = arith.addi %iota3A, %add3A_2183 : vector<16xi32>
      %eq3A_2185 = vector.broadcast %select_n3A_1384 : i32 to vector<16xi32>
      %eq3A_2186 = arith.cmpi eq, %add3A_2184, %eq3A_2185 : vector<16xi32>
      %eq3A_2187 = vector.broadcast %select_n3A_1843 : i32 to vector<16xi32>
      %eq3A_2188 = arith.cmpi eq, %add3A_2184, %eq3A_2187 : vector<16xi32>
      %or3A_2189 = arith.ori %eq3A_2186, %eq3A_2188 : vector<16xi1>
      %eq3A_2190 = arith.constant -1 : i32
      %eq3A_2191 = vector.broadcast %eq3A_2190 : i32 to vector<16xi32>
      %eq3A_2192 = arith.cmpi eq, %add3A_2184, %eq3A_2191 : vector<16xi32>
      %or3A_2193 = arith.ori %or3A_2189, %eq3A_2192 : vector<16xi1>
      %jit3A_2194 = arith.constant -3.000000e+38 : f32
      %broadcast_in_dim3A_2195 = vector.broadcast %jit3A_2194 : f32 to vector<16xf32>
      %select_n3A_2196 = arith.select %or3A_2193, %broadcast_in_dim3A_2195, %get3A_2181 : vector<16xi1>, vector<16xf32>
      %reduce_max3A_2197 = arith.constant true
      %reduce_max3A_2198 = vector.broadcast %reduce_max3A_2197 : i1 to vector<16xi1>
      %reduce_max3A_2199 = tpu.scan <max>, %select_n3A_2196 masked %reduce_max3A_2198 : vector<16xf32>, vector<16xi1> -> vector<16xf32>
      %reduce_max3A_2200 = vector.extract %reduce_max3A_2199[15] : f32 from vector<16xf32>
      %eq3A_2201 = vector.broadcast %reduce_max3A_2200 : f32 to vector<16xf32>
      %eq3A_2202 = arith.cmpf oeq, %select_n3A_2196, %eq3A_2201 : vector<16xf32>
      %jit3A_2203 = arith.constant 1073741824 : i32
      %broadcast_in_dim3A_2204 = vector.broadcast %jit3A_2203 : i32 to vector<16xi32>
      %select_n3A_2205 = arith.select %eq3A_2202, %add3A_2184, %broadcast_in_dim3A_2204 : vector<16xi1>, vector<16xi32>
      %reduce_min3A_2206 = arith.constant true
      %reduce_min3A_2207 = vector.broadcast %reduce_min3A_2206 : i1 to vector<16xi1>
      %reduce_min3A_2208 = arith.constant -2147483648 : i32
      %reduce_min3A_2209 = vector.broadcast %reduce_min3A_2208 : i32 to vector<16xi32>
      %reduce_min3A_2210 = arith.xori %select_n3A_2205, %reduce_min3A_2209 : vector<16xi32>
      %reduce_min3A_2211 = tpu.scan <min>, %reduce_min3A_2210 masked %reduce_min3A_2207 : vector<16xi32>, vector<16xi1> -> vector<16xi32>
      %reduce_min3A_2212 = arith.xori %reduce_min3A_2211, %reduce_min3A_2209 : vector<16xi32>
      %reduce_min3A_2213 = vector.extract %reduce_min3A_2212[15] : i32 from vector<16xi32>
      %gt3A_2214 = arith.cmpf ogt, %reduce_max3A_2200, %select_n3A_2178 : f32
      %select_n3A_2215 = arith.select %gt3A_2214, %reduce_max3A_2200, %select_n3A_2178 : f32
      %select_n3A_2216 = arith.select %gt3A_2214, %reduce_min3A_2213, %select_n3A_2179 : i32
      %get3A_2217 = arith.constant 160 : index
      %get3A_2218 = tpu.vector_load %arg7[%get3A_2217] {strides = array<i32>} : memref<192xf32, #tpu.memory_space<vmem>>, vector<16xf32>,
      %add3A_2219 = arith.constant 160 : i32
      %add3A_2220 = vector.broadcast %add3A_2219 : i32 to vector<16xi32>
      %add3A_2221 = arith.addi %iota3A, %add3A_2220 : vector<16xi32>
      %eq3A_2222 = vector.broadcast %select_n3A_1384 : i32 to vector<16xi32>
      %eq3A_2223 = arith.cmpi eq, %add3A_2221, %eq3A_2222 : vector<16xi32>
      %eq3A_2224 = vector.broadcast %select_n3A_1843 : i32 to vector<16xi32>
      %eq3A_2225 = arith.cmpi eq, %add3A_2221, %eq3A_2224 : vector<16xi32>
      %or3A_2226 = arith.ori %eq3A_2223, %eq3A_2225 : vector<16xi1>
      %eq3A_2227 = arith.constant -1 : i32
      %eq3A_2228 = vector.broadcast %eq3A_2227 : i32 to vector<16xi32>
      %eq3A_2229 = arith.cmpi eq, %add3A_2221, %eq3A_2228 : vector<16xi32>
      %or3A_2230 = arith.ori %or3A_2226, %eq3A_2229 : vector<16xi1>
      %jit3A_2231 = arith.constant -3.000000e+38 : f32
      %broadcast_in_dim3A_2232 = vector.broadcast %jit3A_2231 : f32 to vector<16xf32>
      %select_n3A_2233 = arith.select %or3A_2230, %broadcast_in_dim3A_2232, %get3A_2218 : vector<16xi1>, vector<16xf32>
      %reduce_max3A_2234 = arith.constant true
      %reduce_max3A_2235 = vector.broadcast %reduce_max3A_2234 : i1 to vector<16xi1>
      %reduce_max3A_2236 = tpu.scan <max>, %select_n3A_2233 masked %reduce_max3A_2235 : vector<16xf32>, vector<16xi1> -> vector<16xf32>
      %reduce_max3A_2237 = vector.extract %reduce_max3A_2236[15] : f32 from vector<16xf32>
      %eq3A_2238 = vector.broadcast %reduce_max3A_2237 : f32 to vector<16xf32>
      %eq3A_2239 = arith.cmpf oeq, %select_n3A_2233, %eq3A_2238 : vector<16xf32>
      %jit3A_2240 = arith.constant 1073741824 : i32
      %broadcast_in_dim3A_2241 = vector.broadcast %jit3A_2240 : i32 to vector<16xi32>
      %select_n3A_2242 = arith.select %eq3A_2239, %add3A_2221, %broadcast_in_dim3A_2241 : vector<16xi1>, vector<16xi32>
      %reduce_min3A_2243 = arith.constant true
      %reduce_min3A_2244 = vector.broadcast %reduce_min3A_2243 : i1 to vector<16xi1>
      %reduce_min3A_2245 = arith.constant -2147483648 : i32
      %reduce_min3A_2246 = vector.broadcast %reduce_min3A_2245 : i32 to vector<16xi32>
      %reduce_min3A_2247 = arith.xori %select_n3A_2242, %reduce_min3A_2246 : vector<16xi32>
      %reduce_min3A_2248 = tpu.scan <min>, %reduce_min3A_2247 masked %reduce_min3A_2244 : vector<16xi32>, vector<16xi1> -> vector<16xi32>
      %reduce_min3A_2249 = arith.xori %reduce_min3A_2248, %reduce_min3A_2246 : vector<16xi32>
      %reduce_min3A_2250 = vector.extract %reduce_min3A_2249[15] : i32 from vector<16xi32>
      %gt3A_2251 = arith.cmpf ogt, %reduce_max3A_2237, %select_n3A_2215 : f32
      %select_n3A_2252 = arith.select %gt3A_2251, %reduce_max3A_2237, %select_n3A_2215 : f32
      %select_n3A_2253 = arith.select %gt3A_2251, %reduce_min3A_2250, %select_n3A_2216 : i32
      %get3A_2254 = arith.constant 176 : index
      %get3A_2255 = tpu.vector_load %arg7[%get3A_2254] {strides = array<i32>} : memref<192xf32, #tpu.memory_space<vmem>>, vector<16xf32>,
      %add3A_2256 = arith.constant 176 : i32
      %add3A_2257 = vector.broadcast %add3A_2256 : i32 to vector<16xi32>
      %add3A_2258 = arith.addi %iota3A, %add3A_2257 : vector<16xi32>
      %eq3A_2259 = vector.broadcast %select_n3A_1384 : i32 to vector<16xi32>
      %eq3A_2260 = arith.cmpi eq, %add3A_2258, %eq3A_2259 : vector<16xi32>
      %eq3A_2261 = vector.broadcast %select_n3A_1843 : i32 to vector<16xi32>
      %eq3A_2262 = arith.cmpi eq, %add3A_2258, %eq3A_2261 : vector<16xi32>
      %or3A_2263 = arith.ori %eq3A_2260, %eq3A_2262 : vector<16xi1>
      %eq3A_2264 = arith.constant -1 : i32
      %eq3A_2265 = vector.broadcast %eq3A_2264 : i32 to vector<16xi32>
      %eq3A_2266 = arith.cmpi eq, %add3A_2258, %eq3A_2265 : vector<16xi32>
      %or3A_2267 = arith.ori %or3A_2263, %eq3A_2266 : vector<16xi1>
      %jit3A_2268 = arith.constant -3.000000e+38 : f32
      %broadcast_in_dim3A_2269 = vector.broadcast %jit3A_2268 : f32 to vector<16xf32>
      %select_n3A_2270 = arith.select %or3A_2267, %broadcast_in_dim3A_2269, %get3A_2255 : vector<16xi1>, vector<16xf32>
      %reduce_max3A_2271 = arith.constant true
      %reduce_max3A_2272 = vector.broadcast %reduce_max3A_2271 : i1 to vector<16xi1>
      %reduce_max3A_2273 = tpu.scan <max>, %select_n3A_2270 masked %reduce_max3A_2272 : vector<16xf32>, vector<16xi1> -> vector<16xf32>
      %reduce_max3A_2274 = vector.extract %reduce_max3A_2273[15] : f32 from vector<16xf32>
      %eq3A_2275 = vector.broadcast %reduce_max3A_2274 : f32 to vector<16xf32>
      %eq3A_2276 = arith.cmpf oeq, %select_n3A_2270, %eq3A_2275 : vector<16xf32>
      %jit3A_2277 = arith.constant 1073741824 : i32
      %broadcast_in_dim3A_2278 = vector.broadcast %jit3A_2277 : i32 to vector<16xi32>
      %select_n3A_2279 = arith.select %eq3A_2276, %add3A_2258, %broadcast_in_dim3A_2278 : vector<16xi1>, vector<16xi32>
      %reduce_min3A_2280 = arith.constant true
      %reduce_min3A_2281 = vector.broadcast %reduce_min3A_2280 : i1 to vector<16xi1>
      %reduce_min3A_2282 = arith.constant -2147483648 : i32
      %reduce_min3A_2283 = vector.broadcast %reduce_min3A_2282 : i32 to vector<16xi32>
      %reduce_min3A_2284 = arith.xori %select_n3A_2279, %reduce_min3A_2283 : vector<16xi32>
      %reduce_min3A_2285 = tpu.scan <min>, %reduce_min3A_2284 masked %reduce_min3A_2281 : vector<16xi32>, vector<16xi1> -> vector<16xi32>
      %reduce_min3A_2286 = arith.xori %reduce_min3A_2285, %reduce_min3A_2283 : vector<16xi32>
      %reduce_min3A_2287 = vector.extract %reduce_min3A_2286[15] : i32 from vector<16xi32>
      %gt3A_2288 = arith.cmpf ogt, %reduce_max3A_2274, %select_n3A_2252 : f32
      %select_n3A_2289 = arith.select %gt3A_2288, %reduce_max3A_2274, %select_n3A_2252 : f32
      %select_n3A_2290 = arith.select %gt3A_2288, %reduce_min3A_2287, %select_n3A_2253 : i32
      %eq3A_2291 = arith.constant 0 : i32
      %eq3A_2292 = arith.cmpi eq, %select_n3A_33, %eq3A_2291 : i32
      %eq3A_2293 = arith.constant 1 : i32
      %eq3A_2294 = arith.cmpi eq, %select_n3A_33, %eq3A_2293 : i32
      %select_n3A_2295 = arith.select %eq3A_2294, %select_n3A_1843, %select_n3A_2290 : i32
      %select_n3A_2296 = arith.select %eq3A_2292, %select_n3A_1384, %select_n3A_2295 : i32
      "tpu.region"() ({
        %run_scoped3A = tpu.sem_alloc : memref<!tpu.dma_semaphore, #tpu.memory_space<semaphore_mem>>
        %dma_start3A = arith.constant 0 : i32
        %dma_start3A_2297 = arith.constant 0 : i32
        %dma_start3A_2298 = tpu.memref_slice %arg4[%select_n3A, %select_n3A_2296, %dma_start3A, %dma_start3A_2297] : memref<8x192x224x224xf32, #tpu.memory_space<hbm>> -> memref<1x1x224x224xf32, #tpu.memory_space<hbm>>
        %dma_start3A_2299 = tpu.memref_squeeze %dma_start3A_2298 : memref<1x1x224x224xf32, #tpu.memory_space<hbm>> -> memref<224x224xf32, #tpu.memory_space<hbm>>
        %dma_start3A_2300 = arith.constant 0 : i32
        %dma_start3A_2301 = arith.constant 0 : i32
        %dma_start3A_2302 = tpu.memref_slice %arg4[%select_n3A, %select_n3A_2296, %dma_start3A_2300, %dma_start3A_2301] : memref<8x192x224x224xf32, #tpu.memory_space<hbm>> -> memref<1x1x224x224xf32, #tpu.memory_space<hbm>>
        %dma_start3A_2303 = tpu.memref_squeeze %dma_start3A_2302 : memref<1x1x224x224xf32, #tpu.memory_space<hbm>> -> memref<224x224xf32, #tpu.memory_space<hbm>>
        tpu.enqueue_dma source(%dma_start3A_2303 : memref<224x224xf32, #tpu.memory_space<hbm>>) target(%arg9 : memref<224x224xf32, #tpu.memory_space<vmem>>) target_semaphore(%run_scoped3A : memref<!tpu.dma_semaphore, #tpu.memory_space<semaphore_mem>>)
        %dma_wait3A = arith.constant 0 : i32
        %dma_wait3A_2304 = arith.constant 0 : i32
        %dma_wait3A_2305 = tpu.memref_slice %arg4[%select_n3A, %select_n3A_2296, %dma_wait3A, %dma_wait3A_2304] : memref<8x192x224x224xf32, #tpu.memory_space<hbm>> -> memref<1x1x224x224xf32, #tpu.memory_space<hbm>>
        %dma_wait3A_2306 = tpu.memref_squeeze %dma_wait3A_2305 : memref<1x1x224x224xf32, #tpu.memory_space<hbm>> -> memref<224x224xf32, #tpu.memory_space<hbm>>
        %dma_wait3A_2307 = arith.constant 0 : i32
        %dma_wait3A_2308 = arith.constant 0 : i32
        %dma_wait3A_2309 = tpu.memref_slice %arg4[%select_n3A, %select_n3A_2296, %dma_wait3A_2307, %dma_wait3A_2308] : memref<8x192x224x224xf32, #tpu.memory_space<hbm>> -> memref<1x1x224x224xf32, #tpu.memory_space<hbm>>
        %dma_wait3A_2310 = tpu.memref_squeeze %dma_wait3A_2309 : memref<1x1x224x224xf32, #tpu.memory_space<hbm>> -> memref<224x224xf32, #tpu.memory_space<hbm>>
        tpu.wait_dma2 semaphore(%run_scoped3A : memref<!tpu.dma_semaphore, #tpu.memory_space<semaphore_mem>>) src(%dma_wait3A_2310 : memref<224x224xf32, #tpu.memory_space<hbm>>) dst(%arg9 : memref<224x224xf32, #tpu.memory_space<vmem>>)
        tpu.yield
      }) : () -> ()
      "tpu.region"() ({
        %run_scoped3A = tpu.sem_alloc : memref<!tpu.dma_semaphore, #tpu.memory_space<semaphore_mem>>
        %dma_start3A = arith.constant 0 : i32
        %dma_start3A_2297 = arith.constant 0 : i32
        %dma_start3A_2298 = tpu.memref_slice %arg5[%select_n3A, %select_n3A_33, %dma_start3A, %dma_start3A_2297] : memref<8x3x224x224xf32, #tpu.memory_space<hbm>> -> memref<1x1x224x224xf32, #tpu.memory_space<hbm>>
        %dma_start3A_2299 = tpu.memref_squeeze %dma_start3A_2298 : memref<1x1x224x224xf32, #tpu.memory_space<hbm>> -> memref<224x224xf32, #tpu.memory_space<hbm>>
        %dma_start3A_2300 = arith.constant 0 : i32
        %dma_start3A_2301 = arith.constant 0 : i32
        %dma_start3A_2302 = tpu.memref_slice %arg5[%select_n3A, %select_n3A_33, %dma_start3A_2300, %dma_start3A_2301] : memref<8x3x224x224xf32, #tpu.memory_space<hbm>> -> memref<1x1x224x224xf32, #tpu.memory_space<hbm>>
        %dma_start3A_2303 = tpu.memref_squeeze %dma_start3A_2302 : memref<1x1x224x224xf32, #tpu.memory_space<hbm>> -> memref<224x224xf32, #tpu.memory_space<hbm>>
        tpu.enqueue_dma source(%arg9 : memref<224x224xf32, #tpu.memory_space<vmem>>) target(%dma_start3A_2303 : memref<224x224xf32, #tpu.memory_space<hbm>>) target_semaphore(%run_scoped3A : memref<!tpu.dma_semaphore, #tpu.memory_space<semaphore_mem>>)
        %dma_wait3A = arith.constant 0 : i32
        %dma_wait3A_2304 = arith.constant 0 : i32
        %dma_wait3A_2305 = tpu.memref_slice %arg5[%select_n3A, %select_n3A_33, %dma_wait3A, %dma_wait3A_2304] : memref<8x3x224x224xf32, #tpu.memory_space<hbm>> -> memref<1x1x224x224xf32, #tpu.memory_space<hbm>>
        %dma_wait3A_2306 = tpu.memref_squeeze %dma_wait3A_2305 : memref<1x1x224x224xf32, #tpu.memory_space<hbm>> -> memref<224x224xf32, #tpu.memory_space<hbm>>
        %dma_wait3A_2307 = arith.constant 0 : i32
        %dma_wait3A_2308 = arith.constant 0 : i32
        %dma_wait3A_2309 = tpu.memref_slice %arg5[%select_n3A, %select_n3A_33, %dma_wait3A_2307, %dma_wait3A_2308] : memref<8x3x224x224xf32, #tpu.memory_space<hbm>> -> memref<1x1x224x224xf32, #tpu.memory_space<hbm>>
        %dma_wait3A_2310 = tpu.memref_squeeze %dma_wait3A_2309 : memref<1x1x224x224xf32, #tpu.memory_space<hbm>> -> memref<224x224xf32, #tpu.memory_space<hbm>>
        tpu.wait_dma2 semaphore(%run_scoped3A : memref<!tpu.dma_semaphore, #tpu.memory_space<semaphore_mem>>) src(%arg9 : memref<224x224xf32, #tpu.memory_space<vmem>>) dst(%dma_wait3A_2310 : memref<224x224xf32, #tpu.memory_space<hbm>>)
        tpu.yield
      }) : () -> ()
    } else {
    }
    return
  }
}

module attributes {stable_mosaic.version = 14 : i64} {
  func.func @_sum_body(%arg0: i32, %arg1: i32, %arg2: memref<1x48x224x224xf32, #tpu.memory_space<vmem>>, %arg3: memref<48x1xf32, #tpu.memory_space<vmem>>) attributes {dimension_semantics = [#tpu.dimension_semantics<arbitrary>, #tpu.dimension_semantics<arbitrary>], iteration_bounds = array<i64: 8, 4>, scalar_prefetch = 0 : i64, scratch_operands = 0 : i64, tpu.core_type = #tpu.core_type<tc>, window_params = [{transform_indices = @transform_0, window_bounds = array<i64: 1, 48, 224, 224>}, {transform_indices = @transform_1, window_bounds = array<i64: 48, 1>}]} {
    %get3A = arith.constant 0 : index
    %get3A_0 = arith.constant 0 : index
    %get3A_1 = arith.constant 0 : index
    %get3A_2 = arith.constant 0 : index
    %get3A_3 = vector.load %arg2[%get3A, %get3A_0, %get3A_1, %get3A_2] : memref<1x48x224x224xf32, #tpu.memory_space<vmem>>, vector<1x48x224x224xf32>
    %get3A_4 = vector.shape_cast %get3A_3 : vector<1x48x224x224xf32> to vector<48x224x224xf32>
    %reduce_sum3A = arith.constant dense<0.000000e+00> : vector<48x224xf32>
    %reduce_sum3A_5 = vector.multi_reduction <add>, %get3A_4, %reduce_sum3A [2] : vector<48x224x224xf32> to vector<48x224xf32>
    %reduce_sum3A_6 = arith.constant dense<0.000000e+00> : vector<48xf32>
    %reduce_sum3A_7 = vector.multi_reduction <add>, %reduce_sum3A_5, %reduce_sum3A_6 [1] : vector<48x224xf32> to vector<48xf32>
    %broadcast_in_dim3A = vector.shape_cast %reduce_sum3A_7 : vector<48xf32> to vector<48x1xf32>
    %swap3A = arith.constant 0 : index
    %swap3A_8 = arith.constant 0 : index
    %swap3A_9 = vector.load %arg3[%swap3A, %swap3A_8] : memref<48x1xf32, #tpu.memory_space<vmem>>, vector<48x1xf32>
    tpu.vector_store %arg3[%swap3A, %swap3A_8], %broadcast_in_dim3A {strides = array<i32>} : memref<48x1xf32, #tpu.memory_space<vmem>>, vector<48x1xf32>,
    return
  }
  func.func @transform_0(%arg0: i32, %arg1: i32) -> (i32, i32, i32, i32) {
    %c0_i32 = arith.constant 0 : i32
    %c0_i32_0 = arith.constant 0 : i32
    %c0_i32_1 = arith.constant 0 : i32
    return %arg0, %arg1, %c0_i32, %c0_i32_0 : i32, i32, i32, i32
  }
  func.func @transform_1(%arg0: i32, %arg1: i32) -> (i32, i32) {
    %mul3A = arith.constant 4 : i32
    %mul3A_0 = arith.muli %arg0, %mul3A : i32
    %add3A = arith.addi %mul3A_0, %arg1 : i32
    %c0_i32 = arith.constant 0 : i32
    %c0_i32_1 = arith.constant 0 : i32
    return %add3A, %c0_i32 : i32, i32
  }
}

</mosaic_0001>

<sc_bundles>
// kernel: kernel.4.cloned.1.call-start
scs
__scs_entry_jumppad:
0x0: {  	(pc) =	sbr.rel $0x88, $3  }
0x1: {  	(tag) =	ssettag $0x0;
	lr =	simm.s32 $0x1  }
0x2: {  	[smem:$0x3F9F] =	sst lr;
	_ =	strace $0xD0000000  }
0x3: {  	_ = 	snop  }
0x4: {  	_ = 	snop  }
0x5: {  	_ = 	snop  }
0x6: {  	_ = 	snop  }
0x7: {  	_ = 	snop  }
__scs_overlays_trampoline_lowered:
0x8: {  	[smem:$0x3FAE] =	sst s0  }
0x9: {  	[smem:$0x3FAF] =	sst s1  }
0xa: {  	[smem:$0x3FB0] =	sst s2  }
0xb: {  	[smem:$0x3FB1] =	sst s3  }
0xc: {  	[smem:$0x3FB2] =	sst s4  }
0xd: {  	[smem:$0x3FB3] =	sst s5  }
0xe: {  	[smem:$0x3FB4] =	sst s6  }
0xf: {  	[smem:$0x3FB5] =	sst s7  }
0x10: {  	[smem:$0x3FB6] =	sst s8  }
0x11: {  	[smem:$0x3FB7] =	sst s9;
	s0 =	simm.s32 @!p0 $0x0  }
0x12: {  	s1 =	sld [smem:$0x3F9D];
	s0 =	simm.s32 @p0 $0x1  }
0x13: {  	[smem:$0x3FB8] =	sst s0;
	s0 =	simm.s32 @!p1 $0x0  }
0x14: {  	s2 =	sld [smem:$0x3F9C];
	s0 =	simm.s32 @p1 $0x1  }
0x15: {  	[smem:$0x3FB9] =	sst s0;
	s0 =	simm.s32 @!p2 $0x0  }
0x16: {  	s3 =	sld [smem:$0x3FDB];
	s0 =	simm.s32 @p2 $0x1  }
0x17: {  	s4 =	simm.s32 $0x1BF5;
	[smem:$0x3FBB] =	sst s0  }
0x18: {  	s0 =	sld [smem:$0x3F9E];
	_ =	swait.ge [sflag:s4], $0x0  }
0x19: {  	s7 =	sld [smem:$0x3F9F]  }
0x1a: {  	s8 =	sadd.s32 $0xFFFFE003, lr  }
0x1b: {  	s9 =	sadd.s32 $0xFFFFFEF7, lr;
	s5 =	simm.s32 $0xFFFFFFFF;
	p2 =	slt.u32 s8, $0xFFFFF086  }
0x1c: {  	p1 =	slt.u32 s9, $0xF7A;
	s5 =	simm.s32 @!p2 $0x0  }
0x1d: {  	s5 =	simm.s32 @p1 $0x1;
	p0 =	seq.s32 s7, s2  }
0x1e: {  	s7 =	smul.u32 @!p0 $0xF7A, s2;
	p2 =	seq.s32 @!p0 s5, $0x0  }
0x1f: {  	s9 =	smul.u32 $0xF7A, s1;
	s8 =	simm.s32 @!p0 $0x1BF5;
	p2 =	por !p2, p0  }
0x20: {  	[sflag:s8] =	ssyncset.s32 @!p0 $0xFFFFF086;
	s6 =	sadd.s32 @!p0 s3, s7;
	s7 =	simm.s32 @!p0 $0x108  }
0x21: {  	s3 =	sadd.s32 s3, s9;
	s6 =	sadd.s32 @!p0 $0x88, s6;
	s7 =	simm.s32 @p2 $0x1082  }
0x22: {  	[simem:s7], [sflag:s8] =	dma.local @!p0 [hbm:s6], $0xF7A  }
0x23: {  	s9 =	sor.u32 $0xD0000000, s2;
	s6 =	simm.s32 $0x108;
	_ =	swait.ge @!p0 [sflag:s8], $0x0  }
0x24: {  	s3 =	sadd.s32 $0x88, s3;
	s6 =	simm.s32 @!p1 $0x1082;
	[sflag:s4] =	ssyncset.s32 $0xFFFFF086  }
0x25: {  	[simem:s6], [sflag:s4] =	dma.local [hbm:s3], $0xF7A  }
0x26: {  	[smem:$0x3F9F] =	sst s1;
	(tag) =	ssettag s2;
	_ =	strace s9  }
0x27: {  	s1 =	sld [smem:$0x3FAF]  }
0x28: {  	s2 =	sld [smem:$0x3FB0]  }
0x29: {  	s4 =	sld [smem:$0x3FB2]  }
0x2a: {  	p0 =	seq.s32 s5, $0x0;
	s5 =	sld [smem:$0x3FB3]  }
0x2b: {  	s6 =	sld [smem:$0x3FB4]  }
0x2c: {  	s7 =	sld [smem:$0x3FB5]  }
0x2d: {  	s3 =	simm.s32 $0x108;
	s8 =	sld [smem:$0x3FB6]  }
0x2e: {  	s3 =	simm.s32 @!p0 $0x1082;
	s9 =	sld [smem:$0x3FB7]  }
0x2f: {  	lr =	sadd.s32 s0, s3;
	s0 =	sld [smem:$0x3FAE]  }
0x30: {  	s3 =	sld [smem:$0x3FB1]  }
0x31: {  	[smem:$0x3FBA] =	sst s10  }
0x32: {  	s10 =	sld [smem:$0x3FB8];
	_ =	sdelay $0x3  }
0x33: {  	p0 =	seq.s32 s10, $0x1;
	s10 =	sld [smem:$0x3FBA];
	_ =	sdelay $0x3  }
0x34: {  	[smem:$0x3FBA] =	sst s10  }
0x35: {  	s10 =	sld [smem:$0x3FB9];
	_ =	sdelay $0x3  }
0x36: {  	p1 =	seq.s32 s10, $0x1;
	s10 =	sld [smem:$0x3FBA];
	_ =	sdelay $0x3  }
0x37: {  	[smem:$0x3FBA] =	sst s10  }
0x38: {  	s10 =	sld [smem:$0x3FBB]  }
0x39: {  	_ = 	snop;
	(pc) =	sbr.ind lr, $3  }
0x3a: {  	_ = 	snop  }
0x3b: {  	_ = 	snop  }
0x3c: {  	p2 =	seq.s32 s10, $0x1;
	s10 =	sld [smem:$0x3FBA]  }
0x3d: {  	_ =	shalt  }
0x3e: {  	_ =	shalt  }
0x3f: {  	_ =	shalt  }
0x40: {  	_ =	shalt  }
0x41: {  	_ =	shalt  }
0x42: {  	_ =	shalt  }
0x43: {  	_ =	shalt  }
0x44: {  	_ =	shalt  }
0x45: {  	_ =	shalt  }
0x46: {  	_ =	shalt  }
0x47: {  	_ =	shalt  }
0x48: {  	_ =	shalt  }
0x49: {  	_ =	shalt  }
0x4a: {  	_ =	shalt  }
0x4b: {  	_ =	shalt  }
0x4c: {  	_ =	shalt  }
0x4d: {  	_ =	shalt  }
0x4e: {  	_ =	shalt  }
0x4f: {  	_ =	shalt  }
0x50: {  	_ =	shalt  }
0x51: {  	_ =	shalt  }
0x52: {  	_ =	shalt  }
0x53: {  	_ =	shalt  }
0x54: {  	_ =	shalt  }
0x55: {  	_ =	shalt  }
0x56: {  	_ =	shalt  }
0x57: {  	_ =	shalt  }
0x58: {  	_ =	shalt  }
0x59: {  	_ =	shalt  }
0x5a: {  	_ =	shalt  }
0x5b: {  	_ =	shalt  }
0x5c: {  	_ =	shalt  }
0x5d: {  	_ =	shalt  }
0x5e: {  	_ =	shalt  }
0x5f: {  	_ =	shalt  }
0x60: {  	_ =	shalt  }
0x61: {  	_ =	shalt  }
0x62: {  	_ =	shalt  }
0x63: {  	_ =	shalt  }
0x64: {  	_ =	shalt  }
0x65: {  	_ =	shalt  }
0x66: {  	_ =	shalt  }
0x67: {  	_ =	shalt  }
0x68: {  	_ =	shalt  }
0x69: {  	_ =	shalt  }
0x6a: {  	_ =	shalt  }
0x6b: {  	_ =	shalt  }
0x6c: {  	_ =	shalt  }
0x6d: {  	_ =	shalt  }
0x6e: {  	_ =	shalt  }
0x6f: {  	_ =	shalt  }
0x70: {  	_ =	shalt  }
0x71: {  	_ =	shalt  }
0x72: {  	_ =	shalt  }
0x73: {  	_ =	shalt  }
0x74: {  	_ =	shalt  }
0x75: {  	_ =	shalt  }
0x76: {  	_ =	shalt  }
0x77: {  	_ =	shalt  }
0x78: {  	_ =	shalt  }
0x79: {  	_ =	shalt  }
0x7a: {  	_ =	shalt  }
0x7b: {  	_ =	shalt  }
0x7c: {  	_ =	shalt  }
0x7d: {  	_ =	shalt  }
0x7e: {  	_ =	shalt  }
0x7f: {  	_ =	shalt  }
0x80: {  	_ =	shalt  }
0x81: {  	_ =	shalt  }
0x82: {  	_ =	shalt  }
0x83: {  	_ =	shalt  }
0x84: {  	_ =	shalt  }
0x85: {  	_ =	shalt  }
0x86: {  	_ =	shalt  }
0x87: {  	_ =	shalt  }
.Lfunc_end0:
.L_simem_size_0:
called_computation_lowered:
.L_overlay_start_0:
0x88: {  	s2 =	sld [smem:$0x3FD9]  }
0x89: {  	s3 =	sld [smem:$0x3FFE];
	_ =	sdelay $0x1  }
0x8a: {  	s1 =	srdreg.scid  }
0x8b: {  	s0 =	sand.u32 $0x1, s1  }
0x8c: {  	s17 =	sshll.u32 s0, $0xA;
	s2 =	sadd.s32 s3, s2  }
0x8d: {  	s2 =	sadd.s32 s2, s17  }
0x8e: {  	[smem:$0x3FC6] =	sst s2  }
0x8f: {  	_ = 	snop  }
0x90: {  	s2 =	sld [smem:$0x3FC9]  }
0x91: {  	s18 =	sld [smem:$0x3FD0];
	(tm) =	ssettm $0x1  }
0x92: {  	s4 =	sld [smem:$0x3FFB];
	_ =	sdelay $0x3  }
0x93: {  	_ =	strace s4  }
0x94: {  	s4 =	sld [smem:$0x3FFC];
	_ =	sdelay $0x3  }
0x95: {  	_ =	strace s4  }
0x96: {  	s4 =	sld [smem:$0x3FFD];
	_ =	sdelay $0x3  }
0x97: {  	_ =	strace s4  }
0x98: {  	_ =	strace $0x8FFFFFFF  }
0x99: {  	s19 =	sld [smem:$0x3FDB];
	_ =	sdelay $0x1  }
0x9a: {  	s5 =	simm.s32 $_scs_section_size  }
0x9b: {  	s6 =	simm.s32 $_size__tile_overlayer_lowered;
	s7 =	simm.s32 $_tile_overlayer_lowered  }
0x9c: {  	s22 =	simm.s32 $0x1BFF;
	s21 =	sshll.u32 s7, $0x1;
	s4 =	sadd.s32 s5, s19  }
0x9d: {  	s8 =	simm.s32 $0x0;
	s20 =	sshll.u32 s6, $0x1;
	s6 =	sadd.s32 s21, s4  }
0x9e: {  	[timem:s8], [sflag:s22] =	dma.local [hbm:s6], s20  }
0x9f: {  	_ =	swait.ge [sflag:s22], s20  }
0xa0: {  	s5 =	ssub.s32 $0x0, s20;
	[sflag:s22] =	ssyncset.done $0x0  }
0xa1: {  	[sflag:s22] =	ssyncadd.s32 s5;
	_ =	sdelay $0x1  }
0xa2: {  	s23 =	simm.s32 $0x1B8B  }
0xa3: {  	_ =	swait.ge [sflag:s23], $0x1  }
0xa4: {  	[sflag:s23] =	ssyncset.done $0x0  }
0xa5: {  	s25 =	simm.s32 $0x1B8E;
	s24 =	sld [smem:$0x3FFE];
	[sflag:s23] =	ssyncadd.s32 $0xFFFFFFFF  }
0xa6: {  	s26 =	simm.s32 $execute0_lowered;
	[smem:$0x3FD2] =	sst s25  }
0xa7: {  	s6 =	sshll.u32 s26, $0x1;
	_ =	strace $0x80000046;
	[dreg:$0x1] =	wrdreg $0xFFFFFFFF  }
0xa8: {  	s28 =	simm.s32 $_size_execute0_lowered;
	s4 =	sadd.s32 s4, s6;
	[dreg:$0x0] =	wrdreg $0x0  }
0xa9: {  	s6 =	sshll.u32 s28, $0x1;
	[dreg:$0x2] =	wrdreg s4  }
0xaa: {  	[dreg:$0x3] =	wrdreg s6  }
0xab: {  	[dreg:$0x4] =	wrdreg $0xC0  }
0xac: {  	_ =	task [dreg:s8], $0x5FFFF  }
0xad: {  	[dreg:$0x1] =	wrdreg $0xFFFFFFFF  }
0xae: {  	[dreg:$0x0] =	wrdreg $0x60  }
0xaf: {  	[dreg:$0x2] =	wrdreg s24  }
0xb0: {  	[dreg:$0x3] =	wrdreg s2  }
0xb1: {  	[dreg:$0x4] =	wrdreg s18  }
0xb2: {  	[dreg:$0x5] =	wrdreg $0x9  }
0xb3: {  	_ =	task.clear_ibuf [dreg:s8], $0x6FFFF;
	_ =	strace $0x90000046  }
0xb4: {  	s29 =	simm.s32 $0x9;
	_ =	strace $0x80000048  }
0xb5: {  	_ =	swait.ge [sflag:s29], $0x1  }
0xb6: {  	[sflag:s29] =	ssyncadd.s32 $0xFFFFFFFF  }
0xb7: {  	_ =	strace $0x90000048  }
0xb8: {  	_ =	sfence  }
0xb9: {  	s30 =	sld [smem:$0x0];
	_ =	sdelay $0x2  }
0xba: {  	s31 =	sshll.u32 s1, $0xD;
	s1 =	sshrl.u32 s1, $0x2  }
0xbb: {  	s3 =	sand.u32 $0x4000, s31;
	s1 =	sadd.s32 s1, s30  }
0xbc: {  	s0 =	sor.u32 s3, s0;
	s1 =	sshll.u32 s1, $0x11  }
0xbd: {  	s0 =	sor.u32 s1, s0  }
0xbe: {  	s0 =	sadd.s32 $0x8F2B, s0  }
0xbf: {  	[sflag:s0] =	ssyncadd.remote.s32 $0x1  }
0xc0: {  	_ =	sfence.sel $0xFFFF  }
0xc1: {  	[dreg:$0x0] =	wrdreg $0xFFFFFFFF;
	(pc) =	sbr.abs _section_cstart, $3  }
0xc2: {  	[dreg:$0x1] =	wrdreg $0xFFFFFFFF  }
0xc3: {  	_ =	task.clear_ibuf [dreg:s8], $0x2FFFF;
	_ =	strace $0x9FFFFFFF  }
0xc4: {  	(tm) =	ssettm $0x7FFFFFFF  }
0xc5: {  	_ =	shalt  }
tec
execute0_lowered:
.L_overlay_start_1:
0x0: {  	(tag) =	ssettag $0x1  }
0x1: {  	s1 =	rddreg [dreg:$0x0]  }
0x2: {  	s0 =	rddreg [dreg:$0x1]  }
0x3: {  	s4 =	rddreg [dreg:$0x2]  }
0x4: {  	s2 =	simm.s32 $0x0;
	[dreg:$0x8] =	wrdreg s0  }
0x5: {  	[smem:$0x7FF] =	sst s2  }
0x6: {  	v0 =	vimm.f32 $5.017600000e+04;
	s0 =	rddreg [dreg:$0x3];
	_ =	strace $0x80000047  }
0x7: {  	(erf) = vrcp.f32 v0;
	_ =	sdelay $0x2  }
0x8: {  	s3 =	stileid.u32  }
0x9: {  	p0 =	sgt.u32 s3, $0xB  }
.Ltmp0:
0xa: {  	_ = 	snop;
	(pc) =	sbr.rel @p0 .LBB2_3-.Ltmp0, $2  }
0xb: {  	_ =	sdelay $0x2  }
0xc: {  	v0 =	vpop (erf)  }
0xd: {  	v1 =	vlaneseq.u32  }
0xe: {  	v2 =	vadd.s32 $0x7, v1  }
0xf: {  	[tilespmem:$0x1FE00] =	vst v2;
	v2 =	vadd.s32 $0x8, v1  }
0x10: {  	[tilespmem:$0x1FE10] =	vst v2;
	v2 =	vadd.s32 $0x9, v1  }
0x11: {  	[tilespmem:$0x1FE20] =	vst v2;
	v2 =	vadd.s32 $0x17, v1  }
0x12: {  	[tilespmem:$0x1FE30] =	vst v2;
	v2 =	vadd.s32 $0x18, v1  }
0x13: {  	[tilespmem:$0x1FE40] =	vst v2;
	v2 =	vadd.s32 $0x19, v1  }
0x14: {  	[tilespmem:$0x1FE50] =	vst v2;
	v2 =	vadd.s32 $0x27, v1  }
0x15: {  	[tilespmem:$0x1FE60] =	vst v2;
	v2 =	vadd.s32 $0x28, v1  }
0x16: {  	[tilespmem:$0x1FE70] =	vst v2;
	v2 =	vadd.s32 $0x29, v1  }
0x17: {  	[tilespmem:$0x1FE80] =	vst v2;
	v2 =	vadd.s32 $0x37, v1  }
0x18: {  	[tilespmem:$0x1FE90] =	vst v2;
	v2 =	vadd.s32 $0x38, v1  }
0x19: {  	[tilespmem:$0x1FEA0] =	vst v2;
	v2 =	vadd.s32 $0x39, v1  }
0x1a: {  	[tilespmem:$0x1FEB0] =	vst v2;
	v2 =	vadd.s32 $0x47, v1  }
0x1b: {  	[tilespmem:$0x1FEC0] =	vst v2;
	v2 =	vadd.s32 $0x48, v1  }
0x1c: {  	[tilespmem:$0x1FED0] =	vst v2;
	v2 =	vadd.s32 $0x49, v1  }
0x1d: {  	[tilespmem:$0x1FEE0] =	vst v2;
	v2 =	vadd.s32 $0x57, v1  }
0x1e: {  	s5 =	srdreg.scid;
	[tilespmem:$0x1FEF0] =	vst v2;
	v2 =	vadd.s32 $0x58, v1  }
0x1f: {  	s6 =	sshll.u32 s3, $0x1;
	s5 =	sand.u32 $0x1, s5;
	[tilespmem:$0x1FF00] =	vst v2;
	v2 =	vadd.s32 $0x59, v1  }
0x20: {  	s6 =	sor.u32 s5, s6;
	[tilespmem:$0x1FF10] =	vst v2;
	v2 =	vadd.s32 $0x67, v1  }
0x21: {  	v35 =	vadd.s32 $0xA9, v1;
	s7 =	smul.u32 $0x56, s6;
	[tilespmem:$0x1FF20] =	vst v2;
	v2 =	vadd.s32 $0x68, v1  }
0x22: {  	s30 =	simm.s32 $0x200;
	v36 =	vadd.s32 $0xB7, v1;
	v39 =	vor.u32 $0x800000B0, v1;
	[tilespmem:$0x1FF30] =	vst v2;
	v2 =	vadd.s32 $0x69, v1  }
0x23: {  	v40 =	vor.u32 $0x800000A0, v1;
	v41 =	vor.u32 $0x80000090, v1;
	s7 =	sshrl.u32 s7, $0x8;
	[tilespmem:$0x1FF40] =	vst v2;
	v2 =	vadd.s32 $0x77, v1  }
0x24: {  	s31 =	simm.s32 $0x8;
	v42 =	vor.u32 $0x80000080, v1;
	v43 =	vor.u32 $0x80000070, v1;
	[dreg:$0x4] =	wrdreg s30;
	s8 =	smul.u32 $0x3, s7;
	[tilespmem:$0x1FF50] =	vst v2;
	v2 =	vadd.s32 $0x78, v1  }
0x25: {  	v44 =	vor.u32 $0x80000060, v1;
	v45 =	vor.u32 $0x80000050, v1;
	[dreg:$0x5] =	wrdreg s31;
	s9 =	smul.u32 $0x18, s7;
	[tilespmem:$0x1FF60] =	vst v2;
	v2 =	vadd.s32 $0x79, v1  }
0x26: {  	v37 =	vadd.s32 $0xB8, v1;
	v46 =	vor.u32 $0x80000040, v1;
	s5 =	ssub.s32 $0x2, s5;
	s25 =	smul.u32 $0x2A000, s7;
	s6 =	ssub.s32 s6, s8;
	[tilespmem:$0x1FF70] =	vst v2;
	v2 =	vadd.s32 $0x87, v1  }
0x27: {  	v47 =	vor.u32 $0x80000030, v1;
	s28 =	sshrl.u32 s5, $0x1;
	s7 =	smul.u32 $0xA80000, s7;
	s6 =	sand.u32 $0xFF, s6;
	[tilespmem:$0x1FF80] =	vst v2;
	v2 =	vadd.s32 $0x88, v1  }
0x28: {  	v38 =	vadd.s32 $0xB9, v1;
	v48 =	vor.u32 $0x80000020, v1;
	s29 =	ssub.s32 s5, s28;
	s24 =	sadd.s32 s9, s1;
	s10 =	smul.u32 $0xE000, s6;
	[tilespmem:$0x1FF90] =	vst v2;
	v2 =	vadd.s32 $0x89, v1  }
0x29: {  	v49 =	vor.u32 $0x80000010, v1;
	v50 =	vor.u32 $0x80000000, v1;
	[dreg:$0x7] =	wrdreg s7;
	s8 =	sadd.s32 $0x200, s24;
	p0 =	seq.s32 s6, $0x1;
	[tilespmem:$0x1FFA0] =	vst v2;
	v2 =	vadd.s32 $0x97, v1  }
0x2a: {  	v51 =	vor.u32 $0xB0, v1;
	v52 =	vor.u32 $0xA0, v1;
	[dreg:$0x6] =	wrdreg s8;
	s5 =	simm.s32 @!p0 $0x0;
	s9 =	sadd.s32 s10, s25;
	[tilespmem:$0x1FFB0] =	vst v2;
	v2 =	vadd.s32 $0x98, v1  }
0x2b: {  	v53 =	vor.u32 $0x90, v1;
	v54 =	vor.u32 $0x80, v1;
	s5 =	simm.s32 @p0 $0x1;
	p0 =	seq.s32 s6, $0x0;
	s26 =	sshrl.u32 s9, $0x3;
	[tilespmem:$0x1FFC0] =	vst v2;
	v2 =	vadd.s32 $0x99, v1  }
0x2c: {  	v55 =	vor.u32 $0x70, v1;
	v56 =	vor.u32 $0x60, v1;
	[smem:$0x7FC] =	sst s5;
	s6 =	simm.s32 @!p0 $0x0;
	s4 =	sadd.s32 s4, s26;
	[tilespmem:$0x1FFD0] =	vst v2;
	v2 =	vadd.s32 $0xA7, v1  }
0x2d: {  	v57 =	vor.u32 $0x50, v1;
	v58 =	vor.u32 $0x40, v1;
	s5 =	simm.s32 $0x1;
	s6 =	simm.s32 @p0 $0x1;
	[dreg:$0x9] =	wrdreg s4;
	[tilespmem:$0x1FFE0] =	vst v2;
	v2 =	vadd.s32 $0xA8, v1  }
0x2e: {  	v59 =	vor.u32 $0x30, v1;
	v60 =	vor.u32 $0x20, v1;
	v61 =	vor.u32 $0x10, v1;
	s4 =	smax.u32 s29, $0x1;
	[smem:$0x7FD] =	sst s6;
	s6 =	simm.s32 $0x280;
	[tilespmem:$0x1FFF0] =	vst v2  }
.LBB2_2:
0x2f: {  	s7 =	rddreg [dreg:$0x4]  }
0x30: {  	[tilespmem:s7], [sflag:$0x1] =	stream.linear.gather [hbm4b:s1+s2], $0x80, $0x38;
	[tilespmem:$0xE280] =	vst v63  }
0x31: {  	_ =	swait.ge [sflag:s5], $0x80  }
0x32: {  	[sflag:s5] =	ssyncset.done $0x0  }
0x33: {  	v2 =	vimm.f32 $0.0e+00;
	[sflag:s5] =	ssyncadd.s32 $0xFFFFFF80  }
0x34: {  	s26 =	rddreg [dreg:$0x5];
	v5 =	vld [tilespmem:$0x200];
	[tilespmem:$0x0] =	vst v2  }
0x35: {  	s8 =	rddreg [dreg:$0x6];
	v13 =	vld [tilespmem:$0x210];
	[tilespmem:$0xC0] =	vst v2  }
0x36: {  	v12 =	vld [tilespmem:$0x220];
	[tilespmem:s26], [sflag:$0x1] =	stream.linear.gather [hbm4b:s8+s2], $0xC0, $0x38  }
0x37: {  	_ =	swait.ge [sflag:s5], $0xC0  }
0x38: {  	v2 =	vld [tilespmem:$0x1FE00]  }
0x39: {  	v3 =	vld [tilespmem:$0x1FE10];
	_ =	sdelay $0x1  }
0x3a: {  	v4 =	vld [tilespmem:$0x1FE20];
	_ =	sdelay $0x2  }
0x3b: {  	[sflag:s5] =	ssyncset.done $0x0  }
0x3c: {  	[sflag:s5] =	ssyncadd.s32 $0xFFFFFF40  }
0x3d: {  	v2 =	vld.idx.msk [tilespmem:v2+s2+$0x0], $0xffff  }
0x3e: {  	v3 =	vld.idx.msk [tilespmem:v3+s2+$0x0], $0xffff;
	_ =	sdelay $0x1  }
0x3f: {  	v4 =	vld.idx.msk [tilespmem:v4+s2+$0x0], $0xffff;
	_ =	sdelay $0x2  }
0x40: {  	v2 =	vmul.f32 v2, v0;
	v3 =	vmul.f32 v3, v0;
	_ =	sdelay $0x1  }
0x41: {  	v4 =	vmul.f32 v4, v0;
	v6 =	vshrl.u32 v2, $0x10;
	v7 =	vshrl.u32 v3, $0x10  }
0x42: {  	v6 =	vand.u32 $0x1, v6;
	v7 =	vand.u32 $0x1, v7  }
0x43: {  	v23 =	vshrl.u32 v4, $0x10;
	v2 =	vadd.s32 v6, v2;
	v3 =	vadd.s32 v7, v3  }
0x44: {  	v6 =	vand.u32 $0x1, v23;
	v2 =	vadd.s32 $0x7FFF, v2;
	v3 =	vadd.s32 $0x7FFF, v3  }
0x45: {  	v4 =	vadd.s32 v6, v4;
	v2 =	vand.u32 $0xFFFF0000, v2;
	v3 =	vand.u32 $0xFFFF0000, v3  }
0x46: {  	v4 =	vadd.s32 $0x7FFF, v4;
	v2 =	vmul.f32 v2, v5;
	v3 =	vmul.f32 v3, v13  }
0x47: {  	v4 =	vand.u32 $0xFFFF0000, v4  }
0x48: {  	v2 =	vadd.f32 v3, v2;
	v3 =	vmul.f32 v4, v12;
	_ =	sdelay $0x1  }
0x49: {  	v62 =	vadd.f32 v3, v2;
	v2 =	vld [tilespmem:$0x1FE30]  }
0x4a: {  	v3 =	vld [tilespmem:$0x1FE40];
	_ =	sdelay $0x1  }
0x4b: {  	v24 =	vld [tilespmem:$0x1FE50];
	_ =	sdelay $0x3  }
0x4c: {  	[tilespmem:$0x100] =	vst v62  }
0x4d: {  	v2 =	vld.idx.msk [tilespmem:v2+s2+$0x0], $0xffff  }
0x4e: {  	v3 =	vld.idx.msk [tilespmem:v3+s2+$0x0], $0xffff;
	_ =	sdelay $0x1  }
0x4f: {  	v4 =	vld.idx.msk [tilespmem:v24+s2+$0x0], $0xffff;
	_ =	sdelay $0x2  }
0x50: {  	v2 =	vmul.f32 v2, v0;
	v3 =	vmul.f32 v3, v0;
	_ =	sdelay $0x1  }
0x51: {  	v4 =	vmul.f32 v4, v0;
	v25 =	vshrl.u32 v2, $0x10;
	v26 =	vshrl.u32 v3, $0x10  }
0x52: {  	v6 =	vand.u32 $0x1, v25;
	v7 =	vand.u32 $0x1, v26  }
0x53: {  	v27 =	vshrl.u32 v4, $0x10;
	v2 =	vadd.s32 v6, v2;
	v3 =	vadd.s32 v7, v3  }
0x54: {  	v6 =	vand.u32 $0x1, v27;
	v2 =	vadd.s32 $0x7FFF, v2;
	v3 =	vadd.s32 $0x7FFF, v3  }
0x55: {  	v4 =	vadd.s32 v6, v4;
	v2 =	vand.u32 $0xFFFF0000, v2;
	v3 =	vand.u32 $0xFFFF0000, v3  }
0x56: {  	v4 =	vadd.s32 $0x7FFF, v4;
	v2 =	vmul.f32 v2, v5;
	v3 =	vmul.f32 v3, v13  }
0x57: {  	v4 =	vand.u32 $0xFFFF0000, v4  }
0x58: {  	v2 =	vadd.f32 v3, v2;
	v3 =	vmul.f32 v4, v12;
	_ =	sdelay $0x1  }
0x59: {  	v63 =	vadd.f32 v3, v2;
	v2 =	vld [tilespmem:$0x1FE60]  }
0x5a: {  	v3 =	vld [tilespmem:$0x1FE70];
	_ =	sdelay $0x1  }
0x5b: {  	v28 =	vld [tilespmem:$0x1FE80];
	_ =	sdelay $0x3  }
0x5c: {  	[tilespmem:$0x110] =	vst v63  }
0x5d: {  	v2 =	vld.idx.msk [tilespmem:v2+s2+$0x0], $0xffff  }
0x5e: {  	v3 =	vld.idx.msk [tilespmem:v3+s2+$0x0], $0xffff;
	_ =	sdelay $0x1  }
0x5f: {  	v4 =	vld.idx.msk [tilespmem:v28+s2+$0x0], $0xffff;
	_ =	sdelay $0x2  }
0x60: {  	v2 =	vmul.f32 v2, v0;
	v3 =	vmul.f32 v3, v0;
	_ =	sdelay $0x1  }
0x61: {  	v4 =	vmul.f32 v4, v0;
	v29 =	vshrl.u32 v2, $0x10;
	v30 =	vshrl.u32 v3, $0x10  }
0x62: {  	v6 =	vand.u32 $0x1, v29;
	v7 =	vand.u32 $0x1, v30  }
0x63: {  	v31 =	vshrl.u32 v4, $0x10;
	v2 =	vadd.s32 v6, v2;
	v3 =	vadd.s32 v7, v3  }
0x64: {  	v6 =	vand.u32 $0x1, v31;
	v2 =	vadd.s32 $0x7FFF, v2;
	v3 =	vadd.s32 $0x7FFF, v3  }
0x65: {  	v4 =	vadd.s32 v6, v4;
	v2 =	vand.u32 $0xFFFF0000, v2;
	v3 =	vand.u32 $0xFFFF0000, v3  }
0x66: {  	v4 =	vadd.s32 $0x7FFF, v4;
	v2 =	vmul.f32 v2, v5;
	v3 =	vmul.f32 v3, v13  }
0x67: {  	v4 =	vand.u32 $0xFFFF0000, v4  }
0x68: {  	v2 =	vadd.f32 v3, v2;
	v3 =	vmul.f32 v4, v12  }
0x69: {  	v32 =	vld [tilespmem:$0x1FEA0]  }
0x6a: {  	v2 =	vadd.f32 v3, v2;
	v3 =	vld [tilespmem:$0x1FE90];
	_ =	sdelay $0x1  }
0x6b: {  	v33 =	vld [tilespmem:$0x1FEB0];
	_ =	sdelay $0x3  }
0x6c: {  	[tilespmem:$0x120] =	vst v2  }
0x6d: {  	v4 =	vld.idx.msk [tilespmem:v32+s2+$0x0], $0xffff  }
0x6e: {  	v3 =	vld.idx.msk [tilespmem:v3+s2+$0x0], $0xffff;
	_ =	sdelay $0x1  }
0x6f: {  	v6 =	vld.idx.msk [tilespmem:v33+s2+$0x0], $0xffff;
	_ =	sdelay $0x2  }
0x70: {  	v4 =	vmul.f32 v4, v0;
	v3 =	vmul.f32 v3, v0;
	_ =	sdelay $0x1  }
0x71: {  	v6 =	vmul.f32 v6, v0;
	v8 =	vshrl.u32 v4, $0x10;
	v34 =	vshrl.u32 v3, $0x10  }
0x72: {  	v8 =	vand.u32 $0x1, v8;
	v7 =	vand.u32 $0x1, v34  }
0x73: {  	v9 =	vshrl.u32 v6, $0x10;
	v4 =	vadd.s32 v8, v4;
	v3 =	vadd.s32 v7, v3  }
0x74: {  	v4 =	vadd.s32 $0x7FFF, v4;
	v7 =	vand.u32 $0x1, v9;
	v3 =	vadd.s32 $0x7FFF, v3  }
0x75: {  	v11 =	vld [tilespmem:$0x1FEC0];
	v4 =	vand.u32 $0xFFFF0000, v4;
	v6 =	vadd.s32 v7, v6;
	v3 =	vand.u32 $0xFFFF0000, v3  }
0x76: {  	v14 =	vld [tilespmem:$0x1FED0];
	v4 =	vmul.f32 v4, v13;
	v6 =	vadd.s32 $0x7FFF, v6;
	v3 =	vmul.f32 v3, v5  }
0x77: {  	v6 =	vand.u32 $0xFFFF0000, v6  }
0x78: {  	v15 =	vld [tilespmem:$0x1FEE0];
	v10 =	vmul.f32 v6, v12;
	v3 =	vadd.f32 v4, v3;
	_ =	sdelay $0x1  }
0x79: {  	v3 =	vadd.f32 v10, v3;
	_ =	sdelay $0x1  }
0x7a: {  	[tilespmem:$0x130] =	vst v3  }
0x7b: {  	v4 =	vld.idx.msk [tilespmem:v11+s2+$0x0], $0xffff  }
0x7c: {  	v6 =	vld.idx.msk [tilespmem:v14+s2+$0x0], $0xffff;
	_ =	sdelay $0x1  }
0x7d: {  	v7 =	vld.idx.msk [tilespmem:v15+s2+$0x0], $0xffff;
	_ =	sdelay $0x2  }
0x7e: {  	v4 =	vmul.f32 v4, v0;
	v6 =	vmul.f32 v6, v0;
	_ =	sdelay $0x1  }
0x7f: {  	v7 =	vmul.f32 v7, v0;
	v16 =	vshrl.u32 v4, $0x10;
	v9 =	vshrl.u32 v6, $0x10  }
0x80: {  	v8 =	vand.u32 $0x1, v16;
	v9 =	vand.u32 $0x1, v9  }
0x81: {  	v17 =	vshrl.u32 v7, $0x10;
	v4 =	vadd.s32 v8, v4;
	v6 =	vadd.s32 v9, v6  }
0x82: {  	v8 =	vand.u32 $0x1, v17;
	v4 =	vadd.s32 $0x7FFF, v4;
	v6 =	vadd.s32 $0x7FFF, v6  }
0x83: {  	v19 =	vld [tilespmem:$0x1FEF0];
	v7 =	vadd.s32 v8, v7;
	v4 =	vand.u32 $0xFFFF0000, v4;
	v6 =	vand.u32 $0xFFFF0000, v6  }
0x84: {  	v20 =	vld [tilespmem:$0x1FF00];
	v7 =	vadd.s32 $0x7FFF, v7;
	v4 =	vmul.f32 v4, v5;
	v6 =	vmul.f32 v6, v13  }
0x85: {  	v7 =	vand.u32 $0xFFFF0000, v7  }
0x86: {  	v21 =	vld [tilespmem:$0x1FF10];
	v18 =	vmul.f32 v7, v12;
	v4 =	vadd.f32 v6, v4;
	_ =	sdelay $0x1  }
0x87: {  	v4 =	vadd.f32 v18, v4;
	_ =	sdelay $0x1  }
0x88: {  	[tilespmem:$0x140] =	vst v4  }
0x89: {  	v6 =	vld.idx.msk [tilespmem:v19+s2+$0x0], $0xffff  }
0x8a: {  	v7 =	vld.idx.msk [tilespmem:v20+s2+$0x0], $0xffff;
	_ =	sdelay $0x1  }
0x8b: {  	v8 =	vld.idx.msk [tilespmem:v21+s2+$0x0], $0xffff;
	_ =	sdelay $0x2  }
0x8c: {  	v6 =	vmul.f32 v6, v0;
	v7 =	vmul.f32 v7, v0;
	_ =	sdelay $0x1  }
0x8d: {  	v8 =	vmul.f32 v8, v0;
	v22 =	vshrl.u32 v6, $0x10;
	v10 =	vshrl.u32 v7, $0x10  }
0x8e: {  	v9 =	vand.u32 $0x1, v22;
	v10 =	vand.u32 $0x1, v10  }
0x8f: {  	v23 =	vshrl.u32 v8, $0x10;
	v6 =	vadd.s32 v9, v6;
	v7 =	vadd.s32 v10, v7  }
0x90: {  	v9 =	vand.u32 $0x1, v23;
	v6 =	vadd.s32 $0x7FFF, v6;
	v7 =	vadd.s32 $0x7FFF, v7  }
0x91: {  	v25 =	vld [tilespmem:$0x1FF20];
	v8 =	vadd.s32 v9, v8;
	v6 =	vand.u32 $0xFFFF0000, v6;
	v7 =	vand.u32 $0xFFFF0000, v7  }
0x92: {  	v26 =	vld [tilespmem:$0x1FF30];
	v8 =	vadd.s32 $0x7FFF, v8;
	v6 =	vmul.f32 v6, v5;
	v7 =	vmul.f32 v7, v13  }
0x93: {  	v8 =	vand.u32 $0xFFFF0000, v8  }
0x94: {  	v27 =	vld [tilespmem:$0x1FF40];
	v24 =	vmul.f32 v8, v12;
	v6 =	vadd.f32 v7, v6;
	_ =	sdelay $0x1  }
0x95: {  	v6 =	vadd.f32 v24, v6;
	_ =	sdelay $0x1  }
0x96: {  	[tilespmem:$0x150] =	vst v6  }
0x97: {  	v7 =	vld.idx.msk [tilespmem:v25+s2+$0x0], $0xffff  }
0x98: {  	v8 =	vld.idx.msk [tilespmem:v26+s2+$0x0], $0xffff;
	_ =	sdelay $0x1  }
0x99: {  	v9 =	vld.idx.msk [tilespmem:v27+s2+$0x0], $0xffff;
	_ =	sdelay $0x2  }
0x9a: {  	v7 =	vmul.f32 v7, v0;
	v8 =	vmul.f32 v8, v0;
	_ =	sdelay $0x1  }
0x9b: {  	v9 =	vmul.f32 v9, v0;
	v28 =	vshrl.u32 v7, $0x10;
	v11 =	vshrl.u32 v8, $0x10  }
0x9c: {  	v10 =	vand.u32 $0x1, v28;
	v11 =	vand.u32 $0x1, v11  }
0x9d: {  	v29 =	vshrl.u32 v9, $0x10;
	v7 =	vadd.s32 v10, v7;
	v8 =	vadd.s32 v11, v8  }
0x9e: {  	v10 =	vand.u32 $0x1, v29;
	v7 =	vadd.s32 $0x7FFF, v7;
	v8 =	vadd.s32 $0x7FFF, v8  }
0x9f: {  	v31 =	vld [tilespmem:$0x1FF50];
	v9 =	vadd.s32 v10, v9;
	v7 =	vand.u32 $0xFFFF0000, v7;
	v8 =	vand.u32 $0xFFFF0000, v8  }
0xa0: {  	v32 =	vld [tilespmem:$0x1FF60];
	v9 =	vadd.s32 $0x7FFF, v9;
	v7 =	vmul.f32 v7, v5;
	v8 =	vmul.f32 v8, v13  }
0xa1: {  	v9 =	vand.u32 $0xFFFF0000, v9  }
0xa2: {  	v33 =	vld [tilespmem:$0x1FF70];
	v30 =	vmul.f32 v9, v12;
	v7 =	vadd.f32 v8, v7;
	_ =	sdelay $0x1  }
0xa3: {  	v7 =	vadd.f32 v30, v7;
	_ =	sdelay $0x1  }
0xa4: {  	[tilespmem:$0x160] =	vst v7  }
0xa5: {  	v8 =	vld.idx.msk [tilespmem:v31+s2+$0x0], $0xffff  }
0xa6: {  	v9 =	vld.idx.msk [tilespmem:v32+s2+$0x0], $0xffff;
	_ =	sdelay $0x1  }
0xa7: {  	v10 =	vld.idx.msk [tilespmem:v33+s2+$0x0], $0xffff;
	_ =	sdelay $0x2  }
0xa8: {  	v8 =	vmul.f32 v8, v0;
	v9 =	vmul.f32 v9, v0;
	_ =	sdelay $0x1  }
0xa9: {  	v10 =	vmul.f32 v10, v0;
	v34 =	vshrl.u32 v8, $0x10;
	v14 =	vshrl.u32 v9, $0x10  }
0xaa: {  	v11 =	vand.u32 $0x1, v34;
	v14 =	vand.u32 $0x1, v14  }
0xab: {  	v16 =	vshrl.u32 v10, $0x10;
	v8 =	vadd.s32 v11, v8;
	v9 =	vadd.s32 v14, v9  }
0xac: {  	v11 =	vand.u32 $0x1, v16;
	v8 =	vadd.s32 $0x7FFF, v8;
	v9 =	vadd.s32 $0x7FFF, v9  }
0xad: {  	v18 =	vld [tilespmem:$0x1FF80];
	v10 =	vadd.s32 v11, v10;
	v8 =	vand.u32 $0xFFFF0000, v8;
	v9 =	vand.u32 $0xFFFF0000, v9  }
0xae: {  	v19 =	vld [tilespmem:$0x1FF90];
	v10 =	vadd.s32 $0x7FFF, v10;
	v8 =	vmul.f32 v8, v5;
	v9 =	vmul.f32 v9, v13  }
0xaf: {  	v10 =	vand.u32 $0xFFFF0000, v10  }
0xb0: {  	v20 =	vld [tilespmem:$0x1FFA0];
	v17 =	vmul.f32 v10, v12;
	v8 =	vadd.f32 v9, v8;
	_ =	sdelay $0x1  }
0xb1: {  	v8 =	vadd.f32 v17, v8;
	_ =	sdelay $0x1  }
0xb2: {  	[tilespmem:$0x170] =	vst v8  }
0xb3: {  	v9 =	vld.idx.msk [tilespmem:v18+s2+$0x0], $0xffff  }
0xb4: {  	v10 =	vld.idx.msk [tilespmem:v19+s2+$0x0], $0xffff;
	_ =	sdelay $0x1  }
0xb5: {  	v11 =	vld.idx.msk [tilespmem:v20+s2+$0x0], $0xffff;
	_ =	sdelay $0x2  }
0xb6: {  	v9 =	vmul.f32 v9, v0;
	v10 =	vmul.f32 v10, v0;
	_ =	sdelay $0x1  }
0xb7: {  	v11 =	vmul.f32 v11, v0;
	v21 =	vshrl.u32 v9, $0x10;
	v15 =	vshrl.u32 v10, $0x10  }
0xb8: {  	v14 =	vand.u32 $0x1, v21;
	v15 =	vand.u32 $0x1, v15  }
0xb9: {  	v22 =	vshrl.u32 v11, $0x10;
	v9 =	vadd.s32 v14, v9;
	v10 =	vadd.s32 v15, v10  }
0xba: {  	v14 =	vand.u32 $0x1, v22;
	v9 =	vadd.s32 $0x7FFF, v9;
	v10 =	vadd.s32 $0x7FFF, v10  }
0xbb: {  	v24 =	vld [tilespmem:$0x1FFB0];
	v11 =	vadd.s32 v14, v11;
	v9 =	vand.u32 $0xFFFF0000, v9;
	v10 =	vand.u32 $0xFFFF0000, v10  }
0xbc: {  	v25 =	vld [tilespmem:$0x1FFC0];
	v11 =	vadd.s32 $0x7FFF, v11;
	v9 =	vmul.f32 v9, v5;
	v10 =	vmul.f32 v10, v13  }
0xbd: {  	v11 =	vand.u32 $0xFFFF0000, v11  }
0xbe: {  	v26 =	vld [tilespmem:$0x1FFD0];
	v23 =	vmul.f32 v11, v12;
	v9 =	vadd.f32 v10, v9;
	_ =	sdelay $0x1  }
0xbf: {  	v9 =	vadd.f32 v23, v9;
	_ =	sdelay $0x1  }
0xc0: {  	[tilespmem:$0x180] =	vst v9  }
0xc1: {  	v10 =	vld.idx.msk [tilespmem:v24+s2+$0x0], $0xffff  }
0xc2: {  	v11 =	vld.idx.msk [tilespmem:v25+s2+$0x0], $0xffff;
	_ =	sdelay $0x1  }
0xc3: {  	v14 =	vld.idx.msk [tilespmem:v26+s2+$0x0], $0xffff;
	_ =	sdelay $0x2  }
0xc4: {  	v10 =	vmul.f32 v10, v0;
	v11 =	vmul.f32 v11, v0;
	_ =	sdelay $0x1  }
0xc5: {  	v14 =	vmul.f32 v14, v0;
	v27 =	vshrl.u32 v10, $0x10;
	v16 =	vshrl.u32 v11, $0x10  }
0xc6: {  	v15 =	vand.u32 $0x1, v27;
	v16 =	vand.u32 $0x1, v16  }
0xc7: {  	v28 =	vshrl.u32 v14, $0x10;
	v10 =	vadd.s32 v15, v10;
	v11 =	vadd.s32 v16, v11  }
0xc8: {  	v15 =	vand.u32 $0x1, v28;
	v10 =	vadd.s32 $0x7FFF, v10;
	v11 =	vadd.s32 $0x7FFF, v11  }
0xc9: {  	v30 =	vld [tilespmem:$0x1FFE0];
	v14 =	vadd.s32 v15, v14;
	v10 =	vand.u32 $0xFFFF0000, v10;
	v11 =	vand.u32 $0xFFFF0000, v11  }
0xca: {  	v31 =	vld [tilespmem:$0x1FFF0];
	v14 =	vadd.s32 $0x7FFF, v14;
	v10 =	vmul.f32 v10, v5;
	v11 =	vmul.f32 v11, v13  }
0xcb: {  	v14 =	vand.u32 $0xFFFF0000, v14  }
0xcc: {  	v29 =	vmul.f32 v14, v12;
	v10 =	vadd.f32 v11, v10;
	_ =	sdelay $0x1  }
0xcd: {  	v10 =	vadd.f32 v29, v10;
	_ =	sdelay $0x1  }
0xce: {  	[tilespmem:$0x190] =	vst v10  }
0xcf: {  	v11 =	vld.idx.msk [tilespmem:v30+s2+$0x0], $0xffff  }
0xd0: {  	v14 =	vld.idx.msk [tilespmem:v31+s2+$0x0], $0xffff;
	_ =	sdelay $0x1  }
0xd1: {  	v32 =	vld.idx.msk [tilespmem:v35+s2+$0x0], $0xffff;
	_ =	sdelay $0x2  }
0xd2: {  	v11 =	vmul.f32 v11, v0;
	v14 =	vmul.f32 v14, v0;
	_ =	sdelay $0x1  }
0xd3: {  	v15 =	vmul.f32 v32, v0;
	v33 =	vshrl.u32 v11, $0x10;
	v17 =	vshrl.u32 v14, $0x10  }
0xd4: {  	v16 =	vand.u32 $0x1, v33;
	v17 =	vand.u32 $0x1, v17  }
0xd5: {  	v34 =	vshrl.u32 v15, $0x10;
	v11 =	vadd.s32 v16, v11;
	v14 =	vadd.s32 v17, v14  }
0xd6: {  	v16 =	vand.u32 $0x1, v34;
	v11 =	vadd.s32 $0x7FFF, v11;
	v14 =	vadd.s32 $0x7FFF, v14  }
0xd7: {  	v15 =	vadd.s32 v16, v15;
	v11 =	vand.u32 $0xFFFF0000, v11;
	v14 =	vand.u32 $0xFFFF0000, v14  }
0xd8: {  	v15 =	vadd.s32 $0x7FFF, v15;
	v11 =	vmul.f32 v11, v5;
	v14 =	vmul.f32 v14, v13  }
0xd9: {  	v15 =	vand.u32 $0xFFFF0000, v15  }
0xda: {  	v20 =	vmul.f32 v15, v12;
	v11 =	vadd.f32 v14, v11;
	_ =	sdelay $0x1  }
0xdb: {  	v11 =	vadd.f32 v20, v11;
	_ =	sdelay $0x1  }
0xdc: {  	[tilespmem:$0x1A0] =	vst v11  }
0xdd: {  	v21 =	vld.idx.msk [tilespmem:v36+s2+$0x0], $0xffff  }
0xde: {  	v22 =	vld.idx.msk [tilespmem:v37+s2+$0x0], $0xffff;
	_ =	sdelay $0x1  }
0xdf: {  	v23 =	vld.idx.msk [tilespmem:v38+s2+$0x0], $0xffff;
	_ =	sdelay $0x2  }
0xe0: {  	v14 =	vmul.f32 v21, v0;
	v15 =	vmul.f32 v22, v0;
	_ =	sdelay $0x1  }
0xe1: {  	v16 =	vmul.f32 v23, v0;
	v24 =	vshrl.u32 v14, $0x10;
	v18 =	vshrl.u32 v15, $0x10  }
0xe2: {  	v17 =	vand.u32 $0x1, v24;
	v18 =	vand.u32 $0x1, v18  }
0xe3: {  	v25 =	vshrl.u32 v16, $0x10;
	v14 =	vadd.s32 v17, v14;
	v15 =	vadd.s32 v18, v15  }
0xe4: {  	v17 =	vand.u32 $0x1, v25;
	v14 =	vadd.s32 $0x7FFF, v14;
	v15 =	vadd.s32 $0x7FFF, v15  }
0xe5: {  	v16 =	vadd.s32 v17, v16;
	v14 =	vand.u32 $0xFFFF0000, v14;
	v15 =	vand.u32 $0xFFFF0000, v15  }
0xe6: {  	v16 =	vadd.s32 $0x7FFF, v16;
	v5 =	vmul.f32 v14, v5;
	v13 =	vmul.f32 v15, v13  }
0xe7: {  	v26 =	vand.u32 $0xFFFF0000, v16  }
0xe8: {  	v12 =	vmul.f32 v26, v12;
	v5 =	vadd.f32 v13, v5;
	_ =	sdelay $0x1  }
0xe9: {  	v5 =	vadd.f32 v12, v5;
	_ =	sdelay $0x1  }
0xea: {  	(xrf0) =	vmax.scan.msk.f32 $0xffff, v5  }
0xeb: {  	(xrf0) =	vmax.scan.msk.f32 $0xffff, v11  }
0xec: {  	(xrf0) =	vmax.scan.msk.f32 $0xffff, v10  }
0xed: {  	(xrf0) =	vmax.scan.msk.f32 $0xffff, v9  }
0xee: {  	(xrf0) =	vmax.scan.msk.f32 $0xffff, v8  }
0xef: {  	(xrf0) =	vmax.scan.msk.f32 $0xffff, v7  }
0xf0: {  	v27, _, _ =	vpop (xrf0);
	(xrf0) =	vmax.scan.msk.f32 $0xffff, v6  }
0xf1: {  	(v2sf) =	vpush v27, $0xF;
	v28, _, _ =	vpop (xrf0);
	(xrf0) =	vmax.scan.msk.f32 $0xffff, v4  }
0xf2: {  	(v2sf) =	vpush v28, $0xF;
	v29, _, _ =	vpop (xrf0);
	(xrf0) =	vmax.scan.msk.f32 $0xffff, v3  }
0xf3: {  	(v2sf) =	vpush v29, $0xF;
	v30, _, _ =	vpop (xrf0);
	(xrf0) =	vmax.scan.msk.f32 $0xffff, v2  }
0xf4: {  	v12 =	vbroadcast v27, $0xF;
	(v2sf) =	vpush v30, $0xF;
	v31, _, _ =	vpop (xrf0);
	(xrf0) =	vmax.scan.msk.f32 $0xffff, v63  }
0xf5: {  	(v2sf) =	vpush v31, $0xF;
	v32, _, _ =	vpop (xrf0);
	(xrf0) =	vmax.scan.msk.f32 $0xffff, v62  }
0xf6: {  	vm0 =	veq.f32 v5, v12;
	(v2sf) =	vpush v32, $0xF;
	v33, _, _ =	vpop (xrf0)  }
0xf7: {  	v20 =	vnsel vm0, $0xC0000000, v39;
	(v2sf) =	vpush v33, $0xF;
	v19, _, _ =	vpop (xrf0)  }
0xf8: {  	(v2sf) =	vpush v19, $0xF;
	v34, _, _ =	vpop (xrf0)  }
0xf9: {  	(v2sf) =	vpush v34, $0xF;
	v21, _, _ =	vpop (xrf0);
	(xrf0) =	vmin.scan.msk.u32 $0xffff, v20  }
0xfa: {  	(v2sf) =	vpush v21, $0xF;
	v20, _, _ =	vpop (xrf0)  }
0xfb: {  	(v2sf) =	vpush v20, $0xF;
	v22, _, _ =	vpop (xrf0)  }
0xfc: {  	(v2sf) =	vpush v22, $0xF;
	_ =	sdelay $0x1  }
0xfd: {  	v13 =	vbroadcast v28, $0xF  }
0xfe: {  	v14 =	vbroadcast v29, $0xF;
	v23, _, _ =	vpop (xrf0)  }
0xff: {  	vm14 =	veq.f32 v11, v13;
	s8 =	spop (v2sf);
	(v2sf) =	vpush v23, $0xF;
	v23 =	vbroadcast v30, $0xF  }
0x100: {  	v24 =	vnsel vm14, $0xC0000000, v40;
	vm15 =	veq.f32 v10, v14;
	v25 =	vbroadcast v31, $0xF;
	s9 =	spop (v2sf)  }
0x101: {  	v26 =	vnsel vm15, $0xC0000000, v41;
	v27 =	vbroadcast v32, $0xF;
	(xrf0) =	vmin.scan.msk.u32 $0xffff, v24;
	s10 =	spop (v2sf);
	vm4 =	veq.f32 v9, v23  }
0x102: {  	vm5 =	veq.f32 v8, v25;
	v29 =	vbroadcast v33, $0xF;
	(xrf0) =	vmin.scan.msk.u32 $0xffff, v26;
	s11 =	spop (v2sf);
	v28 =	vnsel vm4, $0xC0000000, v42  }
0x103: {  	vm6 =	veq.f32 v7, v27;
	v31 =	vbroadcast v19, $0xF;
	v30 =	vnsel vm5, $0xC0000000, v43;
	s7 =	spop (v2sf);
	(xrf0) =	vmin.scan.msk.u32 $0xffff, v28  }
0x104: {  	v32 =	vnsel vm6, $0xC0000000, v44;
	vm7 =	veq.f32 v6, v29;
	v12 =	vbroadcast v34, $0xF;
	s12 =	spop (v2sf);
	(xrf0) =	vmin.scan.msk.u32 $0xffff, v30  }
0x105: {  	v14 =	vnsel vm7, $0xC0000000, v45;
	vm8 =	veq.f32 v4, v31;
	v33 =	vbroadcast v21, $0xF;
	s14 =	spop (v2sf);
	(xrf0) =	vmin.scan.msk.u32 $0xffff, v32  }
0x106: {  	v34 =	vnsel vm8, $0xC0000000, v46;
	vm9 =	veq.f32 v3, v12;
	v18 =	vbroadcast v20, $0xF;
	s15 =	spop (v2sf);
	(xrf0) =	vmin.scan.msk.u32 $0xffff, v14  }
0x107: {  	v20 =	vnsel vm9, $0xC0000000, v47;
	vm10 =	veq.f32 v2, v33;
	v21 =	vbroadcast v22, $0xF;
	v19, _, _ =	vpop (xrf0);
	s16 =	spop (v2sf);
	(xrf0) =	vmin.scan.msk.u32 $0xffff, v34  }
0x108: {  	vm11 =	veq.f32 v63, v18;
	(v2sf) =	vpush v19, $0xF;
	v22, _, _ =	vpop (xrf0);
	v23 =	vnsel vm10, $0xC0000000, v48;
	s17 =	spop (v2sf);
	(xrf0) =	vmin.scan.msk.u32 $0xffff, v20  }
0x109: {  	v25 =	vnsel vm11, $0xC0000000, v49;
	vm12 =	veq.f32 v62, v21;
	(v2sf) =	vpush v22, $0xF;
	s18 =	spop (v2sf);
	v24, _, _ =	vpop (xrf0);
	(xrf0) =	vmin.scan.msk.u32 $0xffff, v23  }
0x10a: {  	v13 =	vnsel vm12, $0xC0000000, v50;
	s13 =	spop (v2sf);
	(v2sf) =	vpush v24, $0xF;
	v26, _, _ =	vpop (xrf0);
	(xrf0) =	vmin.scan.msk.u32 $0xffff, v25  }
0x10b: {  	p0 =	sgt.f32 s13, $-3.000000010e+38;
	(v2sf) =	vpush v26, $0xF;
	v27, _, _ =	vpop (xrf0);
	(xrf0) =	vmin.scan.msk.u32 $0xffff, v13  }
0x10c: {  	(v2sf) =	vpush v27, $0xF;
	v28, _, _ =	vpop (xrf0)  }
0x10d: {  	s13 =	simm.s32 @!p0 $0xFF61B1E6;
	(v2sf) =	vpush v28, $0xF;
	v29, _, _ =	vpop (xrf0)  }
0x10e: {  	p1 =	sgt.f32 s18, s13;
	(v2sf) =	vpush v29, $0xF;
	v30, _, _ =	vpop (xrf0)  }
0x10f: {  	(v2sf) =	vpush v30, $0xF;
	v31, _, _ =	vpop (xrf0)  }
0x110: {  	s19 =	simm.s32 @!p1 $0x0;
	s13 =	smov.u32 @p1 s18;
	(v2sf) =	vpush v31, $0xF;
	v32, _, _ =	vpop (xrf0)  }
0x111: {  	s19 =	simm.s32 @p1 $0x1;
	p1 =	sgt.f32 s17, s13;
	(v2sf) =	vpush v32, $0xF;
	v33, _, _ =	vpop (xrf0)  }
0x112: {  	(v2sf) =	vpush v33, $0xF  }
0x113: {  	s13 =	smov.u32 @p1 s17  }
0x114: {  	p5 =	sgt.f32 s16, s13;
	_ =	sdelay $0x1  }
0x115: {  	s18 =	simm.s32 @!p1 $0x0;
	s13 =	smov.u32 @p5 s16;
	s16 =	spop (v2sf)  }
0x116: {  	s18 =	simm.s32 @p1 $0x1;
	p6 =	sgt.f32 s15, s13;
	s17 =	spop (v2sf)  }
0x117: {  	[smem:$0x7F7] =	sst s18;
	s18 =	spop (v2sf)  }
0x118: {  	s13 =	smov.u32 @p6 s15;
	s28 =	spop (v2sf)  }
0x119: {  	p3 =	sgt.f32 s14, s13;
	s29 =	spop (v2sf)  }
0x11a: {  	s20 =	spop (v2sf)  }
0x11b: {  	s13 =	smov.u32 @p3 s14;
	s30 =	spop (v2sf)  }
0x11c: {  	p2 =	sgt.f32 s12, s13;
	s21 =	spop (v2sf)  }
0x11d: {  	[smem:$0x7F6] =	sst s19;
	s22 =	spop (v2sf)  }
0x11e: {  	s25 =	sld [smem:$0x7F6];
	s13 =	smov.u32 @p2 s12;
	s31 =	spop (v2sf)  }
0x11f: {  	s23 =	spop (v2sf);
	p1 =	sgt.f32 s7, s13  }
0x120: {  	s26 =	sld [smem:$0x7F7];
	s24 =	spop (v2sf)  }
0x121: {  	p4 =	seq.s32 s25, $0x1;
	s13 =	smov.u32 @p1 s7;
	s7 =	sxor.u32 $0x80000000, s24  }
0x122: {  	s23 =	sxor.u32 $0x80000000, s23;
	s7 =	simm.s32 @!p0 $0x40000000;
	p0 =	sgt.f32 s11, s13  }
0x123: {  	s12 =	sxor.u32 $0x80000000, s31;
	s7 =	smov.u32 @p4 s23;
	p4 =	seq.s32 s26, $0x1  }
0x124: {  	s13 =	smov.u32 @p0 s11;
	s11 =	sxor.u32 $0x80000000, s22;
	s7 =	smov.u32 @p4 s12  }
0x125: {  	s12 =	sxor.u32 $0x80000000, s21;
	p4 =	sgt.f32 s10, s13;
	s7 =	smov.u32 @p5 s11  }
0x126: {  	s11 =	sxor.u32 $0x80000000, s30;
	s7 =	smov.u32 @p6 s12  }
0x127: {  	s13 =	smov.u32 @p4 s10;
	s10 =	sxor.u32 $0x80000000, s20;
	s7 =	smov.u32 @p3 s11  }
0x128: {  	s11 =	sxor.u32 $0x80000000, s29;
	p3 =	sgt.f32 s9, s13;
	s7 =	smov.u32 @p2 s10  }
0x129: {  	s10 =	sxor.u32 $0x80000000, s28;
	s7 =	smov.u32 @p1 s11  }
0x12a: {  	s13 =	smov.u32 @p3 s9;
	s9 =	sxor.u32 $0x80000000, s18;
	s7 =	smov.u32 @p0 s10  }
0x12b: {  	p0 =	sgt.f32 s8, s13;
	s8 =	sxor.u32 $0x80000000, s17;
	s7 =	smov.u32 @p4 s9  }
0x12c: {  	s9 =	sxor.u32 $0x80000000, s16;
	s7 =	smov.u32 @p3 s8  }
0x12d: {  	s7 =	smov.u32 @p0 s9  }
0x12e: {  	v34 =	vmov s7  }
0x12f: {  	vm11 =	veq.s32 v34, v51  }
0x130: {  	vm10 =	veq.s32 v34, v52;
	v13 =	vsel vm11, $0xFF61B1E6, v5  }
0x131: {  	vm8 =	veq.s32 v34, v53;
	v14 =	vsel vm10, $0xFF61B1E6, v11;
	(xrf0) =	vmax.scan.msk.f32 $0xffff, v13  }
0x132: {  	vm9 =	veq.s32 v34, v54;
	v15 =	vsel vm8, $0xFF61B1E6, v10;
	(xrf0) =	vmax.scan.msk.f32 $0xffff, v14  }
0x133: {  	vm7 =	veq.s32 v34, v55;
	v16 =	vsel vm9, $0xFF61B1E6, v9;
	(xrf0) =	vmax.scan.msk.f32 $0xffff, v15  }
0x134: {  	vm6 =	veq.s32 v34, v56;
	v17 =	vsel vm7, $0xFF61B1E6, v8;
	(xrf0) =	vmax.scan.msk.f32 $0xffff, v16  }
0x135: {  	vm3 =	veq.s32 v34, v57;
	v18 =	vsel vm6, $0xFF61B1E6, v7;
	(xrf0) =	vmax.scan.msk.f32 $0xffff, v17  }
0x136: {  	vm0 =	veq.s32 v34, v58;
	v19 =	vsel vm3, $0xFF61B1E6, v6;
	(xrf0) =	vmax.scan.msk.f32 $0xffff, v18  }
0x137: {  	vm1 =	veq.s32 v34, v59;
	v21 =	vsel vm0, $0xFF61B1E6, v4;
	v20, _, _ =	vpop (xrf0);
	(xrf0) =	vmax.scan.msk.f32 $0xffff, v19  }
0x138: {  	vm4 =	veq.s32 v34, v60;
	v23 =	vsel vm1, $0xFF61B1E6, v3;
	(v2sf) =	vpush v20, $0xF;
	v22, _, _ =	vpop (xrf0);
	(xrf0) =	vmax.scan.msk.f32 $0xffff, v21  }
0x139: {  	vm5 =	veq.s32 v34, v61;
	v25 =	vsel vm4, $0xFF61B1E6, v2;
	(v2sf) =	vpush v22, $0xF;
	v24, _, _ =	vpop (xrf0);
	(xrf0) =	vmax.scan.msk.f32 $0xffff, v23  }
0x13a: {  	vm2 =	veq.s32 v34, v1;
	v27 =	vsel vm5, $0xFF61B1E6, v63;
	(v2sf) =	vpush v24, $0xF;
	v26, _, _ =	vpop (xrf0);
	(xrf0) =	vmax.scan.msk.f32 $0xffff, v25  }
0x13b: {  	v28 =	vsel vm2, $0xFF61B1E6, v62;
	(v2sf) =	vpush v26, $0xF;
	v12, _, _ =	vpop (xrf0);
	(xrf0) =	vmax.scan.msk.f32 $0xffff, v27  }
0x13c: {  	(v2sf) =	vpush v12, $0xF;
	v29, _, _ =	vpop (xrf0);
	(xrf0) =	vmax.scan.msk.f32 $0xffff, v28  }
0x13d: {  	(v2sf) =	vpush v29, $0xF;
	v30, _, _ =	vpop (xrf0)  }
0x13e: {  	(v2sf) =	vpush v30, $0xF;
	v31, _, _ =	vpop (xrf0)  }
0x13f: {  	(v2sf) =	vpush v31, $0xF;
	v32, _, _ =	vpop (xrf0)  }
0x140: {  	v20 =	vbroadcast v20, $0xF;
	(v2sf) =	vpush v32, $0xF;
	v33, _, _ =	vpop (xrf0)  }
0x141: {  	(v2sf) =	vpush v33, $0xF;
	v34, _, _ =	vpop (xrf0)  }
0x142: {  	vm12 =	veq.f32 v13, v20;
	(v2sf) =	vpush v34, $0xF;
	v13, _, _ =	vpop (xrf0)  }
0x143: {  	(v2sf) =	vpush v13, $0xF  }
0x144: {  	v20 =	vnsel vm12, $0xC0000000, v39  }
0x145: {  	(xrf0) =	vmin.scan.msk.u32 $0xffff, v20;
	v20 =	vbroadcast v22, $0xF  }
0x146: {  	v24 =	vbroadcast v24, $0xF  }
0x147: {  	v12 =	vbroadcast v12, $0xF;
	vm12 =	veq.f32 v14, v20;
	v14 =	vbroadcast v26, $0xF;
	s9 =	spop (v2sf)  }
0x148: {  	vm13 =	veq.f32 v15, v24;
	v24 =	vbroadcast v29, $0xF;
	v26 =	vnsel vm12, $0xC0000000, v40;
	s10 =	spop (v2sf)  }
0x149: {  	vm14 =	veq.f32 v17, v12;
	vm12 =	veq.f32 v16, v14;
	(xrf0) =	vmin.scan.msk.u32 $0xffff, v26;
	v26 =	vnsel vm13, $0xC0000000, v41;
	s11 =	spop (v2sf)  }
0x14a: {  	v30 =	vbroadcast v30, $0xF;
	v17 =	vnsel vm14, $0xC0000000, v43;
	v14 =	vnsel vm12, $0xC0000000, v42;
	(xrf0) =	vmin.scan.msk.u32 $0xffff, v26;
	s12 =	spop (v2sf)  }
0x14b: {  	v22 =	vbroadcast v32, $0xF;
	vm13 =	veq.f32 v18, v24;
	v18 =	vbroadcast v31, $0xF;
	(xrf0) =	vmin.scan.msk.u32 $0xffff, v14;
	s8 =	spop (v2sf)  }
0x14c: {  	vm12 =	veq.f32 v19, v30;
	v20 =	vnsel vm13, $0xC0000000, v44;
	v26 =	vbroadcast v33, $0xF;
	(xrf0) =	vmin.scan.msk.u32 $0xffff, v17;
	s13 =	spop (v2sf)  }
0x14d: {  	v30 =	vbroadcast v34, $0xF;
	v29, _, _ =	vpop (xrf0);
	vm13 =	veq.f32 v21, v18;
	v24 =	vnsel vm12, $0xC0000000, v45;
	(xrf0) =	vmin.scan.msk.u32 $0xffff, v20;
	s15 =	spop (v2sf)  }
0x14e: {  	vm12 =	veq.f32 v23, v22;
	(v2sf) =	vpush v29, $0xF;
	v29 =	vnsel vm13, $0xC0000000, v46;
	(xrf0) =	vmin.scan.msk.u32 $0xffff, v24;
	s16 =	spop (v2sf)  }
0x14f: {  	v13 =	vbroadcast v13, $0xF;
	v31 =	vnsel vm12, $0xC0000000, v47;
	vm12 =	veq.f32 v25, v26;
	(xrf0) =	vmin.scan.msk.u32 $0xffff, v29;
	v32, _, _ =	vpop (xrf0);
	s17 =	spop (v2sf)  }
0x150: {  	v33 =	vnsel vm12, $0xC0000000, v48;
	vm12 =	veq.f32 v27, v30;
	(v2sf) =	vpush v32, $0xF;
	(xrf0) =	vmin.scan.msk.u32 $0xffff, v31;
	v34, _, _ =	vpop (xrf0);
	s18 =	spop (v2sf)  }
0x151: {  	v16 =	vnsel vm12, $0xC0000000, v49;
	vm12 =	veq.f32 v28, v13;
	(v2sf) =	vpush v34, $0xF;
	(xrf0) =	vmin.scan.msk.u32 $0xffff, v33;
	v17, _, _ =	vpop (xrf0);
	s19 =	spop (v2sf)  }
0x152: {  	v19 =	vnsel vm12, $0xC0000000, v50;
	(v2sf) =	vpush v17, $0xF;
	v18, _, _ =	vpop (xrf0);
	(xrf0) =	vmin.scan.msk.u32 $0xffff, v16;
	s14 =	spop (v2sf)  }
0x153: {  	(v2sf) =	vpush v18, $0xF;
	v20, _, _ =	vpop (xrf0);
	(xrf0) =	vmin.scan.msk.u32 $0xffff, v19;
	p0 =	sgt.f32 s14, $-3.000000010e+38  }
0x154: {  	(v2sf) =	vpush v20, $0xF;
	v21, _, _ =	vpop (xrf0)  }
0x155: {  	(v2sf) =	vpush v21, $0xF;
	v22, _, _ =	vpop (xrf0);
	s14 =	simm.s32 @!p0 $0xFF61B1E6  }
0x156: {  	(v2sf) =	vpush v22, $0xF;
	v23, _, _ =	vpop (xrf0);
	p1 =	sgt.f32 s19, s14  }
0x157: {  	(v2sf) =	vpush v23, $0xF;
	v24, _, _ =	vpop (xrf0)  }
0x158: {  	(v2sf) =	vpush v24, $0xF;
	v25, _, _ =	vpop (xrf0);
	s20 =	simm.s32 @!p1 $0x0;
	s14 =	smov.u32 @p1 s19  }
0x159: {  	(v2sf) =	vpush v25, $0xF;
	v26, _, _ =	vpop (xrf0);
	s20 =	simm.s32 @p1 $0x1;
	p1 =	sgt.f32 s18, s14  }
0x15a: {  	(v2sf) =	vpush v26, $0xF  }
0x15b: {  	s14 =	smov.u32 @p1 s18  }
0x15c: {  	p5 =	sgt.f32 s17, s14;
	_ =	sdelay $0x1  }
0x15d: {  	s19 =	simm.s32 @!p1 $0x0;
	s14 =	smov.u32 @p5 s17;
	s17 =	spop (v2sf)  }
0x15e: {  	s19 =	simm.s32 @p1 $0x1;
	p6 =	sgt.f32 s16, s14;
	s18 =	spop (v2sf)  }
0x15f: {  	[smem:$0x7F9] =	sst s19;
	s19 =	spop (v2sf)  }
0x160: {  	[smem:$0x7F8] =	sst s20;
	s14 =	smov.u32 @p6 s16;
	s16 =	spop (v2sf)  }
0x161: {  	p3 =	sgt.f32 s15, s14;
	s20 =	spop (v2sf)  }
0x162: {  	s21 =	spop (v2sf)  }
0x163: {  	s14 =	smov.u32 @p3 s15;
	s15 =	spop (v2sf)  }
0x164: {  	p2 =	sgt.f32 s13, s14;
	s22 =	spop (v2sf)  }
0x165: {  	s28 =	spop (v2sf)  }
0x166: {  	s31 =	sld [smem:$0x7F8];
	s14 =	smov.u32 @p2 s13;
	s29 =	spop (v2sf)  }
0x167: {  	s30 =	spop (v2sf);
	p1 =	sgt.f32 s8, s14  }
0x168: {  	s26 =	sld [smem:$0x7F9];
	s25 =	spop (v2sf)  }
0x169: {  	p4 =	seq.s32 s31, $0x1;
	s14 =	smov.u32 @p1 s8;
	s8 =	sxor.u32 $0x80000000, s25  }
0x16a: {  	s24 =	sxor.u32 $0x80000000, s30;
	s8 =	simm.s32 @!p0 $0x40000000;
	p0 =	sgt.f32 s12, s14  }
0x16b: {  	s13 =	sxor.u32 $0x80000000, s29;
	s8 =	smov.u32 @p4 s24;
	p4 =	seq.s32 s26, $0x1  }
0x16c: {  	s14 =	smov.u32 @p0 s12;
	s12 =	sxor.u32 $0x80000000, s28;
	s8 =	smov.u32 @p4 s13  }
0x16d: {  	s13 =	sxor.u32 $0x80000000, s22;
	p4 =	sgt.f32 s11, s14;
	s8 =	smov.u32 @p5 s12  }
0x16e: {  	s12 =	sxor.u32 $0x80000000, s15;
	s8 =	smov.u32 @p6 s13  }
0x16f: {  	s14 =	smov.u32 @p4 s11;
	s11 =	sxor.u32 $0x80000000, s21;
	s8 =	smov.u32 @p3 s12  }
0x170: {  	s12 =	sxor.u32 $0x80000000, s20;
	p3 =	sgt.f32 s10, s14;
	s8 =	smov.u32 @p2 s11  }
0x171: {  	s11 =	sxor.u32 $0x80000000, s16;
	s8 =	smov.u32 @p1 s12  }
0x172: {  	s14 =	smov.u32 @p3 s10;
	s10 =	sxor.u32 $0x80000000, s19;
	s8 =	smov.u32 @p0 s11  }
0x173: {  	p0 =	sgt.f32 s9, s14;
	s9 =	sxor.u32 $0x80000000, s18;
	s8 =	smov.u32 @p4 s10  }
0x174: {  	s10 =	sxor.u32 $0x80000000, s17;
	s8 =	smov.u32 @p3 s9  }
0x175: {  	s8 =	smov.u32 @p0 s10  }
0x176: {  	v27 =	vmov s8  }
0x177: {  	vm12 =	veq.s32 v27, v51  }
0x178: {  	vm13 =	veq.s32 v27, v52;
	vm11 =	vmor vm11, vm12  }
0x179: {  	vm10 =	vmor vm10, vm13;
	v13 =	vsel vm11, $0xFF61B1E6, v5  }
0x17a: {  	v11 =	vsel vm10, $0xFF61B1E6, v11;
	(xrf0) =	vmax.scan.msk.f32 $0xffff, v13  }
0x17b: {  	vm14 =	veq.s32 v27, v53;
	vm15 =	veq.s32 v27, v54;
	(xrf0) =	vmax.scan.msk.f32 $0xffff, v11  }
0x17c: {  	vm8 =	vmor vm8, vm14;
	vm9 =	vmor vm9, vm15;
	vm12 =	veq.s32 v27, v55  }
0x17d: {  	vm13 =	veq.s32 v27, v56;
	vm14 =	veq.s32 v27, v57;
	v10 =	vsel vm8, $0xFF61B1E6, v10  }
0x17e: {  	vm15 =	veq.s32 v27, v58;
	v9 =	vsel vm9, $0xFF61B1E6, v9;
	vm7 =	vmor vm7, vm12;
	(xrf0) =	vmax.scan.msk.f32 $0xffff, v10  }
0x17f: {  	vm6 =	vmor vm6, vm13;
	vm3 =	vmor vm3, vm14;
	v8 =	vsel vm7, $0xFF61B1E6, v8;
	(xrf0) =	vmax.scan.msk.f32 $0xffff, v9  }
0x180: {  	vm0 =	vmor vm0, vm15;
	vm8 =	veq.s32 v27, v59;
	v7 =	vsel vm6, $0xFF61B1E6, v7;
	(xrf0) =	vmax.scan.msk.f32 $0xffff, v8;
	v14, _, _ =	vpop (xrf0)  }
0x181: {  	vm10 =	veq.s32 v27, v60;
	vm12 =	veq.s32 v27, v61;
	v6 =	vsel vm3, $0xFF61B1E6, v6;
	v15, _, _ =	vpop (xrf0);
	(xrf0) =	vmax.scan.msk.f32 $0xffff, v7  }
0x182: {  	vm14 =	veq.s32 v27, v1;
	v4 =	vsel vm0, $0xFF61B1E6, v4;
	vm9 =	vmor vm1, vm8;
	(xrf0) =	vmax.scan.msk.f32 $0xffff, v6  }
0x183: {  	vm11 =	vmor vm4, vm10;
	v3 =	vsel vm9, $0xFF61B1E6, v3;
	(v2sf) =	vpush v14, $0xF;
	(xrf0) =	vmax.scan.msk.f32 $0xffff, v4  }
0x184: {  	vm13 =	vmor vm5, vm12;
	v2 =	vsel vm11, $0xFF61B1E6, v2;
	(v2sf) =	vpush v15, $0xF;
	v16, _, _ =	vpop (xrf0);
	(xrf0) =	vmax.scan.msk.f32 $0xffff, v3  }
0x185: {  	vm15 =	vmor vm2, vm14;
	v17 =	vsel vm13, $0xFF61B1E6, v63;
	(v2sf) =	vpush v16, $0xF;
	v28, _, _ =	vpop (xrf0);
	(xrf0) =	vmax.scan.msk.f32 $0xffff, v2  }
0x186: {  	v19 =	vsel vm15, $0xFF61B1E6, v62;
	(v2sf) =	vpush v28, $0xF;
	v29, _, _ =	vpop (xrf0);
	(xrf0) =	vmax.scan.msk.f32 $0xffff, v17  }
0x187: {  	(v2sf) =	vpush v29, $0xF;
	v30, _, _ =	vpop (xrf0);
	(xrf0) =	vmax.scan.msk.f32 $0xffff, v19  }
0x188: {  	(v2sf) =	vpush v30, $0xF;
	v31, _, _ =	vpop (xrf0)  }
0x189: {  	(v2sf) =	vpush v31, $0xF;
	v32, _, _ =	vpop (xrf0)  }
0x18a: {  	(v2sf) =	vpush v32, $0xF;
	v33, _, _ =	vpop (xrf0)  }
0x18b: {  	(v2sf) =	vpush v33, $0xF;
	v34, _, _ =	vpop (xrf0)  }
0x18c: {  	(v2sf) =	vpush v34, $0xF;
	v25, _, _ =	vpop (xrf0)  }
0x18d: {  	(v2sf) =	vpush v25, $0xF;
	v26, _, _ =	vpop (xrf0)  }
0x18e: {  	v14 =	vbroadcast v14, $0xF;
	(v2sf) =	vpush v26, $0xF  }
0x18f: {  	v62 =	vbroadcast v15, $0xF  }
0x190: {  	vm4 =	veq.f32 v13, v14;
	v63 =	vbroadcast v16, $0xF  }
0x191: {  	v14 =	vnsel vm4, $0xC0000000, v39;
	v12 =	vbroadcast v28, $0xF;
	vm5 =	veq.f32 v11, v62  }
0x192: {  	vm6 =	veq.f32 v10, v63;
	v16 =	vnsel vm5, $0xC0000000, v40;
	(xrf0) =	vmin.scan.msk.u32 $0xffff, v14;
	s9 =	spop (v2sf)  }
0x193: {  	vm7 =	veq.f32 v9, v12;
	v20 =	vbroadcast v30, $0xF;
	v14 =	vbroadcast v29, $0xF;
	s10 =	spop (v2sf)  }
0x194: {  	v18 =	vnsel vm6, $0xC0000000, v41;
	v27 =	vnsel vm7, $0xC0000000, v42;
	v28 =	vbroadcast v31, $0xF;
	(xrf0) =	vmin.scan.msk.u32 $0xffff, v16;
	s11 =	spop (v2sf)  }
0x195: {  	vm9 =	veq.f32 v7, v20;
	v31 =	vbroadcast v33, $0xF;
	vm8 =	veq.f32 v8, v14;
	(xrf0) =	vmin.scan.msk.u32 $0xffff, v18;
	s12 =	spop (v2sf)  }
0x196: {  	vm10 =	veq.f32 v6, v28;
	v29 =	vbroadcast v32, $0xF;
	(xrf0) =	vmin.scan.msk.u32 $0xffff, v27;
	v30 =	vnsel vm8, $0xC0000000, v43;
	s13 =	spop (v2sf)  }
0x197: {  	v33 =	vnsel vm10, $0xC0000000, v45;
	v32 =	vnsel vm9, $0xC0000000, v44;
	(xrf0) =	vmin.scan.msk.u32 $0xffff, v30;
	s14 =	spop (v2sf)  }
0x198: {  	v34 =	vbroadcast v34, $0xF;
	vm12 =	veq.f32 v3, v31;
	vm11 =	veq.f32 v4, v29;
	(xrf0) =	vmin.scan.msk.u32 $0xffff, v32;
	v3, _, _ =	vpop (xrf0);
	s16 =	spop (v2sf)  }
0x199: {  	v62 =	vbroadcast v25, $0xF;
	(xrf0) =	vmin.scan.msk.u32 $0xffff, v33;
	(v2sf) =	vpush v3, $0xF;
	v3 =	vnsel vm11, $0xC0000000, v46;
	s17 =	spop (v2sf)  }
0x19a: {  	vm13 =	veq.f32 v2, v34;
	v63 =	vbroadcast v26, $0xF;
	v2, _, _ =	vpop (xrf0);
	(xrf0) =	vmin.scan.msk.u32 $0xffff, v3;
	v3 =	vnsel vm12, $0xC0000000, v47;
	s18 =	spop (v2sf)  }
0x19b: {  	vm14 =	veq.f32 v17, v62;
	(v2sf) =	vpush v2, $0xF;
	v2, _, _ =	vpop (xrf0);
	(xrf0) =	vmin.scan.msk.u32 $0xffff, v3;
	v3 =	vnsel vm13, $0xC0000000, v48;
	s19 =	spop (v2sf)  }
0x19c: {  	vm15 =	veq.f32 v19, v63;
	(v2sf) =	vpush v2, $0xF;
	v2, _, _ =	vpop (xrf0);
	(xrf0) =	vmin.scan.msk.u32 $0xffff, v3;
	v3 =	vnsel vm14, $0xC0000000, v49;
	s20 =	spop (v2sf)  }
0x19d: {  	(v2sf) =	vpush v2, $0xF;
	v2, _, _ =	vpop (xrf0);
	(xrf0) =	vmin.scan.msk.u32 $0xffff, v3;
	v3 =	vnsel vm15, $0xC0000000, v50;
	s15 =	spop (v2sf)  }
0x19e: {  	(v2sf) =	vpush v2, $0xF;
	v2, _, _ =	vpop (xrf0);
	(xrf0) =	vmin.scan.msk.u32 $0xffff, v3;
	p0 =	sgt.f32 s15, $-3.000000010e+38  }
0x19f: {  	(v2sf) =	vpush v2, $0xF;
	v2, _, _ =	vpop (xrf0)  }
0x1a0: {  	(v2sf) =	vpush v2, $0xF;
	v2, _, _ =	vpop (xrf0);
	s15 =	simm.s32 @!p0 $0xFF61B1E6  }
0x1a1: {  	(v2sf) =	vpush v2, $0xF;
	v2, _, _ =	vpop (xrf0);
	p1 =	sgt.f32 s20, s15  }
0x1a2: {  	(v2sf) =	vpush v2, $0xF;
	v2, _, _ =	vpop (xrf0)  }
0x1a3: {  	(v2sf) =	vpush v2, $0xF;
	v2, _, _ =	vpop (xrf0);
	s21 =	simm.s32 @!p1 $0x0;
	s15 =	smov.u32 @p1 s20  }
0x1a4: {  	(v2sf) =	vpush v2, $0xF;
	v2, _, _ =	vpop (xrf0);
	s21 =	simm.s32 @p1 $0x1;
	p1 =	sgt.f32 s19, s15  }
0x1a5: {  	(v2sf) =	vpush v2, $0xF  }
0x1a6: {  	s15 =	smov.u32 @p1 s19  }
0x1a7: {  	p5 =	sgt.f32 s18, s15;
	_ =	sdelay $0x1  }
0x1a8: {  	s20 =	simm.s32 @!p1 $0x0;
	s19 =	spop (v2sf);
	s15 =	smov.u32 @p5 s18  }
0x1a9: {  	s20 =	simm.s32 @p1 $0x1;
	s18 =	spop (v2sf);
	p3 =	sgt.f32 s17, s15  }
0x1aa: {  	[smem:$0x7FB] =	sst s20;
	s20 =	spop (v2sf)  }
0x1ab: {  	[smem:$0x7FA] =	sst s21;
	s21 =	spop (v2sf);
	s15 =	smov.u32 @p3 s17  }
0x1ac: {  	s17 =	spop (v2sf);
	p2 =	sgt.f32 s16, s15  }
0x1ad: {  	s22 =	spop (v2sf)  }
0x1ae: {  	s23 =	spop (v2sf);
	s15 =	smov.u32 @p2 s16  }
0x1af: {  	s16 =	spop (v2sf);
	p6 =	sgt.f32 s14, s15  }
0x1b0: {  	s24 =	spop (v2sf)  }
0x1b1: {  	s30 =	sld [smem:$0x7FA];
	s28 =	spop (v2sf);
	s15 =	smov.u32 @p6 s14  }
0x1b2: {  	s29 =	spop (v2sf);
	p1 =	sgt.f32 s13, s15  }
0x1b3: {  	s31 =	sld [smem:$0x7FB];
	s26 =	spop (v2sf)  }
0x1b4: {  	p4 =	seq.s32 s30, $0x1;
	s15 =	smov.u32 @p1 s13;
	s13 =	sxor.u32 $0x80000000, s26  }
0x1b5: {  	s14 =	sxor.u32 $0x80000000, s29;
	s13 =	simm.s32 @!p0 $0x40000000;
	p0 =	sgt.f32 s12, s15  }
0x1b6: {  	s13 =	smov.u32 @p4 s14;
	s14 =	sxor.u32 $0x80000000, s28;
	p4 =	seq.s32 s31, $0x1  }
0x1b7: {  	s13 =	smov.u32 @p4 s14;
	s15 =	smov.u32 @p0 s12;
	s12 =	sxor.u32 $0x80000000, s24  }
0x1b8: {  	s13 =	smov.u32 @p5 s12;
	p4 =	sgt.f32 s11, s15;
	s12 =	sxor.u32 $0x80000000, s16  }
0x1b9: {  	s13 =	smov.u32 @p3 s12;
	s12 =	sxor.u32 $0x80000000, s23  }
0x1ba: {  	s13 =	smov.u32 @p2 s12;
	s15 =	smov.u32 @p4 s11;
	s11 =	sxor.u32 $0x80000000, s22  }
0x1bb: {  	s13 =	smov.u32 @p6 s11;
	p2 =	sgt.f32 s10, s15;
	s11 =	sxor.u32 $0x80000000, s17  }
0x1bc: {  	s25 =	sld [smem:$0x7FC];
	s13 =	smov.u32 @p1 s11;
	s11 =	sxor.u32 $0x80000000, s21  }
0x1bd: {  	s13 =	smov.u32 @p0 s11;
	s15 =	smov.u32 @p2 s10;
	s10 =	sxor.u32 $0x80000000, s20  }
0x1be: {  	s26 =	sld [smem:$0x7FD];
	s13 =	smov.u32 @p4 s10;
	p0 =	sgt.f32 s9, s15  }
0x1bf: {  	s13 =	smov.u32 @p2 s18  }
0x1c0: {  	s13 =	smov.u32 @p0 s19;
	p0 =	seq.s32 s25, $0x1  }
0x1c1: {  	s13 =	smov.u32 @p0 s8;
	p0 =	seq.s32 s26, $0x1  }
0x1c2: {  	s13 =	smov.u32 @p0 s7  }
0x1c3: {  	s29 =	smul.u32 $0xE000, s13  }
0x1c4: {  	s28 =	rddreg [dreg:$0x7]  }
0x1c5: {  	s7 =	sadd.s32 s28, s29  }
0x1c6: {  	s30 =	rddreg [dreg:$0x8];
	s7 =	sshrl.u32 s7, $0x3  }
0x1c7: {  	[tilespmem:$0x1B0] =	vst v5;
	s7 =	sadd.s32 s30, s7  }
0x1c8: {  	[tilespmem:s6], [sflag:$0x1] =	stream.linear.gather [hbm4b:s7+s2], $0xE000, $0x38;
	[tilespmem:$0xE280] =	vst v63  }
0x1c9: {  	_ =	swait.ge [sflag:s5], $0xE000  }
0x1ca: {  	p0 =	sne.s32 s4, $0x1;
	[sflag:s5] =	ssyncset.done $0x0  }
.Ltmp1:
0x1cb: {  	s31 =	rddreg [dreg:$0x9];
	[sflag:s5] =	ssyncadd.s32 $0xFFFF2000;
	(pc) =	sbr.rel @p0 .LBB2_2-.Ltmp1, $4  }
0x1cc: {  	[hbm4b:s31+s2] =	stream.linear.scatter [tilespmem:s6], [sflag:$0x1], $0xE000, $0x38;
	[tilespmem:$0xE280] =	vst v63  }
0x1cd: {  	_ =	swait.ge [sflag:s5], $0xE000  }
0x1ce: {  	[sflag:s5] =	ssyncset.done $0x0  }
0x1cf: {  	s4 =	sadd.s32 $0xFFFFFFFF, s4;
	[sflag:s5] =	ssyncadd.s32 $0xFFFF2000  }
.LBB2_3:
0x1d0: {  	_ =	sfence.sel $0x180000  }
0x1d1: {  	[bflag:$0x0] =	sbarrier.arrive $0xFFFF  }
0x1d2: {  	p0 =	sne.s32 s3, $0x0;
	_ =	strace $0x90000047  }
0x1d3: {  	s0 =	sadd.s32 @!p0 $0x100000, s0;
	[bflag:$0x2] =	sbarrier.arrive $0xFFFF  }
0x1d4: {  	[sflag:s0] =	ssyncadd.tile.s32 @!p0 $0x1;
	_ =	shalt  }
.Lfunc_end2:
_tile_overlayer_lowered:
.L_overlay_start_2:
0x1d5: {  	(tag) =	ssettag $0x2  }
0x1d6: {  	s0 =	rddreg [dreg:$0x0];
	s2 =	stileid.u32  }
0x1d7: {  	s1 =	rddreg [dreg:$0x1];
	p0 =	sne.s32 s2, $0x0  }
0x1d8: {  	s3 =	rddreg [dreg:$0x2];
	[bflag:$0x3] =	sbarrier.arrive $0xFFFF;
	s2 =	simm.s32 @!p0 $0x1C01  }
0x1d9: {  	[timem:s3], [sflag:s2] =	dma.local @!p0 [hbm:s0], s1  }
0x1da: {  	s0 =	simm.s32 @!p0 $0x1  }
0x1db: {  	_ =	swait.ge @!p0 [sflag:s0], s1  }
0x1dc: {  	s1 =	ssub.s32 @!p0 $0x0, s1;
	[sflag:s0] =	ssyncset.done @!p0 $0x0  }
0x1dd: {  	[sflag:s0] =	ssyncadd.s32 @!p0 s1  }
0x1de: {  	[bflag:$0x3] =	sbarrier.arrive $0xFFFF  }
0x1df: {  	_ =	shalt  }

</sc_bundles>
